<compile_context>
chip_gen: v7x
topology: tpu7x:2x2x1
jax: 0.10.2.dev20260603
libtpu: 0.0.44.dev20260713+nightly
codegen_flags: <defaults>
</compile_context>

<pallas_src>
import functools

import jax
import jax.numpy as jnp
from jax import lax
from jax.experimental import pallas as pl
from jax.experimental.pallas import tpu as pltpu
from jax.experimental.pallas import tpu_sc as plsc

_N = 100_000
_E = 3_200_000
_K = 512
_NF = 16
_NW = 32
_EW = _E // _NW
_BB = 160
_NCH = _EW // _BB
_G = _BB // 16
_RPS = _N // 16
_ZR = 250
_BN = 5000
_NBLK = _N // _BN


def _skew_rows(arr, rowmod, inverse=False):
    out = jnp.zeros_like(arr)
    for sft in range(16):
        sel = (rowmod == sft).astype(arr.dtype)
        rolled = arr if sft == 0 else jnp.roll(
            arr, -sft if inverse else sft, axis=1)
        out = out + sel * rolled
    return out


def _p1_body(pos_ref, wn_ref, bn_ref, x_ref, p8_ref, invh_ref, macc):
    b = pl.program_id(0)
    posb = pos_ref[...]
    x_ref[...] = jnp.dot(posb, wn_ref[...],
                         preferred_element_type=jnp.float32) + bn_ref[...]
    p8_ref[...] = jnp.concatenate(
        [posb, jnp.zeros((_BN, 5), jnp.float32)], axis=1)
    m = jnp.max(jnp.sum(posb * posb, axis=1))
    prev = jnp.where(b == 0, jnp.float32(0.0), macc[0])
    cur = jnp.maximum(prev, m)
    macc[0] = cur
    dmax = 2.0 * jnp.sqrt(cur) + 1e-6
    invh_ref[...] = jnp.full((1, _NF), _K / dmax, jnp.float32)


def _p2_body(invh_ref, w1_ref, b1_ref, w2_ref, b2_ref, w3_ref, b3_ref,
             w4_ref, b4_ref, tab_ref):
    step = 1.0 / invh_ref[0, 0]
    dg = (lax.broadcasted_iota(jnp.int32, (_K, 1), 0).astype(jnp.float32)
          + 0.5) * step
    h = jnp.tanh(jnp.dot(dg, w1_ref[...],
                         preferred_element_type=jnp.float32) + b1_ref[...])
    h = jnp.tanh(jnp.dot(h, w2_ref[...],
                         preferred_element_type=jnp.float32) + b2_ref[...])
    h = jnp.tanh(jnp.dot(h, w3_ref[...],
                         preferred_element_type=jnp.float32) + b3_ref[...])
    filt = jnp.dot(h, w4_ref[...],
                   preferred_element_type=jnp.float32) + b4_ref[...]
    tab_ref[...] = jax.nn.sigmoid(filt)


def _sc_body(src_hbm, dst_hbm, p8_hbm, x_hbm, tab_hbm, invh_hbm,
             out_hbm, srcA, srcB, dstA, dstB, psA, psB, pdA, pdB,
             xsA, xsB, msg_v, tab_v,
             invh_v, zb_v, acc_s, isem0, isem1, gsem0, gsem1):
    c = lax.axis_index("c")
    s = lax.axis_index("s")
    wid = s * 2 + c
    isem = (isem0, isem1)
    gsem = (gsem0, gsem1)
    srcs = (srcA, srcB)
    dsts = (dstA, dstB)
    pss = (psA, psB)
    pds = (pdA, pdB)
    xss = (xsA, xsB)

    pltpu.sync_copy(tab_hbm, tab_v)
    pltpu.sync_copy(invh_hbm, invh_v)

    def _zrow(i, carry):
        zb_v[i, :] = jnp.zeros((16,), jnp.float32)
        return carry
    lax.fori_loop(0, _ZR, _zrow, 0)
    rbase = s * _RPS

    def _zcp(t, carry):
        pltpu.sync_copy(zb_v, acc_s.at[pl.ds(rbase + t * _ZR, _ZR)])
        return carry
    lax.fori_loop(0, _RPS // _ZR, _zcp, 0)
    plsc.subcore_barrier()

    iota16 = lax.iota(jnp.int32, 16)
    invh = invh_v[...]
    cols = [jnp.full((16,), j, jnp.int32) for j in range(16)]
    ebase0 = wid * _EW
    cmax = _NCH - 1

    def issue_idx(cc, b):
        base = ebase0 + jnp.minimum(cc, cmax) * _BB
        pltpu.async_copy(src_hbm.at[pl.ds(base, _BB)], srcs[b], isem[b])
        pltpu.async_copy(dst_hbm.at[pl.ds(base, _BB)], dsts[b], isem[b])

    def wait_idx(b):
        pltpu.make_async_copy(src_hbm.at[pl.ds(0, _BB)], srcs[b],
                              isem[b]).wait()
        pltpu.make_async_copy(dst_hbm.at[pl.ds(0, _BB)], dsts[b],
                              isem[b]).wait()

    def issue_gathers(b):
        pltpu.async_copy(p8_hbm.at[srcs[b]], pss[b], gsem[b])
        pltpu.async_copy(p8_hbm.at[dsts[b]], pds[b], gsem[b])
        pltpu.async_copy(x_hbm.at[srcs[b]], xss[b], gsem[b])

    def wait_gathers(b):
        pltpu.make_async_copy(p8_hbm.at[srcs[b]], pss[b],
                              gsem[b]).wait()
        pltpu.make_async_copy(p8_hbm.at[dsts[b]], pds[b],
                              gsem[b]).wait()
        pltpu.make_async_copy(x_hbm.at[srcs[b]], xss[b],
                              gsem[b]).wait()

    def compute(b):
        ps_v = pss[b]
        pd_v = pds[b]
        xs_v = xss[b]

        def _group(g):
            e = g * 16 + iota16
            sx = plsc.load_gather(ps_v, [e, cols[0]])
            sy = plsc.load_gather(ps_v, [e, cols[1]])
            sz = plsc.load_gather(ps_v, [e, cols[2]])
            tx = plsc.load_gather(pd_v, [e, cols[0]])
            ty = plsc.load_gather(pd_v, [e, cols[1]])
            tz = plsc.load_gather(pd_v, [e, cols[2]])
            dx = sx - tx
            dy = sy - ty
            dz = sz - tz
            u = dx * dx + dy * dy + dz * dz + 1e-12
            r = jnp.int32(0x5F3759DF) - lax.shift_right_logical(
                plsc.bitcast(u, jnp.int32), 1)
            y = plsc.bitcast(r, jnp.float32)
            y = y * (1.5 - 0.5 * u * y * y)
            y = y * (1.5 - 0.5 * u * y * y)
            dist = u * y
            ii = jnp.minimum((dist * invh).astype(jnp.int32), _K - 1)
            msgs = []
            for j in range(16):
                tabj = plsc.load_gather(tab_v, [ii, cols[j]])
                xsj = plsc.load_gather(xs_v, [e, cols[j]])
                msgs.append(tabj * xsj)
            for j in range(16):
                plsc.store_scatter(msg_v, [e, cols[j]], msgs[j])
        plsc.parallel_loop(0, _G, 1, unroll=1)(_group)
        pltpu.sync_copy(msg_v, acc_s.at[dsts[b]], add=True)

    issue_idx(0, 0)
    issue_idx(1, 1)
    wait_idx(0)
    issue_gathers(0)

    def _pair(it, carry):
        for b in (0, 1):
            cc = it * 2 + b
            wait_gathers(b)
            wait_idx(1 - b)
            issue_gathers(1 - b)
            compute(b)
            issue_idx(cc + 2, b)
        return carry
    lax.fori_loop(0, _NCH // 2, _pair, 0)
    wait_gathers(0)
    wait_idx(1)
    compute(0)
    plsc.subcore_barrier()

    obase = c * _N + s * _RPS

    def _ocp(t, carry):
        pltpu.sync_copy(acc_s.at[pl.ds(rbase + t * _ZR, _ZR)], zb_v)
        pltpu.sync_copy(zb_v, out_hbm.at[pl.ds(obase + t * _ZR, _ZR)])
        return carry
    lax.fori_loop(0, _RPS // _ZR, _ocp, 0)


def _t1_body(a0_ref, a1_ref, t_ref, stats_ref, sacc):
    b = pl.program_id(0)
    t = jnp.tanh(a0_ref[...] + a1_ref[...])
    t_ref[...] = t
    s1 = jnp.sum(t, axis=0, keepdims=True)
    s2 = jnp.sum(t * t, axis=0, keepdims=True)
    cur = jnp.concatenate([s1, s2], axis=0)
    prev = jnp.where(b == 0, jnp.zeros((2, _NF), jnp.float32), sacc[...])
    tot = prev + cur
    sacc[...] = tot
    stats_ref[...] = tot


def _t2_body(t_ref, stats_ref, gam_ref, bet_ref, wt_ref, bo_ref, out_ref):
    t = t_ref[...]
    mean = stats_ref[0:1, :] * (1.0 / _N)
    var = stats_ref[1:2, :] * (1.0 / _N) - mean * mean
    rstd = 1.0 / jnp.sqrt(var + 1e-5)
    xn = (t - mean) * rstd * gam_ref[...] + bet_ref[...]
    ls = []
    for k in range(3):
        lk = jnp.sum(xn * wt_ref[k:k + 1, :], axis=1, keepdims=True)
        ls.append(lk + bo_ref[k, 0])
    m = jnp.maximum(jnp.maximum(ls[0], ls[1]), ls[2])
    ssum = (jnp.exp(ls[0] - m) + jnp.exp(ls[1] - m) + jnp.exp(ls[2] - m))
    lse = m + jnp.log(ssum)
    out_ref[...] = jnp.concatenate([lk - lse for lk in ls], axis=1)


def kernel(pos, W_node, b_node, Wf1, bf1, Wf2, bf2, Wf3, bf3, Wf4, bf4,
           gamma, beta, W_out, b_out, edge_index):
    f32 = jnp.float32
    src = edge_index[0]
    dst = edge_index[1]

    x16, p8, invh = pl.pallas_call(
        _p1_body,
        grid=(_NBLK,),
        in_specs=[
            pl.BlockSpec((_BN, 3), lambda b: (b, 0)),
            pl.BlockSpec((3, _NF), lambda b: (0, 0)),
            pl.BlockSpec((1, _NF), lambda b: (0, 0)),
        ],
        out_specs=[
            pl.BlockSpec((_BN, _NF), lambda b: (b, 0)),
            pl.BlockSpec((_BN, 8), lambda b: (b, 0)),
            pl.BlockSpec((1, _NF), lambda b: (0, 0)),
        ],
        out_shape=[
            jax.ShapeDtypeStruct((_N, _NF), f32),
            jax.ShapeDtypeStruct((_N, 8), f32),
            jax.ShapeDtypeStruct((1, _NF), f32),
        ],
        scratch_shapes=[pltpu.SMEM((1,), f32)],
    )(pos, W_node, b_node.reshape(1, _NF))

    tab = pl.pallas_call(
        _p2_body,
        out_shape=jax.ShapeDtypeStruct((_K, _NF), f32),
    )(invh, Wf1, bf1.reshape(1, 32), Wf2, bf2.reshape(1, 32),
      Wf3, bf3.reshape(1, 32), Wf4, bf4.reshape(1, _NF))

    mesh = plsc.VectorSubcoreMesh(core_axis_name="c", subcore_axis_name="s")
    acc2 = pl.kernel(
        _sc_body,
        out_type=jax.ShapeDtypeStruct((2 * _N, _NF), f32),
        mesh=mesh,
        compiler_params=pltpu.CompilerParams(use_tc_tiling_on_sc=False,
                                             needs_layout_passes=False),
        scratch_types=[
            pltpu.VMEM((_BB,), jnp.int32),
            pltpu.VMEM((_BB,), jnp.int32),
            pltpu.VMEM((_BB,), jnp.int32),
            pltpu.VMEM((_BB,), jnp.int32),
            pltpu.VMEM((_BB, 8), f32),
            pltpu.VMEM((_BB, 8), f32),
            pltpu.VMEM((_BB, 8), f32),
            pltpu.VMEM((_BB, 8), f32),
            pltpu.VMEM((_BB, _NF), f32),
            pltpu.VMEM((_BB, _NF), f32),
            pltpu.VMEM((_BB, _NF), f32),
            pltpu.VMEM((_K, _NF), f32),
            pltpu.VMEM((_NF,), f32),
            pltpu.VMEM((_ZR, _NF), f32),
            pltpu.VMEM_SHARED((_N, _NF), f32),
            pltpu.SemaphoreType.DMA,
            pltpu.SemaphoreType.DMA,
            pltpu.SemaphoreType.DMA,
            pltpu.SemaphoreType.DMA,
        ],
    )(src, dst, p8, x16, tab, invh.reshape(_NF))

    t, stats = pl.pallas_call(
        _t1_body,
        grid=(_NBLK,),
        in_specs=[
            pl.BlockSpec((_BN, _NF), lambda b: (b, 0)),
            pl.BlockSpec((_BN, _NF), lambda b: (b, 0)),
        ],
        out_specs=[
            pl.BlockSpec((_BN, _NF), lambda b: (b, 0)),
            pl.BlockSpec((2, _NF), lambda b: (0, 0)),
        ],
        out_shape=[
            jax.ShapeDtypeStruct((_N, _NF), f32),
            jax.ShapeDtypeStruct((2, _NF), f32),
        ],
        scratch_shapes=[pltpu.VMEM((2, _NF), f32)],
    )(acc2[:_N], acc2[_N:])

    out = pl.pallas_call(
        _t2_body,
        grid=(_NBLK,),
        in_specs=[
            pl.BlockSpec((_BN, _NF), lambda b: (b, 0)),
            pl.BlockSpec((2, _NF), lambda b: (0, 0)),
            pl.BlockSpec((1, _NF), lambda b: (0, 0)),
            pl.BlockSpec((1, _NF), lambda b: (0, 0)),
            pl.BlockSpec((3, _NF), lambda b: (0, 0)),
            pl.BlockSpec((3, 1), lambda b: (0, 0)),
        ],
        out_specs=pl.BlockSpec((_BN, 3), lambda b: (b, 0)),
        out_shape=jax.ShapeDtypeStruct((_N, 3), f32),
    )(t, stats, gamma.reshape(1, _NF), beta.reshape(1, _NF),
      W_out.T, b_out.reshape(3, 1))
    return out

# --- scband reference (transcript-rebuilt; emitter-appended) ---
"""Pipeline reference for scband-gated-conv-model-56152402428537 (READ-ONLY COPY).

The authoritative reference and input builder live on the scoring server;
editing this copy changes nothing except your own understanding.
"""

import jax, jax.numpy as jnp
import numpy as np

N_NODES = 100000
N_EDGES = 3200000
N_ATOM_BASIS = 16
N_FILTERS = 32
N_OUTPUTS = 3


def setup_inputs(seed: int = 0) -> dict:
    key = jax.random.key(seed)
    ks = jax.random.split(key, 14)
    pos = jax.random.normal(ks[0], (N_NODES, 3), dtype=jnp.float32)
    edge_index = jax.random.randint(ks[1], (2, N_EDGES), 0, N_NODES, dtype=jnp.int32)
    def lin(k, fan_in, fan_out):
        s = 1.0 / np.sqrt(fan_in)
        return jax.random.uniform(k, (fan_in, fan_out), dtype=jnp.float32, minval=-s, maxval=s)
    # node_features: Linear(3, 16)
    W_node = lin(ks[2], 3, N_ATOM_BASIS)
    b_node = jnp.zeros((N_ATOM_BASIS,), dtype=jnp.float32)
    # filter_network: FullyConnectedNet over pairwise distances -> per-edge gate of width n_atom_basis
    Wf1 = lin(ks[3], 1, N_FILTERS); bf1 = jnp.zeros((N_FILTERS,), dtype=jnp.float32)
    Wf2 = lin(ks[4], N_FILTERS, N_FILTERS); bf2 = jnp.zeros((N_FILTERS,), dtype=jnp.float32)
    Wf3 = lin(ks[5], N_FILTERS, N_FILTERS); bf3 = jnp.zeros((N_FILTERS,), dtype=jnp.float32)
    Wf4 = lin(ks[6], N_FILTERS, N_ATOM_BASIS); bf4 = jnp.zeros((N_ATOM_BASIS,), dtype=jnp.float32)
    # atom_wise: BatchNorm1d(16) + Linear(16, 3) + LogSoftmax
    gamma = jnp.ones((N_ATOM_BASIS,), dtype=jnp.float32)
    beta = jnp.zeros((N_ATOM_BASIS,), dtype=jnp.float32)
    W_out = lin(ks[7], N_ATOM_BASIS, N_OUTPUTS)
    b_out = jnp.zeros((N_OUTPUTS,), dtype=jnp.float32)
    return {
        'pos': pos, 'W_node': W_node, 'b_node': b_node,
        'Wf1': Wf1, 'bf1': bf1, 'Wf2': Wf2, 'bf2': bf2,
        'Wf3': Wf3, 'bf3': bf3, 'Wf4': Wf4, 'bf4': bf4,
        'gamma': gamma, 'beta': beta, 'W_out': W_out, 'b_out': b_out,
        'edge_index': edge_index,
    }


def reference(pos, W_node, b_node, Wf1, bf1, Wf2, bf2, Wf3, bf3, Wf4, bf4, gamma, beta, W_out, b_out, edge_index):
    # node embedding from positions
    x = pos @ W_node + b_node  # [N, 16]
    src = edge_index[0]
    dst = edge_index[1]
    # pairwise distances along precomputed radius-graph edges
    diff = pos[src] - pos[dst]
    pairwise_dist = jnp.sqrt(jnp.sum(diff * diff, axis=-1, keepdims=True) + 1e-12)  # [E, 1]
    # filter network (FullyConnectedNet with tanh hidden activations)
    h = jnp.tanh(pairwise_dist @ Wf1 + bf1)
    h = jnp.tanh(h @ Wf2 + bf2)
    h = jnp.tanh(h @ Wf3 + bf3)
    filt = h @ Wf4 + bf4  # [E, 16]
    # gated convolution: sigmoid gate on messages, tanh on aggregated scalars
    gate = jax.nn.sigmoid(filt)
    msg = gate * x[src]  # gather + elementwise [E, 16]
    agg = jax.ops.segment_sum(msg, dst, num_segments=N_NODES)  # scatter-add [N, 16]
    x = jnp.tanh(agg)
    # atom_wise head: BatchNorm1d (batch statistics) + Linear + LogSoftmax
    mean = jnp.mean(x, axis=0)
    var = jnp.var(x, axis=0)
    xn = (x - mean) / jnp.sqrt(var + 1e-5) * gamma + beta
    logits = xn @ W_out + b_out
    out = jax.nn.log_softmax(logits, axis=1)
    return out

if __name__ == "__main__":
    import jax
    _d = setup_inputs()
    print(jax.jit(kernel)(*tuple(_d.values())))

</pallas_src>

<mosaic_0001>
#map = affine_map<(d0, d1) -> (0)>
#map1 = affine_map<(d0, d1) -> (0, 0)>
module attributes {stable_mosaic.version = 14 : i64} {
  func.func @_sc_body(%arg0: i32, %arg1: i32, %arg2: memref<3200000xi32, #tpu.memory_space<hbm>>, %arg3: memref<3200000xi32, #tpu.memory_space<hbm>>, %arg4: memref<100000x8xf32, #tpu.memory_space<hbm>>, %arg5: memref<100000x16xf32, #tpu.memory_space<hbm>>, %arg6: memref<512x16xf32, #tpu.memory_space<hbm>>, %arg7: memref<16xf32, #tpu.memory_space<hbm>>, %arg8: memref<200000x16xf32, #tpu.memory_space<hbm>>, %arg9: memref<160xi32, #tpu.memory_space<vmem>>, %arg10: memref<160xi32, #tpu.memory_space<vmem>>, %arg11: memref<160xi32, #tpu.memory_space<vmem>>, %arg12: memref<160xi32, #tpu.memory_space<vmem>>, %arg13: memref<160x8xf32, #tpu.memory_space<vmem>>, %arg14: memref<160x8xf32, #tpu.memory_space<vmem>>, %arg15: memref<160x8xf32, #tpu.memory_space<vmem>>, %arg16: memref<160x8xf32, #tpu.memory_space<vmem>>, %arg17: memref<160x16xf32, #tpu.memory_space<vmem>>, %arg18: memref<160x16xf32, #tpu.memory_space<vmem>>, %arg19: memref<160x16xf32, #tpu.memory_space<vmem>>, %arg20: memref<512x16xf32, #tpu.memory_space<vmem>>, %arg21: memref<16xf32, #tpu.memory_space<vmem>>, %arg22: memref<250x16xf32, #tpu.memory_space<vmem>>, %arg23: memref<100000x16xf32, #tpu.memory_space<vmem_shared>>, %arg24: memref<!tpu.dma_semaphore, #tpu.memory_space<semaphore_mem>>, %arg25: memref<!tpu.dma_semaphore, #tpu.memory_space<semaphore_mem>>, %arg26: memref<!tpu.dma_semaphore, #tpu.memory_space<semaphore_mem>>, %arg27: memref<!tpu.dma_semaphore, #tpu.memory_space<semaphore_mem>>) attributes {dimension_semantics = [#tpu.dimension_semantics<core_parallel>, #tpu.dimension_semantics<subcore_parallel>], iteration_bounds = array<i64: 2, 16>, scalar_prefetch = 0 : i64, scratch_operands = 19 : i64, tpu.core_type = #tpu.core_type<sc_vector_subcore>, window_params = [{transform_indices = #map}, {transform_indices = #map}, {transform_indices = #map1}, {transform_indices = #map1}, {transform_indices = #map1}, {transform_indices = #map}, {transform_indices = #map1}]} {
    %mul3A = arith.constant 2 : i32
    %mul3A_0 = arith.muli %arg1, %mul3A : i32
    %add3A = arith.addi %mul3A_0, %arg0 : i32
    "tpu.region"() ({
      %run_scoped3A = tpu.sem_alloc : memref<!tpu.dma_semaphore, #tpu.memory_space<semaphore_mem>>
      tpu.enqueue_dma source(%arg6 : memref<512x16xf32, #tpu.memory_space<hbm>>) target(%arg20 : memref<512x16xf32, #tpu.memory_space<vmem>>) target_semaphore(%run_scoped3A : memref<!tpu.dma_semaphore, #tpu.memory_space<semaphore_mem>>)
      tpu.wait_dma2 semaphore(%run_scoped3A : memref<!tpu.dma_semaphore, #tpu.memory_space<semaphore_mem>>) src(%arg6 : memref<512x16xf32, #tpu.memory_space<hbm>>) dst(%arg20 : memref<512x16xf32, #tpu.memory_space<vmem>>)
      tpu.yield
    }) : () -> ()
    "tpu.region"() ({
      %run_scoped3A = tpu.sem_alloc : memref<!tpu.dma_semaphore, #tpu.memory_space<semaphore_mem>>
      tpu.enqueue_dma source(%arg7 : memref<16xf32, #tpu.memory_space<hbm>>) target(%arg21 : memref<16xf32, #tpu.memory_space<vmem>>) target_semaphore(%run_scoped3A : memref<!tpu.dma_semaphore, #tpu.memory_space<semaphore_mem>>)
      tpu.wait_dma2 semaphore(%run_scoped3A : memref<!tpu.dma_semaphore, #tpu.memory_space<semaphore_mem>>) src(%arg7 : memref<16xf32, #tpu.memory_space<hbm>>) dst(%arg21 : memref<16xf32, #tpu.memory_space<vmem>>)
      tpu.yield
    }) : () -> ()
    %scan3A = arith.constant 0 : i32
    %scan3A_1 = arith.constant 0 : i32
    %scan3A_2 = arith.constant 250 : i32
    %scan3A_3 = arith.addi %scan3A_1, %scan3A_2 : i32
    %scan3A_4 = arith.constant 1 : i32
    scf.for %scan3A_119 = %scan3A_1 to %scan3A_3 step %scan3A_4  : i32 {
      %broadcast_in_dim3A_120 = arith.constant 0.000000e+00 : f32
      %broadcast_in_dim3A_121 = vector.broadcast %broadcast_in_dim3A_120 : f32 to vector<16xf32>
      %swap3A = arith.index_cast %scan3A_119 : i32 to index
      %swap3A_122 = arith.constant 0 : index
      %swap3A_123 = tpu.vector_load %arg22[%swap3A, %swap3A_122] {strides = array<i32>} : memref<250x16xf32, #tpu.memory_space<vmem>>, vector<16xf32>,
      tpu.vector_store %arg22[%swap3A, %swap3A_122], %broadcast_in_dim3A_121 {strides = array<i32>} : memref<250x16xf32, #tpu.memory_space<vmem>>, vector<16xf32>,
    }
    %scan3A_5 = arith.constant 250 : i32
    %mul3A_6 = arith.constant 6250 : i32
    %mul3A_7 = arith.muli %arg1, %mul3A_6 : i32
    %scan3A_8 = arith.constant 0 : i32
    %scan3A_9 = arith.constant 0 : i32
    %scan3A_10 = arith.constant 25 : i32
    %scan3A_11 = arith.addi %scan3A_9, %scan3A_10 : i32
    %scan3A_12 = arith.constant 1 : i32
    scf.for %scan3A_119 = %scan3A_9 to %scan3A_11 step %scan3A_12  : i32 {
      %mul3A_120 = arith.constant 250 : i32
      %mul3A_121 = arith.muli %scan3A_119, %mul3A_120 : i32
      %add3A_122 = arith.addi %mul3A_7, %mul3A_121 : i32
      "tpu.region"() ({
        %run_scoped3A = tpu.sem_alloc : memref<!tpu.dma_semaphore, #tpu.memory_space<semaphore_mem>>
        %dma_start3A_123 = arith.constant 0 : i32
        %dma_start3A_124 = tpu.memref_slice %arg23[%add3A_122, %dma_start3A_123] : memref<100000x16xf32, #tpu.memory_space<vmem_shared>> -> memref<250x16xf32, #tpu.memory_space<vmem_shared>>
        %dma_start3A_125 = arith.constant 0 : i32
        %dma_start3A_126 = tpu.memref_slice %arg23[%add3A_122, %dma_start3A_125] : memref<100000x16xf32, #tpu.memory_space<vmem_shared>> -> memref<250x16xf32, #tpu.memory_space<vmem_shared>>
        tpu.enqueue_dma source(%arg22 : memref<250x16xf32, #tpu.memory_space<vmem>>) target(%dma_start3A_126 : memref<250x16xf32, #tpu.memory_space<vmem_shared>>) target_semaphore(%run_scoped3A : memref<!tpu.dma_semaphore, #tpu.memory_space<semaphore_mem>>)
        %dma_wait3A_127 = arith.constant 0 : i32
        %dma_wait3A_128 = tpu.memref_slice %arg23[%add3A_122, %dma_wait3A_127] : memref<100000x16xf32, #tpu.memory_space<vmem_shared>> -> memref<250x16xf32, #tpu.memory_space<vmem_shared>>
        %dma_wait3A_129 = arith.constant 0 : i32
        %dma_wait3A_130 = tpu.memref_slice %arg23[%add3A_122, %dma_wait3A_129] : memref<100000x16xf32, #tpu.memory_space<vmem_shared>> -> memref<250x16xf32, #tpu.memory_space<vmem_shared>>
        tpu.wait_dma2 semaphore(%run_scoped3A : memref<!tpu.dma_semaphore, #tpu.memory_space<semaphore_mem>>) src(%arg22 : memref<250x16xf32, #tpu.memory_space<vmem>>) dst(%dma_wait3A_130 : memref<250x16xf32, #tpu.memory_space<vmem_shared>>)
        tpu.yield
      }) : () -> ()
    }
    %scan3A_13 = arith.constant 25 : i32
    %barrier3A = arith.constant 0 : index
    tpu.barrier barrier_id(%barrier3A)
    %iota3A = tpu.iota {dimensions = array<i32: 0>} : vector<16xi32>
    %get3A = arith.constant 0 : index
    %get3A_14 = tpu.vector_load %arg21[%get3A] {strides = array<i32>} : memref<16xf32, #tpu.memory_space<vmem>>, vector<16xf32>,
    %broadcast_in_dim3A = arith.constant 0 : i32
    %broadcast_in_dim3A_15 = vector.broadcast %broadcast_in_dim3A : i32 to vector<16xi32>
    %broadcast_in_dim3A_16 = arith.constant 1 : i32
    %broadcast_in_dim3A_17 = vector.broadcast %broadcast_in_dim3A_16 : i32 to vector<16xi32>
    %broadcast_in_dim3A_18 = arith.constant 2 : i32
    %broadcast_in_dim3A_19 = vector.broadcast %broadcast_in_dim3A_18 : i32 to vector<16xi32>
    %broadcast_in_dim3A_20 = arith.constant 3 : i32
    %broadcast_in_dim3A_21 = vector.broadcast %broadcast_in_dim3A_20 : i32 to vector<16xi32>
    %broadcast_in_dim3A_22 = arith.constant 4 : i32
    %broadcast_in_dim3A_23 = vector.broadcast %broadcast_in_dim3A_22 : i32 to vector<16xi32>
    %broadcast_in_dim3A_24 = arith.constant 5 : i32
    %broadcast_in_dim3A_25 = vector.broadcast %broadcast_in_dim3A_24 : i32 to vector<16xi32>
    %broadcast_in_dim3A_26 = arith.constant 6 : i32
    %broadcast_in_dim3A_27 = vector.broadcast %broadcast_in_dim3A_26 : i32 to vector<16xi32>
    %broadcast_in_dim3A_28 = arith.constant 7 : i32
    %broadcast_in_dim3A_29 = vector.broadcast %broadcast_in_dim3A_28 : i32 to vector<16xi32>
    %broadcast_in_dim3A_30 = arith.constant 8 : i32
    %broadcast_in_dim3A_31 = vector.broadcast %broadcast_in_dim3A_30 : i32 to vector<16xi32>
    %broadcast_in_dim3A_32 = arith.constant 9 : i32
    %broadcast_in_dim3A_33 = vector.broadcast %broadcast_in_dim3A_32 : i32 to vector<16xi32>
    %broadcast_in_dim3A_34 = arith.constant 10 : i32
    %broadcast_in_dim3A_35 = vector.broadcast %broadcast_in_dim3A_34 : i32 to vector<16xi32>
    %broadcast_in_dim3A_36 = arith.constant 11 : i32
    %broadcast_in_dim3A_37 = vector.broadcast %broadcast_in_dim3A_36 : i32 to vector<16xi32>
    %broadcast_in_dim3A_38 = arith.constant 12 : i32
    %broadcast_in_dim3A_39 = vector.broadcast %broadcast_in_dim3A_38 : i32 to vector<16xi32>
    %broadcast_in_dim3A_40 = arith.constant 13 : i32
    %broadcast_in_dim3A_41 = vector.broadcast %broadcast_in_dim3A_40 : i32 to vector<16xi32>
    %broadcast_in_dim3A_42 = arith.constant 14 : i32
    %broadcast_in_dim3A_43 = vector.broadcast %broadcast_in_dim3A_42 : i32 to vector<16xi32>
    %broadcast_in_dim3A_44 = arith.constant 15 : i32
    %broadcast_in_dim3A_45 = vector.broadcast %broadcast_in_dim3A_44 : i32 to vector<16xi32>
    %mul3A_46 = arith.constant 100000 : i32
    %mul3A_47 = arith.muli %add3A, %mul3A_46 : i32
    %min3A = arith.constant 0 : i32
    %min3A_48 = arith.constant 624 : i32
    %min3A_49 = arith.minsi %min3A, %min3A_48 : i32
    %mul3A_50 = arith.constant 160 : i32
    %mul3A_51 = arith.muli %min3A_49, %mul3A_50 : i32
    %add3A_52 = arith.addi %mul3A_47, %mul3A_51 : i32
    %dma_start3A = tpu.memref_slice %arg2[%add3A_52] : memref<3200000xi32, #tpu.memory_space<hbm>> -> memref<160xi32, #tpu.memory_space<hbm>>
    %dma_start3A_53 = tpu.memref_slice %arg2[%add3A_52] : memref<3200000xi32, #tpu.memory_space<hbm>> -> memref<160xi32, #tpu.memory_space<hbm>>
    tpu.enqueue_dma source(%dma_start3A_53 : memref<160xi32, #tpu.memory_space<hbm>>) target(%arg9 : memref<160xi32, #tpu.memory_space<vmem>>) target_semaphore(%arg24 : memref<!tpu.dma_semaphore, #tpu.memory_space<semaphore_mem>>)
    %dma_start3A_54 = tpu.memref_slice %arg3[%add3A_52] : memref<3200000xi32, #tpu.memory_space<hbm>> -> memref<160xi32, #tpu.memory_space<hbm>>
    %dma_start3A_55 = tpu.memref_slice %arg3[%add3A_52] : memref<3200000xi32, #tpu.memory_space<hbm>> -> memref<160xi32, #tpu.memory_space<hbm>>
    tpu.enqueue_dma source(%dma_start3A_55 : memref<160xi32, #tpu.memory_space<hbm>>) target(%arg11 : memref<160xi32, #tpu.memory_space<vmem>>) target_semaphore(%arg24 : memref<!tpu.dma_semaphore, #tpu.memory_space<semaphore_mem>>)
    %min3A_56 = arith.constant 1 : i32
    %min3A_57 = arith.constant 624 : i32
    %min3A_58 = arith.minsi %min3A_56, %min3A_57 : i32
    %mul3A_59 = arith.constant 160 : i32
    %mul3A_60 = arith.muli %min3A_58, %mul3A_59 : i32
    %add3A_61 = arith.addi %mul3A_47, %mul3A_60 : i32
    %dma_start3A_62 = tpu.memref_slice %arg2[%add3A_61] : memref<3200000xi32, #tpu.memory_space<hbm>> -> memref<160xi32, #tpu.memory_space<hbm>>
    %dma_start3A_63 = tpu.memref_slice %arg2[%add3A_61] : memref<3200000xi32, #tpu.memory_space<hbm>> -> memref<160xi32, #tpu.memory_space<hbm>>
    tpu.enqueue_dma source(%dma_start3A_63 : memref<160xi32, #tpu.memory_space<hbm>>) target(%arg10 : memref<160xi32, #tpu.memory_space<vmem>>) target_semaphore(%arg25 : memref<!tpu.dma_semaphore, #tpu.memory_space<semaphore_mem>>)
    %dma_start3A_64 = tpu.memref_slice %arg3[%add3A_61] : memref<3200000xi32, #tpu.memory_space<hbm>> -> memref<160xi32, #tpu.memory_space<hbm>>
    %dma_start3A_65 = tpu.memref_slice %arg3[%add3A_61] : memref<3200000xi32, #tpu.memory_space<hbm>> -> memref<160xi32, #tpu.memory_space<hbm>>
    tpu.enqueue_dma source(%dma_start3A_65 : memref<160xi32, #tpu.memory_space<hbm>>) target(%arg12 : memref<160xi32, #tpu.memory_space<vmem>>) target_semaphore(%arg25 : memref<!tpu.dma_semaphore, #tpu.memory_space<semaphore_mem>>)
    %dma_wait3A = arith.constant 0 : i32
    %dma_wait3A_66 = tpu.memref_slice %arg2[%dma_wait3A] : memref<3200000xi32, #tpu.memory_space<hbm>> -> memref<160xi32, #tpu.memory_space<hbm>>
    %dma_wait3A_67 = arith.constant 0 : i32
    %dma_wait3A_68 = tpu.memref_slice %arg2[%dma_wait3A_67] : memref<3200000xi32, #tpu.memory_space<hbm>> -> memref<160xi32, #tpu.memory_space<hbm>>
    tpu.wait_dma2 semaphore(%arg24 : memref<!tpu.dma_semaphore, #tpu.memory_space<semaphore_mem>>) src(%dma_wait3A_68 : memref<160xi32, #tpu.memory_space<hbm>>) dst(%arg9 : memref<160xi32, #tpu.memory_space<vmem>>)
    %dma_wait3A_69 = arith.constant 0 : i32
    %dma_wait3A_70 = tpu.memref_slice %arg3[%dma_wait3A_69] : memref<3200000xi32, #tpu.memory_space<hbm>> -> memref<160xi32, #tpu.memory_space<hbm>>
    %dma_wait3A_71 = arith.constant 0 : i32
    %dma_wait3A_72 = tpu.memref_slice %arg3[%dma_wait3A_71] : memref<3200000xi32, #tpu.memory_space<hbm>> -> memref<160xi32, #tpu.memory_space<hbm>>
    tpu.wait_dma2 semaphore(%arg24 : memref<!tpu.dma_semaphore, #tpu.memory_space<semaphore_mem>>) src(%dma_wait3A_72 : memref<160xi32, #tpu.memory_space<hbm>>) dst(%arg11 : memref<160xi32, #tpu.memory_space<vmem>>)
    %dma_start3A_73 = arith.constant 0 : i32
    %dma_start3A_74 = arith.constant 0 : i32
    %dma_start3A_75 = tpu.memref_slice %arg4[%dma_start3A_73, %dma_start3A_74] : memref<100000x8xf32, #tpu.memory_space<hbm>> -> memref<100000x8xf32, #tpu.memory_space<hbm>>
    tpu.enqueue_indirect_dma source(%dma_start3A_75 : memref<100000x8xf32, #tpu.memory_space<hbm>>) target(%arg13 : memref<160x8xf32, #tpu.memory_space<vmem>>) offsets(%arg9 : memref<160xi32, #tpu.memory_space<vmem>>) semaphore(%arg26 : memref<!tpu.dma_semaphore, #tpu.memory_space<semaphore_mem>>)
    %dma_start3A_76 = arith.constant 0 : i32
    %dma_start3A_77 = arith.constant 0 : i32
    %dma_start3A_78 = tpu.memref_slice %arg4[%dma_start3A_76, %dma_start3A_77] : memref<100000x8xf32, #tpu.memory_space<hbm>> -> memref<100000x8xf32, #tpu.memory_space<hbm>>
    tpu.enqueue_indirect_dma source(%dma_start3A_78 : memref<100000x8xf32, #tpu.memory_space<hbm>>) target(%arg15 : memref<160x8xf32, #tpu.memory_space<vmem>>) offsets(%arg11 : memref<160xi32, #tpu.memory_space<vmem>>) semaphore(%arg26 : memref<!tpu.dma_semaphore, #tpu.memory_space<semaphore_mem>>)
    %dma_start3A_79 = arith.constant 0 : i32
    %dma_start3A_80 = arith.constant 0 : i32
    %dma_start3A_81 = tpu.memref_slice %arg5[%dma_start3A_79, %dma_start3A_80] : memref<100000x16xf32, #tpu.memory_space<hbm>> -> memref<100000x16xf32, #tpu.memory_space<hbm>>
    tpu.enqueue_indirect_dma source(%dma_start3A_81 : memref<100000x16xf32, #tpu.memory_space<hbm>>) target(%arg17 : memref<160x16xf32, #tpu.memory_space<vmem>>) offsets(%arg9 : memref<160xi32, #tpu.memory_space<vmem>>) semaphore(%arg26 : memref<!tpu.dma_semaphore, #tpu.memory_space<semaphore_mem>>)
    %scan3A_82 = arith.constant 0 : i32
    %scan3A_83 = arith.constant 0 : i32
    %scan3A_84 = arith.constant 312 : i32
    %scan3A_85 = arith.addi %scan3A_83, %scan3A_84 : i32
    %scan3A_86 = arith.constant 1 : i32
    scf.for %scan3A_119 = %scan3A_83 to %scan3A_85 step %scan3A_86  : i32 {
      %mul3A_120 = arith.constant 2 : i32
      %mul3A_121 = arith.muli %scan3A_119, %mul3A_120 : i32
      %add3A_122 = arith.constant 0 : i32
      %add3A_123 = arith.addi %mul3A_121, %add3A_122 : i32
      %dma_wait3A_124 = arith.constant 0 : i32
      %dma_wait3A_125 = arith.constant 0 : i32
      %dma_wait3A_126 = tpu.memref_slice %arg4[%dma_wait3A_124, %dma_wait3A_125] : memref<100000x8xf32, #tpu.memory_space<hbm>> -> memref<100000x8xf32, #tpu.memory_space<hbm>>
      tpu.wait_indirect_dma semaphore(%arg26 : memref<!tpu.dma_semaphore, #tpu.memory_space<semaphore_mem>>) src(%dma_wait3A_126 : memref<100000x8xf32, #tpu.memory_space<hbm>>) dst(%arg13 : memref<160x8xf32, #tpu.memory_space<vmem>>)
      %dma_wait3A_127 = arith.constant 0 : i32
      %dma_wait3A_128 = arith.constant 0 : i32
      %dma_wait3A_129 = tpu.memref_slice %arg4[%dma_wait3A_127, %dma_wait3A_128] : memref<100000x8xf32, #tpu.memory_space<hbm>> -> memref<100000x8xf32, #tpu.memory_space<hbm>>
      tpu.wait_indirect_dma semaphore(%arg26 : memref<!tpu.dma_semaphore, #tpu.memory_space<semaphore_mem>>) src(%dma_wait3A_129 : memref<100000x8xf32, #tpu.memory_space<hbm>>) dst(%arg15 : memref<160x8xf32, #tpu.memory_space<vmem>>)
      %dma_wait3A_130 = arith.constant 0 : i32
      %dma_wait3A_131 = arith.constant 0 : i32
      %dma_wait3A_132 = tpu.memref_slice %arg5[%dma_wait3A_130, %dma_wait3A_131] : memref<100000x16xf32, #tpu.memory_space<hbm>> -> memref<100000x16xf32, #tpu.memory_space<hbm>>
      tpu.wait_indirect_dma semaphore(%arg26 : memref<!tpu.dma_semaphore, #tpu.memory_space<semaphore_mem>>) src(%dma_wait3A_132 : memref<100000x16xf32, #tpu.memory_space<hbm>>) dst(%arg17 : memref<160x16xf32, #tpu.memory_space<vmem>>)
      %dma_wait3A_133 = arith.constant 0 : i32
      %dma_wait3A_134 = tpu.memref_slice %arg2[%dma_wait3A_133] : memref<3200000xi32, #tpu.memory_space<hbm>> -> memref<160xi32, #tpu.memory_space<hbm>>
      %dma_wait3A_135 = arith.constant 0 : i32
      %dma_wait3A_136 = tpu.memref_slice %arg2[%dma_wait3A_135] : memref<3200000xi32, #tpu.memory_space<hbm>> -> memref<160xi32, #tpu.memory_space<hbm>>
      tpu.wait_dma2 semaphore(%arg25 : memref<!tpu.dma_semaphore, #tpu.memory_space<semaphore_mem>>) src(%dma_wait3A_136 : memref<160xi32, #tpu.memory_space<hbm>>) dst(%arg10 : memref<160xi32, #tpu.memory_space<vmem>>)
      %dma_wait3A_137 = arith.constant 0 : i32
      %dma_wait3A_138 = tpu.memref_slice %arg3[%dma_wait3A_137] : memref<3200000xi32, #tpu.memory_space<hbm>> -> memref<160xi32, #tpu.memory_space<hbm>>
      %dma_wait3A_139 = arith.constant 0 : i32
      %dma_wait3A_140 = tpu.memref_slice %arg3[%dma_wait3A_139] : memref<3200000xi32, #tpu.memory_space<hbm>> -> memref<160xi32, #tpu.memory_space<hbm>>
      tpu.wait_dma2 semaphore(%arg25 : memref<!tpu.dma_semaphore, #tpu.memory_space<semaphore_mem>>) src(%dma_wait3A_140 : memref<160xi32, #tpu.memory_space<hbm>>) dst(%arg12 : memref<160xi32, #tpu.memory_space<vmem>>)
      %dma_start3A_141 = arith.constant 0 : i32
      %dma_start3A_142 = arith.constant 0 : i32
      %dma_start3A_143 = tpu.memref_slice %arg4[%dma_start3A_141, %dma_start3A_142] : memref<100000x8xf32, #tpu.memory_space<hbm>> -> memref<100000x8xf32, #tpu.memory_space<hbm>>
      tpu.enqueue_indirect_dma source(%dma_start3A_143 : memref<100000x8xf32, #tpu.memory_space<hbm>>) target(%arg14 : memref<160x8xf32, #tpu.memory_space<vmem>>) offsets(%arg10 : memref<160xi32, #tpu.memory_space<vmem>>) semaphore(%arg27 : memref<!tpu.dma_semaphore, #tpu.memory_space<semaphore_mem>>)
      %dma_start3A_144 = arith.constant 0 : i32
      %dma_start3A_145 = arith.constant 0 : i32
      %dma_start3A_146 = tpu.memref_slice %arg4[%dma_start3A_144, %dma_start3A_145] : memref<100000x8xf32, #tpu.memory_space<hbm>> -> memref<100000x8xf32, #tpu.memory_space<hbm>>
      tpu.enqueue_indirect_dma source(%dma_start3A_146 : memref<100000x8xf32, #tpu.memory_space<hbm>>) target(%arg16 : memref<160x8xf32, #tpu.memory_space<vmem>>) offsets(%arg12 : memref<160xi32, #tpu.memory_space<vmem>>) semaphore(%arg27 : memref<!tpu.dma_semaphore, #tpu.memory_space<semaphore_mem>>)
      %dma_start3A_147 = arith.constant 0 : i32
      %dma_start3A_148 = arith.constant 0 : i32
      %dma_start3A_149 = tpu.memref_slice %arg5[%dma_start3A_147, %dma_start3A_148] : memref<100000x16xf32, #tpu.memory_space<hbm>> -> memref<100000x16xf32, #tpu.memory_space<hbm>>
      tpu.enqueue_indirect_dma source(%dma_start3A_149 : memref<100000x16xf32, #tpu.memory_space<hbm>>) target(%arg18 : memref<160x16xf32, #tpu.memory_space<vmem>>) offsets(%arg10 : memref<160xi32, #tpu.memory_space<vmem>>) semaphore(%arg27 : memref<!tpu.dma_semaphore, #tpu.memory_space<semaphore_mem>>)
      %parallel_loop3A_150 = arith.constant 0 : i32
      %parallel_loop3A_151 = arith.constant 10 : i32
      %parallel_loop3A_152 = arith.constant 1 : i32
      scf.for %parallel_loop3A_208 = %parallel_loop3A_150 to %parallel_loop3A_151 step %parallel_loop3A_152  : i32 {
        %parallel_loop3A_209 = arith.constant 16 : i32
        %parallel_loop3A_210 = arith.muli %parallel_loop3A_208, %parallel_loop3A_209 : i32
        %parallel_loop3A_211 = vector.broadcast %parallel_loop3A_210 : i32 to vector<16xi32>
        %parallel_loop3A_212 = arith.addi %parallel_loop3A_211, %iota3A : vector<16xi32>
        %parallel_loop3A_213 = tpu.vector_load_idx %arg13[%parallel_loop3A_212, %broadcast_in_dim3A_15] : memref<160x8xf32, #tpu.memory_space<vmem>>[vector<16xi32>, vector<16xi32>], vector<16xf32>,
        %parallel_loop3A_214 = tpu.vector_load_idx %arg13[%parallel_loop3A_212, %broadcast_in_dim3A_17] : memref<160x8xf32, #tpu.memory_space<vmem>>[vector<16xi32>, vector<16xi32>], vector<16xf32>,
        %parallel_loop3A_215 = tpu.vector_load_idx %arg13[%parallel_loop3A_212, %broadcast_in_dim3A_19] : memref<160x8xf32, #tpu.memory_space<vmem>>[vector<16xi32>, vector<16xi32>], vector<16xf32>,
        %parallel_loop3A_216 = tpu.vector_load_idx %arg15[%parallel_loop3A_212, %broadcast_in_dim3A_15] : memref<160x8xf32, #tpu.memory_space<vmem>>[vector<16xi32>, vector<16xi32>], vector<16xf32>,
        %parallel_loop3A_217 = tpu.vector_load_idx %arg15[%parallel_loop3A_212, %broadcast_in_dim3A_17] : memref<160x8xf32, #tpu.memory_space<vmem>>[vector<16xi32>, vector<16xi32>], vector<16xf32>,
        %parallel_loop3A_218 = tpu.vector_load_idx %arg15[%parallel_loop3A_212, %broadcast_in_dim3A_19] : memref<160x8xf32, #tpu.memory_space<vmem>>[vector<16xi32>, vector<16xi32>], vector<16xf32>,
        %parallel_loop3A_219 = arith.subf %parallel_loop3A_213, %parallel_loop3A_216 : vector<16xf32>
        %parallel_loop3A_220 = arith.subf %parallel_loop3A_214, %parallel_loop3A_217 : vector<16xf32>
        %parallel_loop3A_221 = arith.subf %parallel_loop3A_215, %parallel_loop3A_218 : vector<16xf32>
        %parallel_loop3A_222 = arith.mulf %parallel_loop3A_219, %parallel_loop3A_219 : vector<16xf32>
        %parallel_loop3A_223 = arith.mulf %parallel_loop3A_220, %parallel_loop3A_220 : vector<16xf32>
        %parallel_loop3A_224 = arith.addf %parallel_loop3A_222, %parallel_loop3A_223 : vector<16xf32>
        %parallel_loop3A_225 = arith.mulf %parallel_loop3A_221, %parallel_loop3A_221 : vector<16xf32>
        %parallel_loop3A_226 = arith.addf %parallel_loop3A_224, %parallel_loop3A_225 : vector<16xf32>
        %parallel_loop3A_227 = arith.constant 9.99999996E-13 : f32
        %parallel_loop3A_228 = vector.broadcast %parallel_loop3A_227 : f32 to vector<16xf32>
        %parallel_loop3A_229 = arith.addf %parallel_loop3A_226, %parallel_loop3A_228 : vector<16xf32>
        %parallel_loop3A_230 = vector.bitcast %parallel_loop3A_229 : vector<16xf32> to vector<16xi32>
        %parallel_loop3A_231 = arith.constant 1 : i32
        %parallel_loop3A_232 = vector.broadcast %parallel_loop3A_231 : i32 to vector<16xi32>
        %parallel_loop3A_233 = arith.shrui %parallel_loop3A_230, %parallel_loop3A_232 : vector<16xi32>
        %parallel_loop3A_234 = arith.constant 1597463007 : i32
        %parallel_loop3A_235 = vector.broadcast %parallel_loop3A_234 : i32 to vector<16xi32>
        %parallel_loop3A_236 = arith.subi %parallel_loop3A_235, %parallel_loop3A_233 : vector<16xi32>
        %parallel_loop3A_237 = vector.bitcast %parallel_loop3A_236 : vector<16xi32> to vector<16xf32>
        %parallel_loop3A_238 = arith.constant 5.000000e-01 : f32
        %parallel_loop3A_239 = vector.broadcast %parallel_loop3A_238 : f32 to vector<16xf32>
        %parallel_loop3A_240 = arith.mulf %parallel_loop3A_239, %parallel_loop3A_229 : vector<16xf32>
        %parallel_loop3A_241 = arith.mulf %parallel_loop3A_240, %parallel_loop3A_237 : vector<16xf32>
        %parallel_loop3A_242 = arith.mulf %parallel_loop3A_241, %parallel_loop3A_237 : vector<16xf32>
        %parallel_loop3A_243 = arith.constant 1.500000e+00 : f32
        %parallel_loop3A_244 = vector.broadcast %parallel_loop3A_243 : f32 to vector<16xf32>
        %parallel_loop3A_245 = arith.subf %parallel_loop3A_244, %parallel_loop3A_242 : vector<16xf32>
        %parallel_loop3A_246 = arith.mulf %parallel_loop3A_237, %parallel_loop3A_245 : vector<16xf32>
        %parallel_loop3A_247 = arith.constant 5.000000e-01 : f32
        %parallel_loop3A_248 = vector.broadcast %parallel_loop3A_247 : f32 to vector<16xf32>
        %parallel_loop3A_249 = arith.mulf %parallel_loop3A_248, %parallel_loop3A_229 : vector<16xf32>
        %parallel_loop3A_250 = arith.mulf %parallel_loop3A_249, %parallel_loop3A_246 : vector<16xf32>
        %parallel_loop3A_251 = arith.mulf %parallel_loop3A_250, %parallel_loop3A_246 : vector<16xf32>
        %parallel_loop3A_252 = arith.constant 1.500000e+00 : f32
        %parallel_loop3A_253 = vector.broadcast %parallel_loop3A_252 : f32 to vector<16xf32>
        %parallel_loop3A_254 = arith.subf %parallel_loop3A_253, %parallel_loop3A_251 : vector<16xf32>
        %parallel_loop3A_255 = arith.mulf %parallel_loop3A_246, %parallel_loop3A_254 : vector<16xf32>
        %parallel_loop3A_256 = arith.mulf %parallel_loop3A_229, %parallel_loop3A_255 : vector<16xf32>
        %parallel_loop3A_257 = arith.mulf %parallel_loop3A_256, %get3A_14 : vector<16xf32>
        %parallel_loop3A_258 = arith.fptosi %parallel_loop3A_257 : vector<16xf32> to vector<16xi32>
        %parallel_loop3A_259 = arith.constant 511 : i32
        %parallel_loop3A_260 = vector.broadcast %parallel_loop3A_259 : i32 to vector<16xi32>
        %parallel_loop3A_261 = arith.minsi %parallel_loop3A_258, %parallel_loop3A_260 : vector<16xi32>
        %parallel_loop3A_262 = tpu.vector_load_idx %arg20[%parallel_loop3A_261, %broadcast_in_dim3A_15] : memref<512x16xf32, #tpu.memory_space<vmem>>[vector<16xi32>, vector<16xi32>], vector<16xf32>,
        %parallel_loop3A_263 = tpu.vector_load_idx %arg17[%parallel_loop3A_212, %broadcast_in_dim3A_15] : memref<160x16xf32, #tpu.memory_space<vmem>>[vector<16xi32>, vector<16xi32>], vector<16xf32>,
        %parallel_loop3A_264 = arith.mulf %parallel_loop3A_262, %parallel_loop3A_263 : vector<16xf32>
        %parallel_loop3A_265 = tpu.vector_load_idx %arg20[%parallel_loop3A_261, %broadcast_in_dim3A_17] : memref<512x16xf32, #tpu.memory_space<vmem>>[vector<16xi32>, vector<16xi32>], vector<16xf32>,
        %parallel_loop3A_266 = tpu.vector_load_idx %arg17[%parallel_loop3A_212, %broadcast_in_dim3A_17] : memref<160x16xf32, #tpu.memory_space<vmem>>[vector<16xi32>, vector<16xi32>], vector<16xf32>,
        %parallel_loop3A_267 = arith.mulf %parallel_loop3A_265, %parallel_loop3A_266 : vector<16xf32>
        %parallel_loop3A_268 = tpu.vector_load_idx %arg20[%parallel_loop3A_261, %broadcast_in_dim3A_19] : memref<512x16xf32, #tpu.memory_space<vmem>>[vector<16xi32>, vector<16xi32>], vector<16xf32>,
        %parallel_loop3A_269 = tpu.vector_load_idx %arg17[%parallel_loop3A_212, %broadcast_in_dim3A_19] : memref<160x16xf32, #tpu.memory_space<vmem>>[vector<16xi32>, vector<16xi32>], vector<16xf32>,
        %parallel_loop3A_270 = arith.mulf %parallel_loop3A_268, %parallel_loop3A_269 : vector<16xf32>
        %parallel_loop3A_271 = tpu.vector_load_idx %arg20[%parallel_loop3A_261, %broadcast_in_dim3A_21] : memref<512x16xf32, #tpu.memory_space<vmem>>[vector<16xi32>, vector<16xi32>], vector<16xf32>,
        %parallel_loop3A_272 = tpu.vector_load_idx %arg17[%parallel_loop3A_212, %broadcast_in_dim3A_21] : memref<160x16xf32, #tpu.memory_space<vmem>>[vector<16xi32>, vector<16xi32>], vector<16xf32>,
        %parallel_loop3A_273 = arith.mulf %parallel_loop3A_271, %parallel_loop3A_272 : vector<16xf32>
        %parallel_loop3A_274 = tpu.vector_load_idx %arg20[%parallel_loop3A_261, %broadcast_in_dim3A_23] : memref<512x16xf32, #tpu.memory_space<vmem>>[vector<16xi32>, vector<16xi32>], vector<16xf32>,
        %parallel_loop3A_275 = tpu.vector_load_idx %arg17[%parallel_loop3A_212, %broadcast_in_dim3A_23] : memref<160x16xf32, #tpu.memory_space<vmem>>[vector<16xi32>, vector<16xi32>], vector<16xf32>,
        %parallel_loop3A_276 = arith.mulf %parallel_loop3A_274, %parallel_loop3A_275 : vector<16xf32>
        %parallel_loop3A_277 = tpu.vector_load_idx %arg20[%parallel_loop3A_261, %broadcast_in_dim3A_25] : memref<512x16xf32, #tpu.memory_space<vmem>>[vector<16xi32>, vector<16xi32>], vector<16xf32>,
        %parallel_loop3A_278 = tpu.vector_load_idx %arg17[%parallel_loop3A_212, %broadcast_in_dim3A_25] : memref<160x16xf32, #tpu.memory_space<vmem>>[vector<16xi32>, vector<16xi32>], vector<16xf32>,
        %parallel_loop3A_279 = arith.mulf %parallel_loop3A_277, %parallel_loop3A_278 : vector<16xf32>
        %parallel_loop3A_280 = tpu.vector_load_idx %arg20[%parallel_loop3A_261, %broadcast_in_dim3A_27] : memref<512x16xf32, #tpu.memory_space<vmem>>[vector<16xi32>, vector<16xi32>], vector<16xf32>,
        %parallel_loop3A_281 = tpu.vector_load_idx %arg17[%parallel_loop3A_212, %broadcast_in_dim3A_27] : memref<160x16xf32, #tpu.memory_space<vmem>>[vector<16xi32>, vector<16xi32>], vector<16xf32>,
        %parallel_loop3A_282 = arith.mulf %parallel_loop3A_280, %parallel_loop3A_281 : vector<16xf32>
        %parallel_loop3A_283 = tpu.vector_load_idx %arg20[%parallel_loop3A_261, %broadcast_in_dim3A_29] : memref<512x16xf32, #tpu.memory_space<vmem>>[vector<16xi32>, vector<16xi32>], vector<16xf32>,
        %parallel_loop3A_284 = tpu.vector_load_idx %arg17[%parallel_loop3A_212, %broadcast_in_dim3A_29] : memref<160x16xf32, #tpu.memory_space<vmem>>[vector<16xi32>, vector<16xi32>], vector<16xf32>,
        %parallel_loop3A_285 = arith.mulf %parallel_loop3A_283, %parallel_loop3A_284 : vector<16xf32>
        %parallel_loop3A_286 = tpu.vector_load_idx %arg20[%parallel_loop3A_261, %broadcast_in_dim3A_31] : memref<512x16xf32, #tpu.memory_space<vmem>>[vector<16xi32>, vector<16xi32>], vector<16xf32>,
        %parallel_loop3A_287 = tpu.vector_load_idx %arg17[%parallel_loop3A_212, %broadcast_in_dim3A_31] : memref<160x16xf32, #tpu.memory_space<vmem>>[vector<16xi32>, vector<16xi32>], vector<16xf32>,
        %parallel_loop3A_288 = arith.mulf %parallel_loop3A_286, %parallel_loop3A_287 : vector<16xf32>
        %parallel_loop3A_289 = tpu.vector_load_idx %arg20[%parallel_loop3A_261, %broadcast_in_dim3A_33] : memref<512x16xf32, #tpu.memory_space<vmem>>[vector<16xi32>, vector<16xi32>], vector<16xf32>,
        %parallel_loop3A_290 = tpu.vector_load_idx %arg17[%parallel_loop3A_212, %broadcast_in_dim3A_33] : memref<160x16xf32, #tpu.memory_space<vmem>>[vector<16xi32>, vector<16xi32>], vector<16xf32>,
        %parallel_loop3A_291 = arith.mulf %parallel_loop3A_289, %parallel_loop3A_290 : vector<16xf32>
        %parallel_loop3A_292 = tpu.vector_load_idx %arg20[%parallel_loop3A_261, %broadcast_in_dim3A_35] : memref<512x16xf32, #tpu.memory_space<vmem>>[vector<16xi32>, vector<16xi32>], vector<16xf32>,
        %parallel_loop3A_293 = tpu.vector_load_idx %arg17[%parallel_loop3A_212, %broadcast_in_dim3A_35] : memref<160x16xf32, #tpu.memory_space<vmem>>[vector<16xi32>, vector<16xi32>], vector<16xf32>,
        %parallel_loop3A_294 = arith.mulf %parallel_loop3A_292, %parallel_loop3A_293 : vector<16xf32>
        %parallel_loop3A_295 = tpu.vector_load_idx %arg20[%parallel_loop3A_261, %broadcast_in_dim3A_37] : memref<512x16xf32, #tpu.memory_space<vmem>>[vector<16xi32>, vector<16xi32>], vector<16xf32>,
        %parallel_loop3A_296 = tpu.vector_load_idx %arg17[%parallel_loop3A_212, %broadcast_in_dim3A_37] : memref<160x16xf32, #tpu.memory_space<vmem>>[vector<16xi32>, vector<16xi32>], vector<16xf32>,
        %parallel_loop3A_297 = arith.mulf %parallel_loop3A_295, %parallel_loop3A_296 : vector<16xf32>
        %parallel_loop3A_298 = tpu.vector_load_idx %arg20[%parallel_loop3A_261, %broadcast_in_dim3A_39] : memref<512x16xf32, #tpu.memory_space<vmem>>[vector<16xi32>, vector<16xi32>], vector<16xf32>,
        %parallel_loop3A_299 = tpu.vector_load_idx %arg17[%parallel_loop3A_212, %broadcast_in_dim3A_39] : memref<160x16xf32, #tpu.memory_space<vmem>>[vector<16xi32>, vector<16xi32>], vector<16xf32>,
        %parallel_loop3A_300 = arith.mulf %parallel_loop3A_298, %parallel_loop3A_299 : vector<16xf32>
        %parallel_loop3A_301 = tpu.vector_load_idx %arg20[%parallel_loop3A_261, %broadcast_in_dim3A_41] : memref<512x16xf32, #tpu.memory_space<vmem>>[vector<16xi32>, vector<16xi32>], vector<16xf32>,
        %parallel_loop3A_302 = tpu.vector_load_idx %arg17[%parallel_loop3A_212, %broadcast_in_dim3A_41] : memref<160x16xf32, #tpu.memory_space<vmem>>[vector<16xi32>, vector<16xi32>], vector<16xf32>,
        %parallel_loop3A_303 = arith.mulf %parallel_loop3A_301, %parallel_loop3A_302 : vector<16xf32>
        %parallel_loop3A_304 = tpu.vector_load_idx %arg20[%parallel_loop3A_261, %broadcast_in_dim3A_43] : memref<512x16xf32, #tpu.memory_space<vmem>>[vector<16xi32>, vector<16xi32>], vector<16xf32>,
        %parallel_loop3A_305 = tpu.vector_load_idx %arg17[%parallel_loop3A_212, %broadcast_in_dim3A_43] : memref<160x16xf32, #tpu.memory_space<vmem>>[vector<16xi32>, vector<16xi32>], vector<16xf32>,
        %parallel_loop3A_306 = arith.mulf %parallel_loop3A_304, %parallel_loop3A_305 : vector<16xf32>
        %parallel_loop3A_307 = tpu.vector_load_idx %arg20[%parallel_loop3A_261, %broadcast_in_dim3A_45] : memref<512x16xf32, #tpu.memory_space<vmem>>[vector<16xi32>, vector<16xi32>], vector<16xf32>,
        %parallel_loop3A_308 = tpu.vector_load_idx %arg17[%parallel_loop3A_212, %broadcast_in_dim3A_45] : memref<160x16xf32, #tpu.memory_space<vmem>>[vector<16xi32>, vector<16xi32>], vector<16xf32>,
        %parallel_loop3A_309 = arith.mulf %parallel_loop3A_307, %parallel_loop3A_308 : vector<16xf32>
        tpu.vector_store_idx %arg19[%parallel_loop3A_212, %broadcast_in_dim3A_15], %parallel_loop3A_264 : memref<160x16xf32, #tpu.memory_space<vmem>>[vector<16xi32>, vector<16xi32>], vector<16xf32>,
        tpu.vector_store_idx %arg19[%parallel_loop3A_212, %broadcast_in_dim3A_17], %parallel_loop3A_267 : memref<160x16xf32, #tpu.memory_space<vmem>>[vector<16xi32>, vector<16xi32>], vector<16xf32>,
        tpu.vector_store_idx %arg19[%parallel_loop3A_212, %broadcast_in_dim3A_19], %parallel_loop3A_270 : memref<160x16xf32, #tpu.memory_space<vmem>>[vector<16xi32>, vector<16xi32>], vector<16xf32>,
        tpu.vector_store_idx %arg19[%parallel_loop3A_212, %broadcast_in_dim3A_21], %parallel_loop3A_273 : memref<160x16xf32, #tpu.memory_space<vmem>>[vector<16xi32>, vector<16xi32>], vector<16xf32>,
        tpu.vector_store_idx %arg19[%parallel_loop3A_212, %broadcast_in_dim3A_23], %parallel_loop3A_276 : memref<160x16xf32, #tpu.memory_space<vmem>>[vector<16xi32>, vector<16xi32>], vector<16xf32>,
        tpu.vector_store_idx %arg19[%parallel_loop3A_212, %broadcast_in_dim3A_25], %parallel_loop3A_279 : memref<160x16xf32, #tpu.memory_space<vmem>>[vector<16xi32>, vector<16xi32>], vector<16xf32>,
        tpu.vector_store_idx %arg19[%parallel_loop3A_212, %broadcast_in_dim3A_27], %parallel_loop3A_282 : memref<160x16xf32, #tpu.memory_space<vmem>>[vector<16xi32>, vector<16xi32>], vector<16xf32>,
        tpu.vector_store_idx %arg19[%parallel_loop3A_212, %broadcast_in_dim3A_29], %parallel_loop3A_285 : memref<160x16xf32, #tpu.memory_space<vmem>>[vector<16xi32>, vector<16xi32>], vector<16xf32>,
        tpu.vector_store_idx %arg19[%parallel_loop3A_212, %broadcast_in_dim3A_31], %parallel_loop3A_288 : memref<160x16xf32, #tpu.memory_space<vmem>>[vector<16xi32>, vector<16xi32>], vector<16xf32>,
        tpu.vector_store_idx %arg19[%parallel_loop3A_212, %broadcast_in_dim3A_33], %parallel_loop3A_291 : memref<160x16xf32, #tpu.memory_space<vmem>>[vector<16xi32>, vector<16xi32>], vector<16xf32>,
        tpu.vector_store_idx %arg19[%parallel_loop3A_212, %broadcast_in_dim3A_35], %parallel_loop3A_294 : memref<160x16xf32, #tpu.memory_space<vmem>>[vector<16xi32>, vector<16xi32>], vector<16xf32>,
        tpu.vector_store_idx %arg19[%parallel_loop3A_212, %broadcast_in_dim3A_37], %parallel_loop3A_297 : memref<160x16xf32, #tpu.memory_space<vmem>>[vector<16xi32>, vector<16xi32>], vector<16xf32>,
        tpu.vector_store_idx %arg19[%parallel_loop3A_212, %broadcast_in_dim3A_39], %parallel_loop3A_300 : memref<160x16xf32, #tpu.memory_space<vmem>>[vector<16xi32>, vector<16xi32>], vector<16xf32>,
        tpu.vector_store_idx %arg19[%parallel_loop3A_212, %broadcast_in_dim3A_41], %parallel_loop3A_303 : memref<160x16xf32, #tpu.memory_space<vmem>>[vector<16xi32>, vector<16xi32>], vector<16xf32>,
        tpu.vector_store_idx %arg19[%parallel_loop3A_212, %broadcast_in_dim3A_43], %parallel_loop3A_306 : memref<160x16xf32, #tpu.memory_space<vmem>>[vector<16xi32>, vector<16xi32>], vector<16xf32>,
        tpu.vector_store_idx %arg19[%parallel_loop3A_212, %broadcast_in_dim3A_45], %parallel_loop3A_309 : memref<160x16xf32, #tpu.memory_space<vmem>>[vector<16xi32>, vector<16xi32>], vector<16xf32>,
      } {sc.loop_unroll_factor = 1 : i64, sc.parallel_access}
      "tpu.region"() ({
        %run_scoped3A = tpu.sem_alloc : memref<!tpu.dma_semaphore, #tpu.memory_space<semaphore_mem>>
        %dma_start3A_208 = arith.constant 0 : i32
        %dma_start3A_209 = arith.constant 0 : i32
        %dma_start3A_210 = tpu.memref_slice %arg23[%dma_start3A_208, %dma_start3A_209] : memref<100000x16xf32, #tpu.memory_space<vmem_shared>> -> memref<100000x16xf32, #tpu.memory_space<vmem_shared>>
        tpu.enqueue_indirect_dma source(%arg19 : memref<160x16xf32, #tpu.memory_space<vmem>>) target(%dma_start3A_210 : memref<100000x16xf32, #tpu.memory_space<vmem_shared>>) offsets(%arg11 : memref<160xi32, #tpu.memory_space<vmem>>) semaphore(%run_scoped3A : memref<!tpu.dma_semaphore, #tpu.memory_space<semaphore_mem>>) {add = true}
        %dma_wait3A_211 = arith.constant 0 : i32
        %dma_wait3A_212 = arith.constant 0 : i32
        %dma_wait3A_213 = tpu.memref_slice %arg23[%dma_wait3A_211, %dma_wait3A_212] : memref<100000x16xf32, #tpu.memory_space<vmem_shared>> -> memref<100000x16xf32, #tpu.memory_space<vmem_shared>>
        tpu.wait_indirect_dma semaphore(%run_scoped3A : memref<!tpu.dma_semaphore, #tpu.memory_space<semaphore_mem>>) src(%arg19 : memref<160x16xf32, #tpu.memory_space<vmem>>) dst(%dma_wait3A_213 : memref<100000x16xf32, #tpu.memory_space<vmem_shared>>)
        tpu.yield
      }) : () -> ()
      %add3A_153 = arith.constant 2 : i32
      %add3A_154 = arith.addi %add3A_123, %add3A_153 : i32
      %min3A_155 = arith.constant 624 : i32
      %min3A_156 = arith.minsi %add3A_154, %min3A_155 : i32
      %mul3A_157 = arith.constant 160 : i32
      %mul3A_158 = arith.muli %min3A_156, %mul3A_157 : i32
      %add3A_159 = arith.addi %mul3A_47, %mul3A_158 : i32
      %dma_start3A_160 = tpu.memref_slice %arg2[%add3A_159] : memref<3200000xi32, #tpu.memory_space<hbm>> -> memref<160xi32, #tpu.memory_space<hbm>>
      %dma_start3A_161 = tpu.memref_slice %arg2[%add3A_159] : memref<3200000xi32, #tpu.memory_space<hbm>> -> memref<160xi32, #tpu.memory_space<hbm>>
      tpu.enqueue_dma source(%dma_start3A_161 : memref<160xi32, #tpu.memory_space<hbm>>) target(%arg9 : memref<160xi32, #tpu.memory_space<vmem>>) target_semaphore(%arg24 : memref<!tpu.dma_semaphore, #tpu.memory_space<semaphore_mem>>)
      %dma_start3A_162 = tpu.memref_slice %arg3[%add3A_159] : memref<3200000xi32, #tpu.memory_space<hbm>> -> memref<160xi32, #tpu.memory_space<hbm>>
      %dma_start3A_163 = tpu.memref_slice %arg3[%add3A_159] : memref<3200000xi32, #tpu.memory_space<hbm>> -> memref<160xi32, #tpu.memory_space<hbm>>
      tpu.enqueue_dma source(%dma_start3A_163 : memref<160xi32, #tpu.memory_space<hbm>>) target(%arg11 : memref<160xi32, #tpu.memory_space<vmem>>) target_semaphore(%arg24 : memref<!tpu.dma_semaphore, #tpu.memory_space<semaphore_mem>>)
      %mul3A_164 = arith.constant 2 : i32
      %mul3A_165 = arith.muli %scan3A_119, %mul3A_164 : i32
      %add3A_166 = arith.constant 1 : i32
      %add3A_167 = arith.addi %mul3A_165, %add3A_166 : i32
      %dma_wait3A_168 = arith.constant 0 : i32
      %dma_wait3A_169 = arith.constant 0 : i32
      %dma_wait3A_170 = tpu.memref_slice %arg4[%dma_wait3A_168, %dma_wait3A_169] : memref<100000x8xf32, #tpu.memory_space<hbm>> -> memref<100000x8xf32, #tpu.memory_space<hbm>>
      tpu.wait_indirect_dma semaphore(%arg27 : memref<!tpu.dma_semaphore, #tpu.memory_space<semaphore_mem>>) src(%dma_wait3A_170 : memref<100000x8xf32, #tpu.memory_space<hbm>>) dst(%arg14 : memref<160x8xf32, #tpu.memory_space<vmem>>)
      %dma_wait3A_171 = arith.constant 0 : i32
      %dma_wait3A_172 = arith.constant 0 : i32
      %dma_wait3A_173 = tpu.memref_slice %arg4[%dma_wait3A_171, %dma_wait3A_172] : memref<100000x8xf32, #tpu.memory_space<hbm>> -> memref<100000x8xf32, #tpu.memory_space<hbm>>
      tpu.wait_indirect_dma semaphore(%arg27 : memref<!tpu.dma_semaphore, #tpu.memory_space<semaphore_mem>>) src(%dma_wait3A_173 : memref<100000x8xf32, #tpu.memory_space<hbm>>) dst(%arg16 : memref<160x8xf32, #tpu.memory_space<vmem>>)
      %dma_wait3A_174 = arith.constant 0 : i32
      %dma_wait3A_175 = arith.constant 0 : i32
      %dma_wait3A_176 = tpu.memref_slice %arg5[%dma_wait3A_174, %dma_wait3A_175] : memref<100000x16xf32, #tpu.memory_space<hbm>> -> memref<100000x16xf32, #tpu.memory_space<hbm>>
      tpu.wait_indirect_dma semaphore(%arg27 : memref<!tpu.dma_semaphore, #tpu.memory_space<semaphore_mem>>) src(%dma_wait3A_176 : memref<100000x16xf32, #tpu.memory_space<hbm>>) dst(%arg18 : memref<160x16xf32, #tpu.memory_space<vmem>>)
      %dma_wait3A_177 = arith.constant 0 : i32
      %dma_wait3A_178 = tpu.memref_slice %arg2[%dma_wait3A_177] : memref<3200000xi32, #tpu.memory_space<hbm>> -> memref<160xi32, #tpu.memory_space<hbm>>
      %dma_wait3A_179 = arith.constant 0 : i32
      %dma_wait3A_180 = tpu.memref_slice %arg2[%dma_wait3A_179] : memref<3200000xi32, #tpu.memory_space<hbm>> -> memref<160xi32, #tpu.memory_space<hbm>>
      tpu.wait_dma2 semaphore(%arg24 : memref<!tpu.dma_semaphore, #tpu.memory_space<semaphore_mem>>) src(%dma_wait3A_180 : memref<160xi32, #tpu.memory_space<hbm>>) dst(%arg9 : memref<160xi32, #tpu.memory_space<vmem>>)
      %dma_wait3A_181 = arith.constant 0 : i32
      %dma_wait3A_182 = tpu.memref_slice %arg3[%dma_wait3A_181] : memref<3200000xi32, #tpu.memory_space<hbm>> -> memref<160xi32, #tpu.memory_space<hbm>>
      %dma_wait3A_183 = arith.constant 0 : i32
      %dma_wait3A_184 = tpu.memref_slice %arg3[%dma_wait3A_183] : memref<3200000xi32, #tpu.memory_space<hbm>> -> memref<160xi32, #tpu.memory_space<hbm>>
      tpu.wait_dma2 semaphore(%arg24 : memref<!tpu.dma_semaphore, #tpu.memory_space<semaphore_mem>>) src(%dma_wait3A_184 : memref<160xi32, #tpu.memory_space<hbm>>) dst(%arg11 : memref<160xi32, #tpu.memory_space<vmem>>)
      %dma_start3A_185 = arith.constant 0 : i32
      %dma_start3A_186 = arith.constant 0 : i32
      %dma_start3A_187 = tpu.memref_slice %arg4[%dma_start3A_185, %dma_start3A_186] : memref<100000x8xf32, #tpu.memory_space<hbm>> -> memref<100000x8xf32, #tpu.memory_space<hbm>>
      tpu.enqueue_indirect_dma source(%dma_start3A_187 : memref<100000x8xf32, #tpu.memory_space<hbm>>) target(%arg13 : memref<160x8xf32, #tpu.memory_space<vmem>>) offsets(%arg9 : memref<160xi32, #tpu.memory_space<vmem>>) semaphore(%arg26 : memref<!tpu.dma_semaphore, #tpu.memory_space<semaphore_mem>>)
      %dma_start3A_188 = arith.constant 0 : i32
      %dma_start3A_189 = arith.constant 0 : i32
      %dma_start3A_190 = tpu.memref_slice %arg4[%dma_start3A_188, %dma_start3A_189] : memref<100000x8xf32, #tpu.memory_space<hbm>> -> memref<100000x8xf32, #tpu.memory_space<hbm>>
      tpu.enqueue_indirect_dma source(%dma_start3A_190 : memref<100000x8xf32, #tpu.memory_space<hbm>>) target(%arg15 : memref<160x8xf32, #tpu.memory_space<vmem>>) offsets(%arg11 : memref<160xi32, #tpu.memory_space<vmem>>) semaphore(%arg26 : memref<!tpu.dma_semaphore, #tpu.memory_space<semaphore_mem>>)
      %dma_start3A_191 = arith.constant 0 : i32
      %dma_start3A_192 = arith.constant 0 : i32
      %dma_start3A_193 = tpu.memref_slice %arg5[%dma_start3A_191, %dma_start3A_192] : memref<100000x16xf32, #tpu.memory_space<hbm>> -> memref<100000x16xf32, #tpu.memory_space<hbm>>
      tpu.enqueue_indirect_dma source(%dma_start3A_193 : memref<100000x16xf32, #tpu.memory_space<hbm>>) target(%arg17 : memref<160x16xf32, #tpu.memory_space<vmem>>) offsets(%arg9 : memref<160xi32, #tpu.memory_space<vmem>>) semaphore(%arg26 : memref<!tpu.dma_semaphore, #tpu.memory_space<semaphore_mem>>)
      %parallel_loop3A_194 = arith.constant 0 : i32
      %parallel_loop3A_195 = arith.constant 10 : i32
      %parallel_loop3A_196 = arith.constant 1 : i32
      scf.for %parallel_loop3A_208 = %parallel_loop3A_194 to %parallel_loop3A_195 step %parallel_loop3A_196  : i32 {
        %parallel_loop3A_209 = arith.constant 16 : i32
        %parallel_loop3A_210 = arith.muli %parallel_loop3A_208, %parallel_loop3A_209 : i32
        %parallel_loop3A_211 = vector.broadcast %parallel_loop3A_210 : i32 to vector<16xi32>
        %parallel_loop3A_212 = arith.addi %parallel_loop3A_211, %iota3A : vector<16xi32>
        %parallel_loop3A_213 = tpu.vector_load_idx %arg14[%parallel_loop3A_212, %broadcast_in_dim3A_15] : memref<160x8xf32, #tpu.memory_space<vmem>>[vector<16xi32>, vector<16xi32>], vector<16xf32>,
        %parallel_loop3A_214 = tpu.vector_load_idx %arg14[%parallel_loop3A_212, %broadcast_in_dim3A_17] : memref<160x8xf32, #tpu.memory_space<vmem>>[vector<16xi32>, vector<16xi32>], vector<16xf32>,
        %parallel_loop3A_215 = tpu.vector_load_idx %arg14[%parallel_loop3A_212, %broadcast_in_dim3A_19] : memref<160x8xf32, #tpu.memory_space<vmem>>[vector<16xi32>, vector<16xi32>], vector<16xf32>,
        %parallel_loop3A_216 = tpu.vector_load_idx %arg16[%parallel_loop3A_212, %broadcast_in_dim3A_15] : memref<160x8xf32, #tpu.memory_space<vmem>>[vector<16xi32>, vector<16xi32>], vector<16xf32>,
        %parallel_loop3A_217 = tpu.vector_load_idx %arg16[%parallel_loop3A_212, %broadcast_in_dim3A_17] : memref<160x8xf32, #tpu.memory_space<vmem>>[vector<16xi32>, vector<16xi32>], vector<16xf32>,
        %parallel_loop3A_218 = tpu.vector_load_idx %arg16[%parallel_loop3A_212, %broadcast_in_dim3A_19] : memref<160x8xf32, #tpu.memory_space<vmem>>[vector<16xi32>, vector<16xi32>], vector<16xf32>,
        %parallel_loop3A_219 = arith.subf %parallel_loop3A_213, %parallel_loop3A_216 : vector<16xf32>
        %parallel_loop3A_220 = arith.subf %parallel_loop3A_214, %parallel_loop3A_217 : vector<16xf32>
        %parallel_loop3A_221 = arith.subf %parallel_loop3A_215, %parallel_loop3A_218 : vector<16xf32>
        %parallel_loop3A_222 = arith.mulf %parallel_loop3A_219, %parallel_loop3A_219 : vector<16xf32>
        %parallel_loop3A_223 = arith.mulf %parallel_loop3A_220, %parallel_loop3A_220 : vector<16xf32>
        %parallel_loop3A_224 = arith.addf %parallel_loop3A_222, %parallel_loop3A_223 : vector<16xf32>
        %parallel_loop3A_225 = arith.mulf %parallel_loop3A_221, %parallel_loop3A_221 : vector<16xf32>
        %parallel_loop3A_226 = arith.addf %parallel_loop3A_224, %parallel_loop3A_225 : vector<16xf32>
        %parallel_loop3A_227 = arith.constant 9.99999996E-13 : f32
        %parallel_loop3A_228 = vector.broadcast %parallel_loop3A_227 : f32 to vector<16xf32>
        %parallel_loop3A_229 = arith.addf %parallel_loop3A_226, %parallel_loop3A_228 : vector<16xf32>
        %parallel_loop3A_230 = vector.bitcast %parallel_loop3A_229 : vector<16xf32> to vector<16xi32>
        %parallel_loop3A_231 = arith.constant 1 : i32
        %parallel_loop3A_232 = vector.broadcast %parallel_loop3A_231 : i32 to vector<16xi32>
        %parallel_loop3A_233 = arith.shrui %parallel_loop3A_230, %parallel_loop3A_232 : vector<16xi32>
        %parallel_loop3A_234 = arith.constant 1597463007 : i32
        %parallel_loop3A_235 = vector.broadcast %parallel_loop3A_234 : i32 to vector<16xi32>
        %parallel_loop3A_236 = arith.subi %parallel_loop3A_235, %parallel_loop3A_233 : vector<16xi32>
        %parallel_loop3A_237 = vector.bitcast %parallel_loop3A_236 : vector<16xi32> to vector<16xf32>
        %parallel_loop3A_238 = arith.constant 5.000000e-01 : f32
        %parallel_loop3A_239 = vector.broadcast %parallel_loop3A_238 : f32 to vector<16xf32>
        %parallel_loop3A_240 = arith.mulf %parallel_loop3A_239, %parallel_loop3A_229 : vector<16xf32>
        %parallel_loop3A_241 = arith.mulf %parallel_loop3A_240, %parallel_loop3A_237 : vector<16xf32>
        %parallel_loop3A_242 = arith.mulf %parallel_loop3A_241, %parallel_loop3A_237 : vector<16xf32>
        %parallel_loop3A_243 = arith.constant 1.500000e+00 : f32
        %parallel_loop3A_244 = vector.broadcast %parallel_loop3A_243 : f32 to vector<16xf32>
        %parallel_loop3A_245 = arith.subf %parallel_loop3A_244, %parallel_loop3A_242 : vector<16xf32>
        %parallel_loop3A_246 = arith.mulf %parallel_loop3A_237, %parallel_loop3A_245 : vector<16xf32>
        %parallel_loop3A_247 = arith.constant 5.000000e-01 : f32
        %parallel_loop3A_248 = vector.broadcast %parallel_loop3A_247 : f32 to vector<16xf32>
        %parallel_loop3A_249 = arith.mulf %parallel_loop3A_248, %parallel_loop3A_229 : vector<16xf32>
        %parallel_loop3A_250 = arith.mulf %parallel_loop3A_249, %parallel_loop3A_246 : vector<16xf32>
        %parallel_loop3A_251 = arith.mulf %parallel_loop3A_250, %parallel_loop3A_246 : vector<16xf32>
        %parallel_loop3A_252 = arith.constant 1.500000e+00 : f32
        %parallel_loop3A_253 = vector.broadcast %parallel_loop3A_252 : f32 to vector<16xf32>
        %parallel_loop3A_254 = arith.subf %parallel_loop3A_253, %parallel_loop3A_251 : vector<16xf32>
        %parallel_loop3A_255 = arith.mulf %parallel_loop3A_246, %parallel_loop3A_254 : vector<16xf32>
        %parallel_loop3A_256 = arith.mulf %parallel_loop3A_229, %parallel_loop3A_255 : vector<16xf32>
        %parallel_loop3A_257 = arith.mulf %parallel_loop3A_256, %get3A_14 : vector<16xf32>
        %parallel_loop3A_258 = arith.fptosi %parallel_loop3A_257 : vector<16xf32> to vector<16xi32>
        %parallel_loop3A_259 = arith.constant 511 : i32
        %parallel_loop3A_260 = vector.broadcast %parallel_loop3A_259 : i32 to vector<16xi32>
        %parallel_loop3A_261 = arith.minsi %parallel_loop3A_258, %parallel_loop3A_260 : vector<16xi32>
        %parallel_loop3A_262 = tpu.vector_load_idx %arg20[%parallel_loop3A_261, %broadcast_in_dim3A_15] : memref<512x16xf32, #tpu.memory_space<vmem>>[vector<16xi32>, vector<16xi32>], vector<16xf32>,
        %parallel_loop3A_263 = tpu.vector_load_idx %arg18[%parallel_loop3A_212, %broadcast_in_dim3A_15] : memref<160x16xf32, #tpu.memory_space<vmem>>[vector<16xi32>, vector<16xi32>], vector<16xf32>,
        %parallel_loop3A_264 = arith.mulf %parallel_loop3A_262, %parallel_loop3A_263 : vector<16xf32>
        %parallel_loop3A_265 = tpu.vector_load_idx %arg20[%parallel_loop3A_261, %broadcast_in_dim3A_17] : memref<512x16xf32, #tpu.memory_space<vmem>>[vector<16xi32>, vector<16xi32>], vector<16xf32>,
        %parallel_loop3A_266 = tpu.vector_load_idx %arg18[%parallel_loop3A_212, %broadcast_in_dim3A_17] : memref<160x16xf32, #tpu.memory_space<vmem>>[vector<16xi32>, vector<16xi32>], vector<16xf32>,
        %parallel_loop3A_267 = arith.mulf %parallel_loop3A_265, %parallel_loop3A_266 : vector<16xf32>
        %parallel_loop3A_268 = tpu.vector_load_idx %arg20[%parallel_loop3A_261, %broadcast_in_dim3A_19] : memref<512x16xf32, #tpu.memory_space<vmem>>[vector<16xi32>, vector<16xi32>], vector<16xf32>,
        %parallel_loop3A_269 = tpu.vector_load_idx %arg18[%parallel_loop3A_212, %broadcast_in_dim3A_19] : memref<160x16xf32, #tpu.memory_space<vmem>>[vector<16xi32>, vector<16xi32>], vector<16xf32>,
        %parallel_loop3A_270 = arith.mulf %parallel_loop3A_268, %parallel_loop3A_269 : vector<16xf32>
        %parallel_loop3A_271 = tpu.vector_load_idx %arg20[%parallel_loop3A_261, %broadcast_in_dim3A_21] : memref<512x16xf32, #tpu.memory_space<vmem>>[vector<16xi32>, vector<16xi32>], vector<16xf32>,
        %parallel_loop3A_272 = tpu.vector_load_idx %arg18[%parallel_loop3A_212, %broadcast_in_dim3A_21] : memref<160x16xf32, #tpu.memory_space<vmem>>[vector<16xi32>, vector<16xi32>], vector<16xf32>,
        %parallel_loop3A_273 = arith.mulf %parallel_loop3A_271, %parallel_loop3A_272 : vector<16xf32>
        %parallel_loop3A_274 = tpu.vector_load_idx %arg20[%parallel_loop3A_261, %broadcast_in_dim3A_23] : memref<512x16xf32, #tpu.memory_space<vmem>>[vector<16xi32>, vector<16xi32>], vector<16xf32>,
        %parallel_loop3A_275 = tpu.vector_load_idx %arg18[%parallel_loop3A_212, %broadcast_in_dim3A_23] : memref<160x16xf32, #tpu.memory_space<vmem>>[vector<16xi32>, vector<16xi32>], vector<16xf32>,
        %parallel_loop3A_276 = arith.mulf %parallel_loop3A_274, %parallel_loop3A_275 : vector<16xf32>
        %parallel_loop3A_277 = tpu.vector_load_idx %arg20[%parallel_loop3A_261, %broadcast_in_dim3A_25] : memref<512x16xf32, #tpu.memory_space<vmem>>[vector<16xi32>, vector<16xi32>], vector<16xf32>,
        %parallel_loop3A_278 = tpu.vector_load_idx %arg18[%parallel_loop3A_212, %broadcast_in_dim3A_25] : memref<160x16xf32, #tpu.memory_space<vmem>>[vector<16xi32>, vector<16xi32>], vector<16xf32>,
        %parallel_loop3A_279 = arith.mulf %parallel_loop3A_277, %parallel_loop3A_278 : vector<16xf32>
        %parallel_loop3A_280 = tpu.vector_load_idx %arg20[%parallel_loop3A_261, %broadcast_in_dim3A_27] : memref<512x16xf32, #tpu.memory_space<vmem>>[vector<16xi32>, vector<16xi32>], vector<16xf32>,
        %parallel_loop3A_281 = tpu.vector_load_idx %arg18[%parallel_loop3A_212, %broadcast_in_dim3A_27] : memref<160x16xf32, #tpu.memory_space<vmem>>[vector<16xi32>, vector<16xi32>], vector<16xf32>,
        %parallel_loop3A_282 = arith.mulf %parallel_loop3A_280, %parallel_loop3A_281 : vector<16xf32>
        %parallel_loop3A_283 = tpu.vector_load_idx %arg20[%parallel_loop3A_261, %broadcast_in_dim3A_29] : memref<512x16xf32, #tpu.memory_space<vmem>>[vector<16xi32>, vector<16xi32>], vector<16xf32>,
        %parallel_loop3A_284 = tpu.vector_load_idx %arg18[%parallel_loop3A_212, %broadcast_in_dim3A_29] : memref<160x16xf32, #tpu.memory_space<vmem>>[vector<16xi32>, vector<16xi32>], vector<16xf32>,
        %parallel_loop3A_285 = arith.mulf %parallel_loop3A_283, %parallel_loop3A_284 : vector<16xf32>
        %parallel_loop3A_286 = tpu.vector_load_idx %arg20[%parallel_loop3A_261, %broadcast_in_dim3A_31] : memref<512x16xf32, #tpu.memory_space<vmem>>[vector<16xi32>, vector<16xi32>], vector<16xf32>,
        %parallel_loop3A_287 = tpu.vector_load_idx %arg18[%parallel_loop3A_212, %broadcast_in_dim3A_31] : memref<160x16xf32, #tpu.memory_space<vmem>>[vector<16xi32>, vector<16xi32>], vector<16xf32>,
        %parallel_loop3A_288 = arith.mulf %parallel_loop3A_286, %parallel_loop3A_287 : vector<16xf32>
        %parallel_loop3A_289 = tpu.vector_load_idx %arg20[%parallel_loop3A_261, %broadcast_in_dim3A_33] : memref<512x16xf32, #tpu.memory_space<vmem>>[vector<16xi32>, vector<16xi32>], vector<16xf32>,
        %parallel_loop3A_290 = tpu.vector_load_idx %arg18[%parallel_loop3A_212, %broadcast_in_dim3A_33] : memref<160x16xf32, #tpu.memory_space<vmem>>[vector<16xi32>, vector<16xi32>], vector<16xf32>,
        %parallel_loop3A_291 = arith.mulf %parallel_loop3A_289, %parallel_loop3A_290 : vector<16xf32>
        %parallel_loop3A_292 = tpu.vector_load_idx %arg20[%parallel_loop3A_261, %broadcast_in_dim3A_35] : memref<512x16xf32, #tpu.memory_space<vmem>>[vector<16xi32>, vector<16xi32>], vector<16xf32>,
        %parallel_loop3A_293 = tpu.vector_load_idx %arg18[%parallel_loop3A_212, %broadcast_in_dim3A_35] : memref<160x16xf32, #tpu.memory_space<vmem>>[vector<16xi32>, vector<16xi32>], vector<16xf32>,
        %parallel_loop3A_294 = arith.mulf %parallel_loop3A_292, %parallel_loop3A_293 : vector<16xf32>
        %parallel_loop3A_295 = tpu.vector_load_idx %arg20[%parallel_loop3A_261, %broadcast_in_dim3A_37] : memref<512x16xf32, #tpu.memory_space<vmem>>[vector<16xi32>, vector<16xi32>], vector<16xf32>,
        %parallel_loop3A_296 = tpu.vector_load_idx %arg18[%parallel_loop3A_212, %broadcast_in_dim3A_37] : memref<160x16xf32, #tpu.memory_space<vmem>>[vector<16xi32>, vector<16xi32>], vector<16xf32>,
        %parallel_loop3A_297 = arith.mulf %parallel_loop3A_295, %parallel_loop3A_296 : vector<16xf32>
        %parallel_loop3A_298 = tpu.vector_load_idx %arg20[%parallel_loop3A_261, %broadcast_in_dim3A_39] : memref<512x16xf32, #tpu.memory_space<vmem>>[vector<16xi32>, vector<16xi32>], vector<16xf32>,
        %parallel_loop3A_299 = tpu.vector_load_idx %arg18[%parallel_loop3A_212, %broadcast_in_dim3A_39] : memref<160x16xf32, #tpu.memory_space<vmem>>[vector<16xi32>, vector<16xi32>], vector<16xf32>,
        %parallel_loop3A_300 = arith.mulf %parallel_loop3A_298, %parallel_loop3A_299 : vector<16xf32>
        %parallel_loop3A_301 = tpu.vector_load_idx %arg20[%parallel_loop3A_261, %broadcast_in_dim3A_41] : memref<512x16xf32, #tpu.memory_space<vmem>>[vector<16xi32>, vector<16xi32>], vector<16xf32>,
        %parallel_loop3A_302 = tpu.vector_load_idx %arg18[%parallel_loop3A_212, %broadcast_in_dim3A_41] : memref<160x16xf32, #tpu.memory_space<vmem>>[vector<16xi32>, vector<16xi32>], vector<16xf32>,
        %parallel_loop3A_303 = arith.mulf %parallel_loop3A_301, %parallel_loop3A_302 : vector<16xf32>
        %parallel_loop3A_304 = tpu.vector_load_idx %arg20[%parallel_loop3A_261, %broadcast_in_dim3A_43] : memref<512x16xf32, #tpu.memory_space<vmem>>[vector<16xi32>, vector<16xi32>], vector<16xf32>,
        %parallel_loop3A_305 = tpu.vector_load_idx %arg18[%parallel_loop3A_212, %broadcast_in_dim3A_43] : memref<160x16xf32, #tpu.memory_space<vmem>>[vector<16xi32>, vector<16xi32>], vector<16xf32>,
        %parallel_loop3A_306 = arith.mulf %parallel_loop3A_304, %parallel_loop3A_305 : vector<16xf32>
        %parallel_loop3A_307 = tpu.vector_load_idx %arg20[%parallel_loop3A_261, %broadcast_in_dim3A_45] : memref<512x16xf32, #tpu.memory_space<vmem>>[vector<16xi32>, vector<16xi32>], vector<16xf32>,
        %parallel_loop3A_308 = tpu.vector_load_idx %arg18[%parallel_loop3A_212, %broadcast_in_dim3A_45] : memref<160x16xf32, #tpu.memory_space<vmem>>[vector<16xi32>, vector<16xi32>], vector<16xf32>,
        %parallel_loop3A_309 = arith.mulf %parallel_loop3A_307, %parallel_loop3A_308 : vector<16xf32>
        tpu.vector_store_idx %arg19[%parallel_loop3A_212, %broadcast_in_dim3A_15], %parallel_loop3A_264 : memref<160x16xf32, #tpu.memory_space<vmem>>[vector<16xi32>, vector<16xi32>], vector<16xf32>,
        tpu.vector_store_idx %arg19[%parallel_loop3A_212, %broadcast_in_dim3A_17], %parallel_loop3A_267 : memref<160x16xf32, #tpu.memory_space<vmem>>[vector<16xi32>, vector<16xi32>], vector<16xf32>,
        tpu.vector_store_idx %arg19[%parallel_loop3A_212, %broadcast_in_dim3A_19], %parallel_loop3A_270 : memref<160x16xf32, #tpu.memory_space<vmem>>[vector<16xi32>, vector<16xi32>], vector<16xf32>,
        tpu.vector_store_idx %arg19[%parallel_loop3A_212, %broadcast_in_dim3A_21], %parallel_loop3A_273 : memref<160x16xf32, #tpu.memory_space<vmem>>[vector<16xi32>, vector<16xi32>], vector<16xf32>,
        tpu.vector_store_idx %arg19[%parallel_loop3A_212, %broadcast_in_dim3A_23], %parallel_loop3A_276 : memref<160x16xf32, #tpu.memory_space<vmem>>[vector<16xi32>, vector<16xi32>], vector<16xf32>,
        tpu.vector_store_idx %arg19[%parallel_loop3A_212, %broadcast_in_dim3A_25], %parallel_loop3A_279 : memref<160x16xf32, #tpu.memory_space<vmem>>[vector<16xi32>, vector<16xi32>], vector<16xf32>,
        tpu.vector_store_idx %arg19[%parallel_loop3A_212, %broadcast_in_dim3A_27], %parallel_loop3A_282 : memref<160x16xf32, #tpu.memory_space<vmem>>[vector<16xi32>, vector<16xi32>], vector<16xf32>,
        tpu.vector_store_idx %arg19[%parallel_loop3A_212, %broadcast_in_dim3A_29], %parallel_loop3A_285 : memref<160x16xf32, #tpu.memory_space<vmem>>[vector<16xi32>, vector<16xi32>], vector<16xf32>,
        tpu.vector_store_idx %arg19[%parallel_loop3A_212, %broadcast_in_dim3A_31], %parallel_loop3A_288 : memref<160x16xf32, #tpu.memory_space<vmem>>[vector<16xi32>, vector<16xi32>], vector<16xf32>,
        tpu.vector_store_idx %arg19[%parallel_loop3A_212, %broadcast_in_dim3A_33], %parallel_loop3A_291 : memref<160x16xf32, #tpu.memory_space<vmem>>[vector<16xi32>, vector<16xi32>], vector<16xf32>,
        tpu.vector_store_idx %arg19[%parallel_loop3A_212, %broadcast_in_dim3A_35], %parallel_loop3A_294 : memref<160x16xf32, #tpu.memory_space<vmem>>[vector<16xi32>, vector<16xi32>], vector<16xf32>,
        tpu.vector_store_idx %arg19[%parallel_loop3A_212, %broadcast_in_dim3A_37], %parallel_loop3A_297 : memref<160x16xf32, #tpu.memory_space<vmem>>[vector<16xi32>, vector<16xi32>], vector<16xf32>,
        tpu.vector_store_idx %arg19[%parallel_loop3A_212, %broadcast_in_dim3A_39], %parallel_loop3A_300 : memref<160x16xf32, #tpu.memory_space<vmem>>[vector<16xi32>, vector<16xi32>], vector<16xf32>,
        tpu.vector_store_idx %arg19[%parallel_loop3A_212, %broadcast_in_dim3A_41], %parallel_loop3A_303 : memref<160x16xf32, #tpu.memory_space<vmem>>[vector<16xi32>, vector<16xi32>], vector<16xf32>,
        tpu.vector_store_idx %arg19[%parallel_loop3A_212, %broadcast_in_dim3A_43], %parallel_loop3A_306 : memref<160x16xf32, #tpu.memory_space<vmem>>[vector<16xi32>, vector<16xi32>], vector<16xf32>,
        tpu.vector_store_idx %arg19[%parallel_loop3A_212, %broadcast_in_dim3A_45], %parallel_loop3A_309 : memref<160x16xf32, #tpu.memory_space<vmem>>[vector<16xi32>, vector<16xi32>], vector<16xf32>,
      } {sc.loop_unroll_factor = 1 : i64, sc.parallel_access}
      "tpu.region"() ({
        %run_scoped3A = tpu.sem_alloc : memref<!tpu.dma_semaphore, #tpu.memory_space<semaphore_mem>>
        %dma_start3A_208 = arith.constant 0 : i32
        %dma_start3A_209 = arith.constant 0 : i32
        %dma_start3A_210 = tpu.memref_slice %arg23[%dma_start3A_208, %dma_start3A_209] : memref<100000x16xf32, #tpu.memory_space<vmem_shared>> -> memref<100000x16xf32, #tpu.memory_space<vmem_shared>>
        tpu.enqueue_indirect_dma source(%arg19 : memref<160x16xf32, #tpu.memory_space<vmem>>) target(%dma_start3A_210 : memref<100000x16xf32, #tpu.memory_space<vmem_shared>>) offsets(%arg12 : memref<160xi32, #tpu.memory_space<vmem>>) semaphore(%run_scoped3A : memref<!tpu.dma_semaphore, #tpu.memory_space<semaphore_mem>>) {add = true}
        %dma_wait3A_211 = arith.constant 0 : i32
        %dma_wait3A_212 = arith.constant 0 : i32
        %dma_wait3A_213 = tpu.memref_slice %arg23[%dma_wait3A_211, %dma_wait3A_212] : memref<100000x16xf32, #tpu.memory_space<vmem_shared>> -> memref<100000x16xf32, #tpu.memory_space<vmem_shared>>
        tpu.wait_indirect_dma semaphore(%run_scoped3A : memref<!tpu.dma_semaphore, #tpu.memory_space<semaphore_mem>>) src(%arg19 : memref<160x16xf32, #tpu.memory_space<vmem>>) dst(%dma_wait3A_213 : memref<100000x16xf32, #tpu.memory_space<vmem_shared>>)
        tpu.yield
      }) : () -> ()
      %add3A_197 = arith.constant 2 : i32
      %add3A_198 = arith.addi %add3A_167, %add3A_197 : i32
      %min3A_199 = arith.constant 624 : i32
      %min3A_200 = arith.minsi %add3A_198, %min3A_199 : i32
      %mul3A_201 = arith.constant 160 : i32
      %mul3A_202 = arith.muli %min3A_200, %mul3A_201 : i32
      %add3A_203 = arith.addi %mul3A_47, %mul3A_202 : i32
      %dma_start3A_204 = tpu.memref_slice %arg2[%add3A_203] : memref<3200000xi32, #tpu.memory_space<hbm>> -> memref<160xi32, #tpu.memory_space<hbm>>
      %dma_start3A_205 = tpu.memref_slice %arg2[%add3A_203] : memref<3200000xi32, #tpu.memory_space<hbm>> -> memref<160xi32, #tpu.memory_space<hbm>>
      tpu.enqueue_dma source(%dma_start3A_205 : memref<160xi32, #tpu.memory_space<hbm>>) target(%arg10 : memref<160xi32, #tpu.memory_space<vmem>>) target_semaphore(%arg25 : memref<!tpu.dma_semaphore, #tpu.memory_space<semaphore_mem>>)
      %dma_start3A_206 = tpu.memref_slice %arg3[%add3A_203] : memref<3200000xi32, #tpu.memory_space<hbm>> -> memref<160xi32, #tpu.memory_space<hbm>>
      %dma_start3A_207 = tpu.memref_slice %arg3[%add3A_203] : memref<3200000xi32, #tpu.memory_space<hbm>> -> memref<160xi32, #tpu.memory_space<hbm>>
      tpu.enqueue_dma source(%dma_start3A_207 : memref<160xi32, #tpu.memory_space<hbm>>) target(%arg12 : memref<160xi32, #tpu.memory_space<vmem>>) target_semaphore(%arg25 : memref<!tpu.dma_semaphore, #tpu.memory_space<semaphore_mem>>)
    }
    %scan3A_87 = arith.constant 312 : i32
    %dma_wait3A_88 = arith.constant 0 : i32
    %dma_wait3A_89 = arith.constant 0 : i32
    %dma_wait3A_90 = tpu.memref_slice %arg4[%dma_wait3A_88, %dma_wait3A_89] : memref<100000x8xf32, #tpu.memory_space<hbm>> -> memref<100000x8xf32, #tpu.memory_space<hbm>>
    tpu.wait_indirect_dma semaphore(%arg26 : memref<!tpu.dma_semaphore, #tpu.memory_space<semaphore_mem>>) src(%dma_wait3A_90 : memref<100000x8xf32, #tpu.memory_space<hbm>>) dst(%arg13 : memref<160x8xf32, #tpu.memory_space<vmem>>)
    %dma_wait3A_91 = arith.constant 0 : i32
    %dma_wait3A_92 = arith.constant 0 : i32
    %dma_wait3A_93 = tpu.memref_slice %arg4[%dma_wait3A_91, %dma_wait3A_92] : memref<100000x8xf32, #tpu.memory_space<hbm>> -> memref<100000x8xf32, #tpu.memory_space<hbm>>
    tpu.wait_indirect_dma semaphore(%arg26 : memref<!tpu.dma_semaphore, #tpu.memory_space<semaphore_mem>>) src(%dma_wait3A_93 : memref<100000x8xf32, #tpu.memory_space<hbm>>) dst(%arg15 : memref<160x8xf32, #tpu.memory_space<vmem>>)
    %dma_wait3A_94 = arith.constant 0 : i32
    %dma_wait3A_95 = arith.constant 0 : i32
    %dma_wait3A_96 = tpu.memref_slice %arg5[%dma_wait3A_94, %dma_wait3A_95] : memref<100000x16xf32, #tpu.memory_space<hbm>> -> memref<100000x16xf32, #tpu.memory_space<hbm>>
    tpu.wait_indirect_dma semaphore(%arg26 : memref<!tpu.dma_semaphore, #tpu.memory_space<semaphore_mem>>) src(%dma_wait3A_96 : memref<100000x16xf32, #tpu.memory_space<hbm>>) dst(%arg17 : memref<160x16xf32, #tpu.memory_space<vmem>>)
    %dma_wait3A_97 = arith.constant 0 : i32
    %dma_wait3A_98 = tpu.memref_slice %arg2[%dma_wait3A_97] : memref<3200000xi32, #tpu.memory_space<hbm>> -> memref<160xi32, #tpu.memory_space<hbm>>
    %dma_wait3A_99 = arith.constant 0 : i32
    %dma_wait3A_100 = tpu.memref_slice %arg2[%dma_wait3A_99] : memref<3200000xi32, #tpu.memory_space<hbm>> -> memref<160xi32, #tpu.memory_space<hbm>>
    tpu.wait_dma2 semaphore(%arg25 : memref<!tpu.dma_semaphore, #tpu.memory_space<semaphore_mem>>) src(%dma_wait3A_100 : memref<160xi32, #tpu.memory_space<hbm>>) dst(%arg10 : memref<160xi32, #tpu.memory_space<vmem>>)
    %dma_wait3A_101 = arith.constant 0 : i32
    %dma_wait3A_102 = tpu.memref_slice %arg3[%dma_wait3A_101] : memref<3200000xi32, #tpu.memory_space<hbm>> -> memref<160xi32, #tpu.memory_space<hbm>>
    %dma_wait3A_103 = arith.constant 0 : i32
    %dma_wait3A_104 = tpu.memref_slice %arg3[%dma_wait3A_103] : memref<3200000xi32, #tpu.memory_space<hbm>> -> memref<160xi32, #tpu.memory_space<hbm>>
    tpu.wait_dma2 semaphore(%arg25 : memref<!tpu.dma_semaphore, #tpu.memory_space<semaphore_mem>>) src(%dma_wait3A_104 : memref<160xi32, #tpu.memory_space<hbm>>) dst(%arg12 : memref<160xi32, #tpu.memory_space<vmem>>)
    %parallel_loop3A = arith.constant 0 : i32
    %parallel_loop3A_105 = arith.constant 10 : i32
    %parallel_loop3A_106 = arith.constant 1 : i32
    scf.for %parallel_loop3A_119 = %parallel_loop3A to %parallel_loop3A_105 step %parallel_loop3A_106  : i32 {
      %parallel_loop3A_120 = arith.constant 16 : i32
      %parallel_loop3A_121 = arith.muli %parallel_loop3A_119, %parallel_loop3A_120 : i32
      %parallel_loop3A_122 = vector.broadcast %parallel_loop3A_121 : i32 to vector<16xi32>
      %parallel_loop3A_123 = arith.addi %parallel_loop3A_122, %iota3A : vector<16xi32>
      %parallel_loop3A_124 = tpu.vector_load_idx %arg13[%parallel_loop3A_123, %broadcast_in_dim3A_15] : memref<160x8xf32, #tpu.memory_space<vmem>>[vector<16xi32>, vector<16xi32>], vector<16xf32>,
      %parallel_loop3A_125 = tpu.vector_load_idx %arg13[%parallel_loop3A_123, %broadcast_in_dim3A_17] : memref<160x8xf32, #tpu.memory_space<vmem>>[vector<16xi32>, vector<16xi32>], vector<16xf32>,
      %parallel_loop3A_126 = tpu.vector_load_idx %arg13[%parallel_loop3A_123, %broadcast_in_dim3A_19] : memref<160x8xf32, #tpu.memory_space<vmem>>[vector<16xi32>, vector<16xi32>], vector<16xf32>,
      %parallel_loop3A_127 = tpu.vector_load_idx %arg15[%parallel_loop3A_123, %broadcast_in_dim3A_15] : memref<160x8xf32, #tpu.memory_space<vmem>>[vector<16xi32>, vector<16xi32>], vector<16xf32>,
      %parallel_loop3A_128 = tpu.vector_load_idx %arg15[%parallel_loop3A_123, %broadcast_in_dim3A_17] : memref<160x8xf32, #tpu.memory_space<vmem>>[vector<16xi32>, vector<16xi32>], vector<16xf32>,
      %parallel_loop3A_129 = tpu.vector_load_idx %arg15[%parallel_loop3A_123, %broadcast_in_dim3A_19] : memref<160x8xf32, #tpu.memory_space<vmem>>[vector<16xi32>, vector<16xi32>], vector<16xf32>,
      %parallel_loop3A_130 = arith.subf %parallel_loop3A_124, %parallel_loop3A_127 : vector<16xf32>
      %parallel_loop3A_131 = arith.subf %parallel_loop3A_125, %parallel_loop3A_128 : vector<16xf32>
      %parallel_loop3A_132 = arith.subf %parallel_loop3A_126, %parallel_loop3A_129 : vector<16xf32>
      %parallel_loop3A_133 = arith.mulf %parallel_loop3A_130, %parallel_loop3A_130 : vector<16xf32>
      %parallel_loop3A_134 = arith.mulf %parallel_loop3A_131, %parallel_loop3A_131 : vector<16xf32>
      %parallel_loop3A_135 = arith.addf %parallel_loop3A_133, %parallel_loop3A_134 : vector<16xf32>
      %parallel_loop3A_136 = arith.mulf %parallel_loop3A_132, %parallel_loop3A_132 : vector<16xf32>
      %parallel_loop3A_137 = arith.addf %parallel_loop3A_135, %parallel_loop3A_136 : vector<16xf32>
      %parallel_loop3A_138 = arith.constant 9.99999996E-13 : f32
      %parallel_loop3A_139 = vector.broadcast %parallel_loop3A_138 : f32 to vector<16xf32>
      %parallel_loop3A_140 = arith.addf %parallel_loop3A_137, %parallel_loop3A_139 : vector<16xf32>
      %parallel_loop3A_141 = vector.bitcast %parallel_loop3A_140 : vector<16xf32> to vector<16xi32>
      %parallel_loop3A_142 = arith.constant 1 : i32
      %parallel_loop3A_143 = vector.broadcast %parallel_loop3A_142 : i32 to vector<16xi32>
      %parallel_loop3A_144 = arith.shrui %parallel_loop3A_141, %parallel_loop3A_143 : vector<16xi32>
      %parallel_loop3A_145 = arith.constant 1597463007 : i32
      %parallel_loop3A_146 = vector.broadcast %parallel_loop3A_145 : i32 to vector<16xi32>
      %parallel_loop3A_147 = arith.subi %parallel_loop3A_146, %parallel_loop3A_144 : vector<16xi32>
      %parallel_loop3A_148 = vector.bitcast %parallel_loop3A_147 : vector<16xi32> to vector<16xf32>
      %parallel_loop3A_149 = arith.constant 5.000000e-01 : f32
      %parallel_loop3A_150 = vector.broadcast %parallel_loop3A_149 : f32 to vector<16xf32>
      %parallel_loop3A_151 = arith.mulf %parallel_loop3A_150, %parallel_loop3A_140 : vector<16xf32>
      %parallel_loop3A_152 = arith.mulf %parallel_loop3A_151, %parallel_loop3A_148 : vector<16xf32>
      %parallel_loop3A_153 = arith.mulf %parallel_loop3A_152, %parallel_loop3A_148 : vector<16xf32>
      %parallel_loop3A_154 = arith.constant 1.500000e+00 : f32
      %parallel_loop3A_155 = vector.broadcast %parallel_loop3A_154 : f32 to vector<16xf32>
      %parallel_loop3A_156 = arith.subf %parallel_loop3A_155, %parallel_loop3A_153 : vector<16xf32>
      %parallel_loop3A_157 = arith.mulf %parallel_loop3A_148, %parallel_loop3A_156 : vector<16xf32>
      %parallel_loop3A_158 = arith.constant 5.000000e-01 : f32
      %parallel_loop3A_159 = vector.broadcast %parallel_loop3A_158 : f32 to vector<16xf32>
      %parallel_loop3A_160 = arith.mulf %parallel_loop3A_159, %parallel_loop3A_140 : vector<16xf32>
      %parallel_loop3A_161 = arith.mulf %parallel_loop3A_160, %parallel_loop3A_157 : vector<16xf32>
      %parallel_loop3A_162 = arith.mulf %parallel_loop3A_161, %parallel_loop3A_157 : vector<16xf32>
      %parallel_loop3A_163 = arith.constant 1.500000e+00 : f32
      %parallel_loop3A_164 = vector.broadcast %parallel_loop3A_163 : f32 to vector<16xf32>
      %parallel_loop3A_165 = arith.subf %parallel_loop3A_164, %parallel_loop3A_162 : vector<16xf32>
      %parallel_loop3A_166 = arith.mulf %parallel_loop3A_157, %parallel_loop3A_165 : vector<16xf32>
      %parallel_loop3A_167 = arith.mulf %parallel_loop3A_140, %parallel_loop3A_166 : vector<16xf32>
      %parallel_loop3A_168 = arith.mulf %parallel_loop3A_167, %get3A_14 : vector<16xf32>
      %parallel_loop3A_169 = arith.fptosi %parallel_loop3A_168 : vector<16xf32> to vector<16xi32>
      %parallel_loop3A_170 = arith.constant 511 : i32
      %parallel_loop3A_171 = vector.broadcast %parallel_loop3A_170 : i32 to vector<16xi32>
      %parallel_loop3A_172 = arith.minsi %parallel_loop3A_169, %parallel_loop3A_171 : vector<16xi32>
      %parallel_loop3A_173 = tpu.vector_load_idx %arg20[%parallel_loop3A_172, %broadcast_in_dim3A_15] : memref<512x16xf32, #tpu.memory_space<vmem>>[vector<16xi32>, vector<16xi32>], vector<16xf32>,
      %parallel_loop3A_174 = tpu.vector_load_idx %arg17[%parallel_loop3A_123, %broadcast_in_dim3A_15] : memref<160x16xf32, #tpu.memory_space<vmem>>[vector<16xi32>, vector<16xi32>], vector<16xf32>,
      %parallel_loop3A_175 = arith.mulf %parallel_loop3A_173, %parallel_loop3A_174 : vector<16xf32>
      %parallel_loop3A_176 = tpu.vector_load_idx %arg20[%parallel_loop3A_172, %broadcast_in_dim3A_17] : memref<512x16xf32, #tpu.memory_space<vmem>>[vector<16xi32>, vector<16xi32>], vector<16xf32>,
      %parallel_loop3A_177 = tpu.vector_load_idx %arg17[%parallel_loop3A_123, %broadcast_in_dim3A_17] : memref<160x16xf32, #tpu.memory_space<vmem>>[vector<16xi32>, vector<16xi32>], vector<16xf32>,
      %parallel_loop3A_178 = arith.mulf %parallel_loop3A_176, %parallel_loop3A_177 : vector<16xf32>
      %parallel_loop3A_179 = tpu.vector_load_idx %arg20[%parallel_loop3A_172, %broadcast_in_dim3A_19] : memref<512x16xf32, #tpu.memory_space<vmem>>[vector<16xi32>, vector<16xi32>], vector<16xf32>,
      %parallel_loop3A_180 = tpu.vector_load_idx %arg17[%parallel_loop3A_123, %broadcast_in_dim3A_19] : memref<160x16xf32, #tpu.memory_space<vmem>>[vector<16xi32>, vector<16xi32>], vector<16xf32>,
      %parallel_loop3A_181 = arith.mulf %parallel_loop3A_179, %parallel_loop3A_180 : vector<16xf32>
      %parallel_loop3A_182 = tpu.vector_load_idx %arg20[%parallel_loop3A_172, %broadcast_in_dim3A_21] : memref<512x16xf32, #tpu.memory_space<vmem>>[vector<16xi32>, vector<16xi32>], vector<16xf32>,
      %parallel_loop3A_183 = tpu.vector_load_idx %arg17[%parallel_loop3A_123, %broadcast_in_dim3A_21] : memref<160x16xf32, #tpu.memory_space<vmem>>[vector<16xi32>, vector<16xi32>], vector<16xf32>,
      %parallel_loop3A_184 = arith.mulf %parallel_loop3A_182, %parallel_loop3A_183 : vector<16xf32>
      %parallel_loop3A_185 = tpu.vector_load_idx %arg20[%parallel_loop3A_172, %broadcast_in_dim3A_23] : memref<512x16xf32, #tpu.memory_space<vmem>>[vector<16xi32>, vector<16xi32>], vector<16xf32>,
      %parallel_loop3A_186 = tpu.vector_load_idx %arg17[%parallel_loop3A_123, %broadcast_in_dim3A_23] : memref<160x16xf32, #tpu.memory_space<vmem>>[vector<16xi32>, vector<16xi32>], vector<16xf32>,
      %parallel_loop3A_187 = arith.mulf %parallel_loop3A_185, %parallel_loop3A_186 : vector<16xf32>
      %parallel_loop3A_188 = tpu.vector_load_idx %arg20[%parallel_loop3A_172, %broadcast_in_dim3A_25] : memref<512x16xf32, #tpu.memory_space<vmem>>[vector<16xi32>, vector<16xi32>], vector<16xf32>,
      %parallel_loop3A_189 = tpu.vector_load_idx %arg17[%parallel_loop3A_123, %broadcast_in_dim3A_25] : memref<160x16xf32, #tpu.memory_space<vmem>>[vector<16xi32>, vector<16xi32>], vector<16xf32>,
      %parallel_loop3A_190 = arith.mulf %parallel_loop3A_188, %parallel_loop3A_189 : vector<16xf32>
      %parallel_loop3A_191 = tpu.vector_load_idx %arg20[%parallel_loop3A_172, %broadcast_in_dim3A_27] : memref<512x16xf32, #tpu.memory_space<vmem>>[vector<16xi32>, vector<16xi32>], vector<16xf32>,
      %parallel_loop3A_192 = tpu.vector_load_idx %arg17[%parallel_loop3A_123, %broadcast_in_dim3A_27] : memref<160x16xf32, #tpu.memory_space<vmem>>[vector<16xi32>, vector<16xi32>], vector<16xf32>,
      %parallel_loop3A_193 = arith.mulf %parallel_loop3A_191, %parallel_loop3A_192 : vector<16xf32>
      %parallel_loop3A_194 = tpu.vector_load_idx %arg20[%parallel_loop3A_172, %broadcast_in_dim3A_29] : memref<512x16xf32, #tpu.memory_space<vmem>>[vector<16xi32>, vector<16xi32>], vector<16xf32>,
      %parallel_loop3A_195 = tpu.vector_load_idx %arg17[%parallel_loop3A_123, %broadcast_in_dim3A_29] : memref<160x16xf32, #tpu.memory_space<vmem>>[vector<16xi32>, vector<16xi32>], vector<16xf32>,
      %parallel_loop3A_196 = arith.mulf %parallel_loop3A_194, %parallel_loop3A_195 : vector<16xf32>
      %parallel_loop3A_197 = tpu.vector_load_idx %arg20[%parallel_loop3A_172, %broadcast_in_dim3A_31] : memref<512x16xf32, #tpu.memory_space<vmem>>[vector<16xi32>, vector<16xi32>], vector<16xf32>,
      %parallel_loop3A_198 = tpu.vector_load_idx %arg17[%parallel_loop3A_123, %broadcast_in_dim3A_31] : memref<160x16xf32, #tpu.memory_space<vmem>>[vector<16xi32>, vector<16xi32>], vector<16xf32>,
      %parallel_loop3A_199 = arith.mulf %parallel_loop3A_197, %parallel_loop3A_198 : vector<16xf32>
      %parallel_loop3A_200 = tpu.vector_load_idx %arg20[%parallel_loop3A_172, %broadcast_in_dim3A_33] : memref<512x16xf32, #tpu.memory_space<vmem>>[vector<16xi32>, vector<16xi32>], vector<16xf32>,
      %parallel_loop3A_201 = tpu.vector_load_idx %arg17[%parallel_loop3A_123, %broadcast_in_dim3A_33] : memref<160x16xf32, #tpu.memory_space<vmem>>[vector<16xi32>, vector<16xi32>], vector<16xf32>,
      %parallel_loop3A_202 = arith.mulf %parallel_loop3A_200, %parallel_loop3A_201 : vector<16xf32>
      %parallel_loop3A_203 = tpu.vector_load_idx %arg20[%parallel_loop3A_172, %broadcast_in_dim3A_35] : memref<512x16xf32, #tpu.memory_space<vmem>>[vector<16xi32>, vector<16xi32>], vector<16xf32>,
      %parallel_loop3A_204 = tpu.vector_load_idx %arg17[%parallel_loop3A_123, %broadcast_in_dim3A_35] : memref<160x16xf32, #tpu.memory_space<vmem>>[vector<16xi32>, vector<16xi32>], vector<16xf32>,
      %parallel_loop3A_205 = arith.mulf %parallel_loop3A_203, %parallel_loop3A_204 : vector<16xf32>
      %parallel_loop3A_206 = tpu.vector_load_idx %arg20[%parallel_loop3A_172, %broadcast_in_dim3A_37] : memref<512x16xf32, #tpu.memory_space<vmem>>[vector<16xi32>, vector<16xi32>], vector<16xf32>,
      %parallel_loop3A_207 = tpu.vector_load_idx %arg17[%parallel_loop3A_123, %broadcast_in_dim3A_37] : memref<160x16xf32, #tpu.memory_space<vmem>>[vector<16xi32>, vector<16xi32>], vector<16xf32>,
      %parallel_loop3A_208 = arith.mulf %parallel_loop3A_206, %parallel_loop3A_207 : vector<16xf32>
      %parallel_loop3A_209 = tpu.vector_load_idx %arg20[%parallel_loop3A_172, %broadcast_in_dim3A_39] : memref<512x16xf32, #tpu.memory_space<vmem>>[vector<16xi32>, vector<16xi32>], vector<16xf32>,
      %parallel_loop3A_210 = tpu.vector_load_idx %arg17[%parallel_loop3A_123, %broadcast_in_dim3A_39] : memref<160x16xf32, #tpu.memory_space<vmem>>[vector<16xi32>, vector<16xi32>], vector<16xf32>,
      %parallel_loop3A_211 = arith.mulf %parallel_loop3A_209, %parallel_loop3A_210 : vector<16xf32>
      %parallel_loop3A_212 = tpu.vector_load_idx %arg20[%parallel_loop3A_172, %broadcast_in_dim3A_41] : memref<512x16xf32, #tpu.memory_space<vmem>>[vector<16xi32>, vector<16xi32>], vector<16xf32>,
      %parallel_loop3A_213 = tpu.vector_load_idx %arg17[%parallel_loop3A_123, %broadcast_in_dim3A_41] : memref<160x16xf32, #tpu.memory_space<vmem>>[vector<16xi32>, vector<16xi32>], vector<16xf32>,
      %parallel_loop3A_214 = arith.mulf %parallel_loop3A_212, %parallel_loop3A_213 : vector<16xf32>
      %parallel_loop3A_215 = tpu.vector_load_idx %arg20[%parallel_loop3A_172, %broadcast_in_dim3A_43] : memref<512x16xf32, #tpu.memory_space<vmem>>[vector<16xi32>, vector<16xi32>], vector<16xf32>,
      %parallel_loop3A_216 = tpu.vector_load_idx %arg17[%parallel_loop3A_123, %broadcast_in_dim3A_43] : memref<160x16xf32, #tpu.memory_space<vmem>>[vector<16xi32>, vector<16xi32>], vector<16xf32>,
      %parallel_loop3A_217 = arith.mulf %parallel_loop3A_215, %parallel_loop3A_216 : vector<16xf32>
      %parallel_loop3A_218 = tpu.vector_load_idx %arg20[%parallel_loop3A_172, %broadcast_in_dim3A_45] : memref<512x16xf32, #tpu.memory_space<vmem>>[vector<16xi32>, vector<16xi32>], vector<16xf32>,
      %parallel_loop3A_219 = tpu.vector_load_idx %arg17[%parallel_loop3A_123, %broadcast_in_dim3A_45] : memref<160x16xf32, #tpu.memory_space<vmem>>[vector<16xi32>, vector<16xi32>], vector<16xf32>,
      %parallel_loop3A_220 = arith.mulf %parallel_loop3A_218, %parallel_loop3A_219 : vector<16xf32>
      tpu.vector_store_idx %arg19[%parallel_loop3A_123, %broadcast_in_dim3A_15], %parallel_loop3A_175 : memref<160x16xf32, #tpu.memory_space<vmem>>[vector<16xi32>, vector<16xi32>], vector<16xf32>,
      tpu.vector_store_idx %arg19[%parallel_loop3A_123, %broadcast_in_dim3A_17], %parallel_loop3A_178 : memref<160x16xf32, #tpu.memory_space<vmem>>[vector<16xi32>, vector<16xi32>], vector<16xf32>,
      tpu.vector_store_idx %arg19[%parallel_loop3A_123, %broadcast_in_dim3A_19], %parallel_loop3A_181 : memref<160x16xf32, #tpu.memory_space<vmem>>[vector<16xi32>, vector<16xi32>], vector<16xf32>,
      tpu.vector_store_idx %arg19[%parallel_loop3A_123, %broadcast_in_dim3A_21], %parallel_loop3A_184 : memref<160x16xf32, #tpu.memory_space<vmem>>[vector<16xi32>, vector<16xi32>], vector<16xf32>,
      tpu.vector_store_idx %arg19[%parallel_loop3A_123, %broadcast_in_dim3A_23], %parallel_loop3A_187 : memref<160x16xf32, #tpu.memory_space<vmem>>[vector<16xi32>, vector<16xi32>], vector<16xf32>,
      tpu.vector_store_idx %arg19[%parallel_loop3A_123, %broadcast_in_dim3A_25], %parallel_loop3A_190 : memref<160x16xf32, #tpu.memory_space<vmem>>[vector<16xi32>, vector<16xi32>], vector<16xf32>,
      tpu.vector_store_idx %arg19[%parallel_loop3A_123, %broadcast_in_dim3A_27], %parallel_loop3A_193 : memref<160x16xf32, #tpu.memory_space<vmem>>[vector<16xi32>, vector<16xi32>], vector<16xf32>,
      tpu.vector_store_idx %arg19[%parallel_loop3A_123, %broadcast_in_dim3A_29], %parallel_loop3A_196 : memref<160x16xf32, #tpu.memory_space<vmem>>[vector<16xi32>, vector<16xi32>], vector<16xf32>,
      tpu.vector_store_idx %arg19[%parallel_loop3A_123, %broadcast_in_dim3A_31], %parallel_loop3A_199 : memref<160x16xf32, #tpu.memory_space<vmem>>[vector<16xi32>, vector<16xi32>], vector<16xf32>,
      tpu.vector_store_idx %arg19[%parallel_loop3A_123, %broadcast_in_dim3A_33], %parallel_loop3A_202 : memref<160x16xf32, #tpu.memory_space<vmem>>[vector<16xi32>, vector<16xi32>], vector<16xf32>,
      tpu.vector_store_idx %arg19[%parallel_loop3A_123, %broadcast_in_dim3A_35], %parallel_loop3A_205 : memref<160x16xf32, #tpu.memory_space<vmem>>[vector<16xi32>, vector<16xi32>], vector<16xf32>,
      tpu.vector_store_idx %arg19[%parallel_loop3A_123, %broadcast_in_dim3A_37], %parallel_loop3A_208 : memref<160x16xf32, #tpu.memory_space<vmem>>[vector<16xi32>, vector<16xi32>], vector<16xf32>,
      tpu.vector_store_idx %arg19[%parallel_loop3A_123, %broadcast_in_dim3A_39], %parallel_loop3A_211 : memref<160x16xf32, #tpu.memory_space<vmem>>[vector<16xi32>, vector<16xi32>], vector<16xf32>,
      tpu.vector_store_idx %arg19[%parallel_loop3A_123, %broadcast_in_dim3A_41], %parallel_loop3A_214 : memref<160x16xf32, #tpu.memory_space<vmem>>[vector<16xi32>, vector<16xi32>], vector<16xf32>,
      tpu.vector_store_idx %arg19[%parallel_loop3A_123, %broadcast_in_dim3A_43], %parallel_loop3A_217 : memref<160x16xf32, #tpu.memory_space<vmem>>[vector<16xi32>, vector<16xi32>], vector<16xf32>,
      tpu.vector_store_idx %arg19[%parallel_loop3A_123, %broadcast_in_dim3A_45], %parallel_loop3A_220 : memref<160x16xf32, #tpu.memory_space<vmem>>[vector<16xi32>, vector<16xi32>], vector<16xf32>,
    } {sc.loop_unroll_factor = 1 : i64, sc.parallel_access}
    "tpu.region"() ({
      %run_scoped3A = tpu.sem_alloc : memref<!tpu.dma_semaphore, #tpu.memory_space<semaphore_mem>>
      %dma_start3A_119 = arith.constant 0 : i32
      %dma_start3A_120 = arith.constant 0 : i32
      %dma_start3A_121 = tpu.memref_slice %arg23[%dma_start3A_119, %dma_start3A_120] : memref<100000x16xf32, #tpu.memory_space<vmem_shared>> -> memref<100000x16xf32, #tpu.memory_space<vmem_shared>>
      tpu.enqueue_indirect_dma source(%arg19 : memref<160x16xf32, #tpu.memory_space<vmem>>) target(%dma_start3A_121 : memref<100000x16xf32, #tpu.memory_space<vmem_shared>>) offsets(%arg11 : memref<160xi32, #tpu.memory_space<vmem>>) semaphore(%run_scoped3A : memref<!tpu.dma_semaphore, #tpu.memory_space<semaphore_mem>>) {add = true}
      %dma_wait3A_122 = arith.constant 0 : i32
      %dma_wait3A_123 = arith.constant 0 : i32
      %dma_wait3A_124 = tpu.memref_slice %arg23[%dma_wait3A_122, %dma_wait3A_123] : memref<100000x16xf32, #tpu.memory_space<vmem_shared>> -> memref<100000x16xf32, #tpu.memory_space<vmem_shared>>
      tpu.wait_indirect_dma semaphore(%run_scoped3A : memref<!tpu.dma_semaphore, #tpu.memory_space<semaphore_mem>>) src(%arg19 : memref<160x16xf32, #tpu.memory_space<vmem>>) dst(%dma_wait3A_124 : memref<100000x16xf32, #tpu.memory_space<vmem_shared>>)
      tpu.yield
    }) : () -> ()
    %barrier3A_107 = arith.constant 0 : index
    tpu.barrier barrier_id(%barrier3A_107)
    %mul3A_108 = arith.constant 100000 : i32
    %mul3A_109 = arith.muli %arg0, %mul3A_108 : i32
    %mul3A_110 = arith.constant 6250 : i32
    %mul3A_111 = arith.muli %arg1, %mul3A_110 : i32
    %add3A_112 = arith.addi %mul3A_109, %mul3A_111 : i32
    %scan3A_113 = arith.constant 0 : i32
    %scan3A_114 = arith.constant 0 : i32
    %scan3A_115 = arith.constant 25 : i32
    %scan3A_116 = arith.addi %scan3A_114, %scan3A_115 : i32
    %scan3A_117 = arith.constant 1 : i32
    scf.for %scan3A_119 = %scan3A_114 to %scan3A_116 step %scan3A_117  : i32 {
      %mul3A_120 = arith.constant 250 : i32
      %mul3A_121 = arith.muli %scan3A_119, %mul3A_120 : i32
      %add3A_122 = arith.addi %mul3A_7, %mul3A_121 : i32
      "tpu.region"() ({
        %run_scoped3A = tpu.sem_alloc : memref<!tpu.dma_semaphore, #tpu.memory_space<semaphore_mem>>
        %dma_start3A_126 = arith.constant 0 : i32
        %dma_start3A_127 = tpu.memref_slice %arg23[%add3A_122, %dma_start3A_126] : memref<100000x16xf32, #tpu.memory_space<vmem_shared>> -> memref<250x16xf32, #tpu.memory_space<vmem_shared>>
        %dma_start3A_128 = arith.constant 0 : i32
        %dma_start3A_129 = tpu.memref_slice %arg23[%add3A_122, %dma_start3A_128] : memref<100000x16xf32, #tpu.memory_space<vmem_shared>> -> memref<250x16xf32, #tpu.memory_space<vmem_shared>>
        tpu.enqueue_dma source(%dma_start3A_129 : memref<250x16xf32, #tpu.memory_space<vmem_shared>>) target(%arg22 : memref<250x16xf32, #tpu.memory_space<vmem>>) target_semaphore(%run_scoped3A : memref<!tpu.dma_semaphore, #tpu.memory_space<semaphore_mem>>)
        %dma_wait3A_130 = arith.constant 0 : i32
        %dma_wait3A_131 = tpu.memref_slice %arg23[%add3A_122, %dma_wait3A_130] : memref<100000x16xf32, #tpu.memory_space<vmem_shared>> -> memref<250x16xf32, #tpu.memory_space<vmem_shared>>
        %dma_wait3A_132 = arith.constant 0 : i32
        %dma_wait3A_133 = tpu.memref_slice %arg23[%add3A_122, %dma_wait3A_132] : memref<100000x16xf32, #tpu.memory_space<vmem_shared>> -> memref<250x16xf32, #tpu.memory_space<vmem_shared>>
        tpu.wait_dma2 semaphore(%run_scoped3A : memref<!tpu.dma_semaphore, #tpu.memory_space<semaphore_mem>>) src(%dma_wait3A_133 : memref<250x16xf32, #tpu.memory_space<vmem_shared>>) dst(%arg22 : memref<250x16xf32, #tpu.memory_space<vmem>>)
        tpu.yield
      }) : () -> ()
      %mul3A_123 = arith.constant 250 : i32
      %mul3A_124 = arith.muli %scan3A_119, %mul3A_123 : i32
      %add3A_125 = arith.addi %add3A_112, %mul3A_124 : i32
      "tpu.region"() ({
        %run_scoped3A = tpu.sem_alloc : memref<!tpu.dma_semaphore, #tpu.memory_space<semaphore_mem>>
        %dma_start3A_126 = arith.constant 0 : i32
        %dma_start3A_127 = tpu.memref_slice %arg8[%add3A_125, %dma_start3A_126] : memref<200000x16xf32, #tpu.memory_space<hbm>> -> memref<250x16xf32, #tpu.memory_space<hbm>>
        %dma_start3A_128 = arith.constant 0 : i32
        %dma_start3A_129 = tpu.memref_slice %arg8[%add3A_125, %dma_start3A_128] : memref<200000x16xf32, #tpu.memory_space<hbm>> -> memref<250x16xf32, #tpu.memory_space<hbm>>
        tpu.enqueue_dma source(%arg22 : memref<250x16xf32, #tpu.memory_space<vmem>>) target(%dma_start3A_129 : memref<250x16xf32, #tpu.memory_space<hbm>>) target_semaphore(%run_scoped3A : memref<!tpu.dma_semaphore, #tpu.memory_space<semaphore_mem>>)
        %dma_wait3A_130 = arith.constant 0 : i32
        %dma_wait3A_131 = tpu.memref_slice %arg8[%add3A_125, %dma_wait3A_130] : memref<200000x16xf32, #tpu.memory_space<hbm>> -> memref<250x16xf32, #tpu.memory_space<hbm>>
        %dma_wait3A_132 = arith.constant 0 : i32
        %dma_wait3A_133 = tpu.memref_slice %arg8[%add3A_125, %dma_wait3A_132] : memref<200000x16xf32, #tpu.memory_space<hbm>> -> memref<250x16xf32, #tpu.memory_space<hbm>>
        tpu.wait_dma2 semaphore(%run_scoped3A : memref<!tpu.dma_semaphore, #tpu.memory_space<semaphore_mem>>) src(%arg22 : memref<250x16xf32, #tpu.memory_space<vmem>>) dst(%dma_wait3A_133 : memref<250x16xf32, #tpu.memory_space<hbm>>)
        tpu.yield
      }) : () -> ()
    }
    %scan3A_118 = arith.constant 25 : i32
    return
  }
}

module attributes {stable_mosaic.version = 14 : i64} {
  func.func @_p1_body(%arg0: i32, %arg1: memref<5000x3xf32, #tpu.memory_space<vmem>>, %arg2: memref<3x16xf32, #tpu.memory_space<vmem>>, %arg3: memref<1x16xf32, #tpu.memory_space<vmem>>, %arg4: memref<5000x16xf32, #tpu.memory_space<vmem>>, %arg5: memref<5000x8xf32, #tpu.memory_space<vmem>>, %arg6: memref<1x16xf32, #tpu.memory_space<vmem>>, %arg7: memref<1xf32, #tpu.memory_space<smem>>) attributes {dimension_semantics = [#tpu.dimension_semantics<arbitrary>], iteration_bounds = array<i64: 20>, scalar_prefetch = 0 : i64, scratch_operands = 1 : i64, tpu.core_type = #tpu.core_type<tc>, window_params = [{transform_indices = @transform_0, window_bounds = array<i64: 5000, 3>}, {pipeline_mode = #tpu.pipeline_mode<synchronous>, transform_indices = @transform_1, window_bounds = array<i64: 3, 16>}, {pipeline_mode = #tpu.pipeline_mode<synchronous>, transform_indices = @transform_2, window_bounds = array<i64: 1, 16>}, {transform_indices = @transform_3, window_bounds = array<i64: 5000, 16>}, {transform_indices = @transform_4, window_bounds = array<i64: 5000, 8>}, {pipeline_mode = #tpu.pipeline_mode<synchronous>, transform_indices = @transform_5, window_bounds = array<i64: 1, 16>}]} {
    %get3A = arith.constant 0 : index
    %get3A_0 = arith.constant 0 : index
    %get3A_1 = vector.load %arg1[%get3A, %get3A_0] : memref<5000x3xf32, #tpu.memory_space<vmem>>, vector<5000x3xf32>
    %get3A_2 = arith.constant 0 : index
    %get3A_3 = arith.constant 0 : index
    %get3A_4 = vector.load %arg2[%get3A_2, %get3A_3] : memref<3x16xf32, #tpu.memory_space<vmem>>, vector<3x16xf32>
    %dot_general3A = arith.constant dense<0.000000e+00> : vector<5000x16xf32>
    %dot_general3A_5 = tpu.matmul %get3A_1, %get3A_4, %dot_general3A {dimension_numbers = #tpu.dot_dimension_numbers<[1], [0], [0], [1], [0, 0, 1, 1], [], []>, transpose_lhs_hint = false} : vector<5000x3xf32>, vector<3x16xf32>, vector<5000x16xf32> -> vector<5000x16xf32>
    %get3A_6 = arith.constant 0 : index
    %get3A_7 = arith.constant 0 : index
    %get3A_8 = vector.load %arg3[%get3A_6, %get3A_7] : memref<1x16xf32, #tpu.memory_space<vmem>>, vector<1x16xf32>
    %add3A = vector.broadcast %get3A_8 : vector<1x16xf32> to vector<5000x16xf32>
    %add3A_9 = arith.addf %dot_general3A_5, %add3A : vector<5000x16xf32>
    %swap3A = arith.constant 0 : index
    %swap3A_10 = arith.constant 0 : index
    %swap3A_11 = vector.load %arg4[%swap3A, %swap3A_10] : memref<5000x16xf32, #tpu.memory_space<vmem>>, vector<5000x16xf32>
    tpu.vector_store %arg4[%swap3A, %swap3A_10], %add3A_9 {strides = array<i32>} : memref<5000x16xf32, #tpu.memory_space<vmem>>, vector<5000x16xf32>,
    %broadcast_in_dim3A = arith.constant 0.000000e+00 : f32
    %broadcast_in_dim3A_12 = vector.broadcast %broadcast_in_dim3A : f32 to vector<5000x5xf32>
    %concatenate3A = tpu.concatenate %get3A_1, %broadcast_in_dim3A_12 in 1 : vector<5000x3xf32>, vector<5000x5xf32> -> vector<5000x8xf32>
    %swap3A_13 = arith.constant 0 : index
    %swap3A_14 = arith.constant 0 : index
    %swap3A_15 = vector.load %arg5[%swap3A_13, %swap3A_14] : memref<5000x8xf32, #tpu.memory_space<vmem>>, vector<5000x8xf32>
    tpu.vector_store %arg5[%swap3A_13, %swap3A_14], %concatenate3A {strides = array<i32>} : memref<5000x8xf32, #tpu.memory_space<vmem>>, vector<5000x8xf32>,
    %mul3A = arith.mulf %get3A_1, %get3A_1 : vector<5000x3xf32>
    %reduce_sum3A = arith.constant dense<0.000000e+00> : vector<5000xf32>
    %reduce_sum3A_16 = vector.multi_reduction <add>, %mul3A, %reduce_sum3A [1] : vector<5000x3xf32> to vector<5000xf32>
    %reduce_max3A = vector.shape_cast %reduce_sum3A_16 : vector<5000xf32> to vector<1x5000xf32>
    %reduce_max3A_17 = arith.constant dense<0xFF800000> : vector<1xf32>
    %reduce_max3A_18 = vector.multi_reduction <maximumf>, %reduce_max3A, %reduce_max3A_17 [1] : vector<1x5000xf32> to vector<1xf32>
    %reduce_max3A_19 = vector.shape_cast %reduce_max3A_18 : vector<1xf32> to vector<1x1xf32>
    %reduce_max3A_20 = vector.extract %reduce_max3A_19[0, 0] : f32 from vector<1x1xf32>
    %eq3A = arith.constant 0 : i32
    %eq3A_21 = arith.cmpi eq, %arg0, %eq3A : i32
    %get3A_22 = arith.constant 0 : index
    %get3A_23 = memref.load %arg7[%get3A_22] : memref<1xf32, #tpu.memory_space<smem>>
    %jit3A = arith.constant 0.000000e+00 : f32
    %select_n3A = arith.select %eq3A_21, %jit3A, %get3A_23 : f32
    %max3A = arith.maximumf %select_n3A, %reduce_max3A_20 : f32
    %swap3A_24 = arith.constant 0 : index
    %swap3A_25 = memref.load %arg7[%swap3A_24] : memref<1xf32, #tpu.memory_space<smem>>
    memref.store %max3A, %arg7[%swap3A_24] : memref<1xf32, #tpu.memory_space<smem>>
    %sqrt3A = math.sqrt %max3A : f32
    %mul3A_26 = arith.constant 2.000000e+00 : f32
    %mul3A_27 = arith.mulf %mul3A_26, %sqrt3A : f32
    %add3A_28 = arith.constant 9.99999997E-7 : f32
    %add3A_29 = arith.addf %mul3A_27, %add3A_28 : f32
    %div3A = arith.constant 5.120000e+02 : f32
    %div3A_30 = arith.divf %div3A, %add3A_29 : f32
    %broadcast_in_dim3A_31 = vector.broadcast %div3A_30 : f32 to vector<1x16xf32>
    %swap3A_32 = arith.constant 0 : index
    %swap3A_33 = arith.constant 0 : index
    %swap3A_34 = vector.load %arg6[%swap3A_32, %swap3A_33] : memref<1x16xf32, #tpu.memory_space<vmem>>, vector<1x16xf32>
    tpu.vector_store %arg6[%swap3A_32, %swap3A_33], %broadcast_in_dim3A_31 {strides = array<i32>} : memref<1x16xf32, #tpu.memory_space<vmem>>, vector<1x16xf32>,
    return
  }
  func.func @transform_0(%arg0: i32) -> (i32, i32) {
    %c0_i32 = arith.constant 0 : i32
    %c0_i32_0 = arith.constant 0 : i32
    return %arg0, %c0_i32 : i32, i32
  }
  func.func @transform_1(%arg0: i32) -> (i32, i32) {
    %c0_i32 = arith.constant 0 : i32
    %c0_i32_0 = arith.constant 0 : i32
    %c0_i32_1 = arith.constant 0 : i32
    return %c0_i32, %c0_i32_0 : i32, i32
  }
  func.func @transform_2(%arg0: i32) -> (i32, i32) {
    %c0_i32 = arith.constant 0 : i32
    %c0_i32_0 = arith.constant 0 : i32
    %c0_i32_1 = arith.constant 0 : i32
    return %c0_i32, %c0_i32_0 : i32, i32
  }
  func.func @transform_3(%arg0: i32) -> (i32, i32) {
    %c0_i32 = arith.constant 0 : i32
    %c0_i32_0 = arith.constant 0 : i32
    return %arg0, %c0_i32 : i32, i32
  }
  func.func @transform_4(%arg0: i32) -> (i32, i32) {
    %c0_i32 = arith.constant 0 : i32
    %c0_i32_0 = arith.constant 0 : i32
    return %arg0, %c0_i32 : i32, i32
  }
  func.func @transform_5(%arg0: i32) -> (i32, i32) {
    %c0_i32 = arith.constant 0 : i32
    %c0_i32_0 = arith.constant 0 : i32
    %c0_i32_1 = arith.constant 0 : i32
    return %c0_i32, %c0_i32_0 : i32, i32
  }
}

module attributes {stable_mosaic.version = 14 : i64} {
  func.func @_p2_body(%arg0: memref<1x16xf32, #tpu.memory_space<vmem>>, %arg1: memref<1x32xf32, #tpu.memory_space<vmem>>, %arg2: memref<1x32xf32, #tpu.memory_space<vmem>>, %arg3: memref<32x32xf32, #tpu.memory_space<vmem>>, %arg4: memref<1x32xf32, #tpu.memory_space<vmem>>, %arg5: memref<32x32xf32, #tpu.memory_space<vmem>>, %arg6: memref<1x32xf32, #tpu.memory_space<vmem>>, %arg7: memref<32x16xf32, #tpu.memory_space<vmem>>, %arg8: memref<1x16xf32, #tpu.memory_space<vmem>>, %arg9: memref<512x16xf32, #tpu.memory_space<vmem>>) attributes {dimension_semantics = [], scalar_prefetch = 0 : i64, scratch_operands = 0 : i64, tpu.core_type = #tpu.core_type<tc>} {
    %get3A = arith.constant 0 : index
    %get3A_0 = arith.constant 0 : index
    %get3A_1 = vector.load %arg0[%get3A, %get3A_0] : memref<1x16xf32, #tpu.memory_space<vmem>>, vector<1x1xf32>
    %get3A_2 = vector.extract %get3A_1[0, 0] : f32 from vector<1x1xf32>
    %div3A = arith.constant 1.000000e+00 : f32
    %div3A_3 = arith.divf %div3A, %get3A_2 : f32
    %iota3A = tpu.iota {dimensions = array<i32: 0>} : vector<512x1xi32>
    %convert_element_type3A = arith.sitofp %iota3A : vector<512x1xi32> to vector<512x1xf32>
    %add3A = arith.constant 5.000000e-01 : f32
    %add3A_4 = vector.broadcast %add3A : f32 to vector<512x1xf32>
    %add3A_5 = arith.addf %convert_element_type3A, %add3A_4 : vector<512x1xf32>
    %mul3A = vector.broadcast %div3A_3 : f32 to vector<512x1xf32>
    %mul3A_6 = arith.mulf %add3A_5, %mul3A : vector<512x1xf32>
    %get3A_7 = arith.constant 0 : index
    %get3A_8 = arith.constant 0 : index
    %get3A_9 = vector.load %arg1[%get3A_7, %get3A_8] : memref<1x32xf32, #tpu.memory_space<vmem>>, vector<1x32xf32>
    %dot_general3A = arith.constant dense<0.000000e+00> : vector<512x32xf32>
    %dot_general3A_10 = tpu.matmul %mul3A_6, %get3A_9, %dot_general3A {dimension_numbers = #tpu.dot_dimension_numbers<[1], [0], [0], [1], [0, 0, 1, 1], [], []>, transpose_lhs_hint = false} : vector<512x1xf32>, vector<1x32xf32>, vector<512x32xf32> -> vector<512x32xf32>
    %get3A_11 = arith.constant 0 : index
    %get3A_12 = arith.constant 0 : index
    %get3A_13 = vector.load %arg2[%get3A_11, %get3A_12] : memref<1x32xf32, #tpu.memory_space<vmem>>, vector<1x32xf32>
    %add3A_14 = vector.broadcast %get3A_13 : vector<1x32xf32> to vector<512x32xf32>
    %add3A_15 = arith.addf %dot_general3A_10, %add3A_14 : vector<512x32xf32>
    %tanh3A = math.tanh %add3A_15 : vector<512x32xf32>
    %get3A_16 = arith.constant 0 : index
    %get3A_17 = arith.constant 0 : index
    %get3A_18 = vector.load %arg3[%get3A_16, %get3A_17] : memref<32x32xf32, #tpu.memory_space<vmem>>, vector<32x32xf32>
    %dot_general3A_19 = arith.constant dense<0.000000e+00> : vector<512x32xf32>
    %dot_general3A_20 = tpu.matmul %tanh3A, %get3A_18, %dot_general3A_19 {dimension_numbers = #tpu.dot_dimension_numbers<[1], [0], [0], [1], [0, 0, 1, 1], [], []>, transpose_lhs_hint = false} : vector<512x32xf32>, vector<32x32xf32>, vector<512x32xf32> -> vector<512x32xf32>
    %get3A_21 = arith.constant 0 : index
    %get3A_22 = arith.constant 0 : index
    %get3A_23 = vector.load %arg4[%get3A_21, %get3A_22] : memref<1x32xf32, #tpu.memory_space<vmem>>, vector<1x32xf32>
    %add3A_24 = vector.broadcast %get3A_23 : vector<1x32xf32> to vector<512x32xf32>
    %add3A_25 = arith.addf %dot_general3A_20, %add3A_24 : vector<512x32xf32>
    %tanh3A_26 = math.tanh %add3A_25 : vector<512x32xf32>
    %get3A_27 = arith.constant 0 : index
    %get3A_28 = arith.constant 0 : index
    %get3A_29 = vector.load %arg5[%get3A_27, %get3A_28] : memref<32x32xf32, #tpu.memory_space<vmem>>, vector<32x32xf32>
    %dot_general3A_30 = arith.constant dense<0.000000e+00> : vector<512x32xf32>
    %dot_general3A_31 = tpu.matmul %tanh3A_26, %get3A_29, %dot_general3A_30 {dimension_numbers = #tpu.dot_dimension_numbers<[1], [0], [0], [1], [0, 0, 1, 1], [], []>, transpose_lhs_hint = false} : vector<512x32xf32>, vector<32x32xf32>, vector<512x32xf32> -> vector<512x32xf32>
    %get3A_32 = arith.constant 0 : index
    %get3A_33 = arith.constant 0 : index
    %get3A_34 = vector.load %arg6[%get3A_32, %get3A_33] : memref<1x32xf32, #tpu.memory_space<vmem>>, vector<1x32xf32>
    %add3A_35 = vector.broadcast %get3A_34 : vector<1x32xf32> to vector<512x32xf32>
    %add3A_36 = arith.addf %dot_general3A_31, %add3A_35 : vector<512x32xf32>
    %tanh3A_37 = math.tanh %add3A_36 : vector<512x32xf32>
    %get3A_38 = arith.constant 0 : index
    %get3A_39 = arith.constant 0 : index
    %get3A_40 = vector.load %arg7[%get3A_38, %get3A_39] : memref<32x16xf32, #tpu.memory_space<vmem>>, vector<32x16xf32>
    %dot_general3A_41 = arith.constant dense<0.000000e+00> : vector<512x16xf32>
    %dot_general3A_42 = tpu.matmul %tanh3A_37, %get3A_40, %dot_general3A_41 {dimension_numbers = #tpu.dot_dimension_numbers<[1], [0], [0], [1], [0, 0, 1, 1], [], []>, transpose_lhs_hint = false} : vector<512x32xf32>, vector<32x16xf32>, vector<512x16xf32> -> vector<512x16xf32>
    %get3A_43 = arith.constant 0 : index
    %get3A_44 = arith.constant 0 : index
    %get3A_45 = vector.load %arg8[%get3A_43, %get3A_44] : memref<1x16xf32, #tpu.memory_space<vmem>>, vector<1x16xf32>
    %add3A_46 = vector.broadcast %get3A_45 : vector<1x16xf32> to vector<512x16xf32>
    %add3A_47 = arith.addf %dot_general3A_42, %add3A_46 : vector<512x16xf32>
    %logistic3A = arith.negf %add3A_47 : vector<512x16xf32>
    %logistic3A_48 = math.exp %logistic3A : vector<512x16xf32>
    %logistic3A_49 = arith.constant 1.000000e+00 : f32
    %logistic3A_50 = vector.broadcast %logistic3A_49 : f32 to vector<512x16xf32>
    %logistic3A_51 = arith.addf %logistic3A_50, %logistic3A_48 : vector<512x16xf32>
    %logistic3A_52 = arith.divf %logistic3A_50, %logistic3A_51 : vector<512x16xf32>
    %swap3A = arith.constant 0 : index
    %swap3A_53 = arith.constant 0 : index
    %swap3A_54 = vector.load %arg9[%swap3A, %swap3A_53] : memref<512x16xf32, #tpu.memory_space<vmem>>, vector<512x16xf32>
    tpu.vector_store %arg9[%swap3A, %swap3A_53], %logistic3A_52 {strides = array<i32>} : memref<512x16xf32, #tpu.memory_space<vmem>>, vector<512x16xf32>,
    return
  }
}

module attributes {stable_mosaic.version = 14 : i64} {
  func.func @_t1_body(%arg0: i32, %arg1: memref<5000x16xf32, #tpu.memory_space<vmem>>, %arg2: memref<5000x16xf32, #tpu.memory_space<vmem>>, %arg3: memref<5000x16xf32, #tpu.memory_space<vmem>>, %arg4: memref<2x16xf32, #tpu.memory_space<vmem>>, %arg5: memref<2x16xf32, #tpu.memory_space<vmem>>) attributes {dimension_semantics = [#tpu.dimension_semantics<arbitrary>], iteration_bounds = array<i64: 20>, scalar_prefetch = 0 : i64, scratch_operands = 1 : i64, tpu.core_type = #tpu.core_type<tc>, window_params = [{transform_indices = @transform_0, window_bounds = array<i64: 5000, 16>}, {transform_indices = @transform_1, window_bounds = array<i64: 5000, 16>}, {transform_indices = @transform_2, window_bounds = array<i64: 5000, 16>}, {pipeline_mode = #tpu.pipeline_mode<synchronous>, transform_indices = @transform_3, window_bounds = array<i64: 2, 16>}]} {
    %get3A = arith.constant 0 : index
    %get3A_0 = arith.constant 0 : index
    %get3A_1 = vector.load %arg1[%get3A, %get3A_0] : memref<5000x16xf32, #tpu.memory_space<vmem>>, vector<5000x16xf32>
    %get3A_2 = arith.constant 0 : index
    %get3A_3 = arith.constant 0 : index
    %get3A_4 = vector.load %arg2[%get3A_2, %get3A_3] : memref<5000x16xf32, #tpu.memory_space<vmem>>, vector<5000x16xf32>
    %add3A = arith.addf %get3A_1, %get3A_4 : vector<5000x16xf32>
    %tanh3A = math.tanh %add3A : vector<5000x16xf32>
    %swap3A = arith.constant 0 : index
    %swap3A_5 = arith.constant 0 : index
    %swap3A_6 = vector.load %arg3[%swap3A, %swap3A_5] : memref<5000x16xf32, #tpu.memory_space<vmem>>, vector<5000x16xf32>
    tpu.vector_store %arg3[%swap3A, %swap3A_5], %tanh3A {strides = array<i32>} : memref<5000x16xf32, #tpu.memory_space<vmem>>, vector<5000x16xf32>,
    %reduce_sum3A = arith.constant dense<0.000000e+00> : vector<16xf32>
    %reduce_sum3A_7 = vector.multi_reduction <add>, %tanh3A, %reduce_sum3A [0] : vector<5000x16xf32> to vector<16xf32>
    %broadcast_in_dim3A = vector.shape_cast %reduce_sum3A_7 : vector<16xf32> to vector<1x16xf32>
    %mul3A = arith.mulf %tanh3A, %tanh3A : vector<5000x16xf32>
    %reduce_sum3A_8 = arith.constant dense<0.000000e+00> : vector<16xf32>
    %reduce_sum3A_9 = vector.multi_reduction <add>, %mul3A, %reduce_sum3A_8 [0] : vector<5000x16xf32> to vector<16xf32>
    %broadcast_in_dim3A_10 = vector.shape_cast %reduce_sum3A_9 : vector<16xf32> to vector<1x16xf32>
    %concatenate3A = tpu.concatenate %broadcast_in_dim3A, %broadcast_in_dim3A_10 in 0 : vector<1x16xf32>, vector<1x16xf32> -> vector<2x16xf32>
    %eq3A = arith.constant 0 : i32
    %eq3A_11 = arith.cmpi eq, %arg0, %eq3A : i32
    %broadcast_in_dim3A_12 = arith.constant 0.000000e+00 : f32
    %broadcast_in_dim3A_13 = vector.broadcast %broadcast_in_dim3A_12 : f32 to vector<2x16xf32>
    %get3A_14 = arith.constant 0 : index
    %get3A_15 = arith.constant 0 : index
    %get3A_16 = vector.load %arg5[%get3A_14, %get3A_15] : memref<2x16xf32, #tpu.memory_space<vmem>>, vector<2x16xf32>
    %select_n3A = arith.select %eq3A_11, %broadcast_in_dim3A_13, %get3A_16 : vector<2x16xf32>
    %add3A_17 = arith.addf %select_n3A, %concatenate3A : vector<2x16xf32>
    %swap3A_18 = arith.constant 0 : index
    %swap3A_19 = arith.constant 0 : index
    %swap3A_20 = vector.load %arg5[%swap3A_18, %swap3A_19] : memref<2x16xf32, #tpu.memory_space<vmem>>, vector<2x16xf32>
    tpu.vector_store %arg5[%swap3A_18, %swap3A_19], %add3A_17 {strides = array<i32>} : memref<2x16xf32, #tpu.memory_space<vmem>>, vector<2x16xf32>,
    %swap3A_21 = arith.constant 0 : index
    %swap3A_22 = arith.constant 0 : index
    %swap3A_23 = vector.load %arg4[%swap3A_21, %swap3A_22] : memref<2x16xf32, #tpu.memory_space<vmem>>, vector<2x16xf32>
    tpu.vector_store %arg4[%swap3A_21, %swap3A_22], %add3A_17 {strides = array<i32>} : memref<2x16xf32, #tpu.memory_space<vmem>>, vector<2x16xf32>,
    return
  }
  func.func @transform_0(%arg0: i32) -> (i32, i32) {
    %c0_i32 = arith.constant 0 : i32
    %c0_i32_0 = arith.constant 0 : i32
    return %arg0, %c0_i32 : i32, i32
  }
  func.func @transform_1(%arg0: i32) -> (i32, i32) {
    %c0_i32 = arith.constant 0 : i32
    %c0_i32_0 = arith.constant 0 : i32
    return %arg0, %c0_i32 : i32, i32
  }
  func.func @transform_2(%arg0: i32) -> (i32, i32) {
    %c0_i32 = arith.constant 0 : i32
    %c0_i32_0 = arith.constant 0 : i32
    return %arg0, %c0_i32 : i32, i32
  }
  func.func @transform_3(%arg0: i32) -> (i32, i32) {
    %c0_i32 = arith.constant 0 : i32
    %c0_i32_0 = arith.constant 0 : i32
    %c0_i32_1 = arith.constant 0 : i32
    return %c0_i32, %c0_i32_0 : i32, i32
  }
}

module attributes {stable_mosaic.version = 14 : i64} {
  func.func @_t2_body(%arg0: i32, %arg1: memref<5000x16xf32, #tpu.memory_space<vmem>>, %arg2: memref<2x16xf32, #tpu.memory_space<vmem>>, %arg3: memref<1x16xf32, #tpu.memory_space<vmem>>, %arg4: memref<1x16xf32, #tpu.memory_space<vmem>>, %arg5: memref<3x16xf32, #tpu.memory_space<vmem>>, %arg6: memref<3x1xf32, #tpu.memory_space<vmem>>, %arg7: memref<5000x3xf32, #tpu.memory_space<vmem>>) attributes {dimension_semantics = [#tpu.dimension_semantics<arbitrary>], iteration_bounds = array<i64: 20>, scalar_prefetch = 0 : i64, scratch_operands = 0 : i64, tpu.core_type = #tpu.core_type<tc>, window_params = [{transform_indices = @transform_0, window_bounds = array<i64: 5000, 16>}, {pipeline_mode = #tpu.pipeline_mode<synchronous>, transform_indices = @transform_1, window_bounds = array<i64: 2, 16>}, {pipeline_mode = #tpu.pipeline_mode<synchronous>, transform_indices = @transform_2, window_bounds = array<i64: 1, 16>}, {pipeline_mode = #tpu.pipeline_mode<synchronous>, transform_indices = @transform_3, window_bounds = array<i64: 1, 16>}, {pipeline_mode = #tpu.pipeline_mode<synchronous>, transform_indices = @transform_4, window_bounds = array<i64: 3, 16>}, {pipeline_mode = #tpu.pipeline_mode<synchronous>, transform_indices = @transform_5, window_bounds = array<i64: 3, 1>}, {transform_indices = @transform_6, window_bounds = array<i64: 5000, 3>}]} {
    %get3A = arith.constant 0 : index
    %get3A_0 = arith.constant 0 : index
    %get3A_1 = vector.load %arg1[%get3A, %get3A_0] : memref<5000x16xf32, #tpu.memory_space<vmem>>, vector<5000x16xf32>
    %get3A_2 = arith.constant 0 : index
    %get3A_3 = arith.constant 0 : index
    %get3A_4 = vector.load %arg2[%get3A_2, %get3A_3] : memref<2x16xf32, #tpu.memory_space<vmem>>, vector<1x16xf32>
    %mul3A = arith.constant 9.99999974E-6 : f32
    %mul3A_5 = vector.broadcast %mul3A : f32 to vector<1x16xf32>
    %mul3A_6 = arith.mulf %get3A_4, %mul3A_5 : vector<1x16xf32>
    %get3A_7 = arith.constant 1 : index
    %get3A_8 = arith.constant 0 : index
    %get3A_9 = vector.load %arg2[%get3A_7, %get3A_8] : memref<2x16xf32, #tpu.memory_space<vmem>>, vector<1x16xf32>
    %mul3A_10 = arith.constant 9.99999974E-6 : f32
    %mul3A_11 = vector.broadcast %mul3A_10 : f32 to vector<1x16xf32>
    %mul3A_12 = arith.mulf %get3A_9, %mul3A_11 : vector<1x16xf32>
    %mul3A_13 = arith.mulf %mul3A_6, %mul3A_6 : vector<1x16xf32>
    %sub3A = arith.subf %mul3A_12, %mul3A_13 : vector<1x16xf32>
    %add3A = arith.constant 9.99999974E-6 : f32
    %add3A_14 = vector.broadcast %add3A : f32 to vector<1x16xf32>
    %add3A_15 = arith.addf %sub3A, %add3A_14 : vector<1x16xf32>
    %sqrt3A = math.sqrt %add3A_15 : vector<1x16xf32>
    %div3A = arith.constant 1.000000e+00 : f32
    %div3A_16 = vector.broadcast %div3A : f32 to vector<1x16xf32>
    %div3A_17 = arith.divf %div3A_16, %sqrt3A : vector<1x16xf32>
    %sub3A_18 = vector.broadcast %mul3A_6 : vector<1x16xf32> to vector<5000x16xf32>
    %sub3A_19 = arith.subf %get3A_1, %sub3A_18 : vector<5000x16xf32>
    %mul3A_20 = vector.broadcast %div3A_17 : vector<1x16xf32> to vector<5000x16xf32>
    %mul3A_21 = arith.mulf %sub3A_19, %mul3A_20 : vector<5000x16xf32>
    %get3A_22 = arith.constant 0 : index
    %get3A_23 = arith.constant 0 : index
    %get3A_24 = vector.load %arg3[%get3A_22, %get3A_23] : memref<1x16xf32, #tpu.memory_space<vmem>>, vector<1x16xf32>
    %mul3A_25 = vector.broadcast %get3A_24 : vector<1x16xf32> to vector<5000x16xf32>
    %mul3A_26 = arith.mulf %mul3A_21, %mul3A_25 : vector<5000x16xf32>
    %get3A_27 = arith.constant 0 : index
    %get3A_28 = arith.constant 0 : index
    %get3A_29 = vector.load %arg4[%get3A_27, %get3A_28] : memref<1x16xf32, #tpu.memory_space<vmem>>, vector<1x16xf32>
    %add3A_30 = vector.broadcast %get3A_29 : vector<1x16xf32> to vector<5000x16xf32>
    %add3A_31 = arith.addf %mul3A_26, %add3A_30 : vector<5000x16xf32>
    %get3A_32 = arith.constant 0 : index
    %get3A_33 = arith.constant 0 : index
    %get3A_34 = vector.load %arg5[%get3A_32, %get3A_33] : memref<3x16xf32, #tpu.memory_space<vmem>>, vector<1x16xf32>
    %mul3A_35 = vector.broadcast %get3A_34 : vector<1x16xf32> to vector<5000x16xf32>
    %mul3A_36 = arith.mulf %add3A_31, %mul3A_35 : vector<5000x16xf32>
    %reduce_sum3A = arith.constant dense<0.000000e+00> : vector<5000xf32>
    %reduce_sum3A_37 = vector.multi_reduction <add>, %mul3A_36, %reduce_sum3A [1] : vector<5000x16xf32> to vector<5000xf32>
    %broadcast_in_dim3A = vector.shape_cast %reduce_sum3A_37 : vector<5000xf32> to vector<5000x1xf32>
    %get3A_38 = arith.constant 0 : index
    %get3A_39 = arith.constant 0 : index
    %get3A_40 = vector.load %arg6[%get3A_38, %get3A_39] : memref<3x1xf32, #tpu.memory_space<vmem>>, vector<1x1xf32>
    %get3A_41 = vector.extract %get3A_40[0, 0] : f32 from vector<1x1xf32>
    %add3A_42 = vector.broadcast %get3A_41 : f32 to vector<5000x1xf32>
    %add3A_43 = arith.addf %broadcast_in_dim3A, %add3A_42 : vector<5000x1xf32>
    %get3A_44 = arith.constant 1 : index
    %get3A_45 = arith.constant 0 : index
    %get3A_46 = vector.load %arg5[%get3A_44, %get3A_45] : memref<3x16xf32, #tpu.memory_space<vmem>>, vector<1x16xf32>
    %mul3A_47 = vector.broadcast %get3A_46 : vector<1x16xf32> to vector<5000x16xf32>
    %mul3A_48 = arith.mulf %add3A_31, %mul3A_47 : vector<5000x16xf32>
    %reduce_sum3A_49 = arith.constant dense<0.000000e+00> : vector<5000xf32>
    %reduce_sum3A_50 = vector.multi_reduction <add>, %mul3A_48, %reduce_sum3A_49 [1] : vector<5000x16xf32> to vector<5000xf32>
    %broadcast_in_dim3A_51 = vector.shape_cast %reduce_sum3A_50 : vector<5000xf32> to vector<5000x1xf32>
    %get3A_52 = arith.constant 1 : index
    %get3A_53 = arith.constant 0 : index
    %get3A_54 = vector.load %arg6[%get3A_52, %get3A_53] : memref<3x1xf32, #tpu.memory_space<vmem>>, vector<1x1xf32>
    %get3A_55 = vector.extract %get3A_54[0, 0] : f32 from vector<1x1xf32>
    %add3A_56 = vector.broadcast %get3A_55 : f32 to vector<5000x1xf32>
    %add3A_57 = arith.addf %broadcast_in_dim3A_51, %add3A_56 : vector<5000x1xf32>
    %get3A_58 = arith.constant 2 : index
    %get3A_59 = arith.constant 0 : index
    %get3A_60 = vector.load %arg5[%get3A_58, %get3A_59] : memref<3x16xf32, #tpu.memory_space<vmem>>, vector<1x16xf32>
    %mul3A_61 = vector.broadcast %get3A_60 : vector<1x16xf32> to vector<5000x16xf32>
    %mul3A_62 = arith.mulf %add3A_31, %mul3A_61 : vector<5000x16xf32>
    %reduce_sum3A_63 = arith.constant dense<0.000000e+00> : vector<5000xf32>
    %reduce_sum3A_64 = vector.multi_reduction <add>, %mul3A_62, %reduce_sum3A_63 [1] : vector<5000x16xf32> to vector<5000xf32>
    %broadcast_in_dim3A_65 = vector.shape_cast %reduce_sum3A_64 : vector<5000xf32> to vector<5000x1xf32>
    %get3A_66 = arith.constant 2 : index
    %get3A_67 = arith.constant 0 : index
    %get3A_68 = vector.load %arg6[%get3A_66, %get3A_67] : memref<3x1xf32, #tpu.memory_space<vmem>>, vector<1x1xf32>
    %get3A_69 = vector.extract %get3A_68[0, 0] : f32 from vector<1x1xf32>
    %add3A_70 = vector.broadcast %get3A_69 : f32 to vector<5000x1xf32>
    %add3A_71 = arith.addf %broadcast_in_dim3A_65, %add3A_70 : vector<5000x1xf32>
    %max3A = arith.maximumf %add3A_43, %add3A_57 : vector<5000x1xf32>
    %max3A_72 = arith.maximumf %max3A, %add3A_71 : vector<5000x1xf32>
    %sub3A_73 = arith.subf %add3A_43, %max3A_72 : vector<5000x1xf32>
    %exp3A = math.exp %sub3A_73 : vector<5000x1xf32>
    %sub3A_74 = arith.subf %add3A_57, %max3A_72 : vector<5000x1xf32>
    %exp3A_75 = math.exp %sub3A_74 : vector<5000x1xf32>
    %add3A_76 = arith.addf %exp3A, %exp3A_75 : vector<5000x1xf32>
    %sub3A_77 = arith.subf %add3A_71, %max3A_72 : vector<5000x1xf32>
    %exp3A_78 = math.exp %sub3A_77 : vector<5000x1xf32>
    %add3A_79 = arith.addf %add3A_76, %exp3A_78 : vector<5000x1xf32>
    %log3A = math.log %add3A_79 : vector<5000x1xf32>
    %add3A_80 = arith.addf %max3A_72, %log3A : vector<5000x1xf32>
    %sub3A_81 = arith.subf %add3A_43, %add3A_80 : vector<5000x1xf32>
    %sub3A_82 = arith.subf %add3A_57, %add3A_80 : vector<5000x1xf32>
    %sub3A_83 = arith.subf %add3A_71, %add3A_80 : vector<5000x1xf32>
    %concatenate3A = tpu.concatenate %sub3A_81, %sub3A_82, %sub3A_83 in 1 : vector<5000x1xf32>, vector<5000x1xf32>, vector<5000x1xf32> -> vector<5000x3xf32>
    %swap3A = arith.constant 0 : index
    %swap3A_84 = arith.constant 0 : index
    %swap3A_85 = vector.load %arg7[%swap3A, %swap3A_84] : memref<5000x3xf32, #tpu.memory_space<vmem>>, vector<5000x3xf32>
    tpu.vector_store %arg7[%swap3A, %swap3A_84], %concatenate3A {strides = array<i32>} : memref<5000x3xf32, #tpu.memory_space<vmem>>, vector<5000x3xf32>,
    return
  }
  func.func @transform_0(%arg0: i32) -> (i32, i32) {
    %c0_i32 = arith.constant 0 : i32
    %c0_i32_0 = arith.constant 0 : i32
    return %arg0, %c0_i32 : i32, i32
  }
  func.func @transform_1(%arg0: i32) -> (i32, i32) {
    %c0_i32 = arith.constant 0 : i32
    %c0_i32_0 = arith.constant 0 : i32
    %c0_i32_1 = arith.constant 0 : i32
    return %c0_i32, %c0_i32_0 : i32, i32
  }
  func.func @transform_2(%arg0: i32) -> (i32, i32) {
    %c0_i32 = arith.constant 0 : i32
    %c0_i32_0 = arith.constant 0 : i32
    %c0_i32_1 = arith.constant 0 : i32
    return %c0_i32, %c0_i32_0 : i32, i32
  }
  func.func @transform_3(%arg0: i32) -> (i32, i32) {
    %c0_i32 = arith.constant 0 : i32
    %c0_i32_0 = arith.constant 0 : i32
    %c0_i32_1 = arith.constant 0 : i32
    return %c0_i32, %c0_i32_0 : i32, i32
  }
  func.func @transform_4(%arg0: i32) -> (i32, i32) {
    %c0_i32 = arith.constant 0 : i32
    %c0_i32_0 = arith.constant 0 : i32
    %c0_i32_1 = arith.constant 0 : i32
    return %c0_i32, %c0_i32_0 : i32, i32
  }
  func.func @transform_5(%arg0: i32) -> (i32, i32) {
    %c0_i32 = arith.constant 0 : i32
    %c0_i32_0 = arith.constant 0 : i32
    %c0_i32_1 = arith.constant 0 : i32
    return %c0_i32, %c0_i32_0 : i32, i32
  }
  func.func @transform_6(%arg0: i32) -> (i32, i32) {
    %c0_i32 = arith.constant 0 : i32
    %c0_i32_0 = arith.constant 0 : i32
    return %arg0, %c0_i32 : i32, i32
  }
}

</mosaic_0001>

<sc_bundles>
// kernel: kernel.7.cloned.1.call-start
scs
__scs_entry_jumppad:
0x0: {  	(pc) =	sbr.rel $0x88, $3  }
0x1: {  	(tag) =	ssettag $0x0;
	lr =	simm.s32 $0x1  }
0x2: {  	[smem:$0x3F91] =	sst lr;
	_ =	strace $0xD0000000  }
0x3: {  	_ = 	snop  }
0x4: {  	_ = 	snop  }
0x5: {  	_ = 	snop  }
0x6: {  	_ = 	snop  }
0x7: {  	_ = 	snop  }
__scs_overlays_trampoline_lowered:
0x8: {  	[smem:$0x3FA0] =	sst s0  }
0x9: {  	[smem:$0x3FA1] =	sst s1  }
0xa: {  	[smem:$0x3FA2] =	sst s2  }
0xb: {  	[smem:$0x3FA3] =	sst s3  }
0xc: {  	[smem:$0x3FA4] =	sst s4  }
0xd: {  	[smem:$0x3FA5] =	sst s5  }
0xe: {  	[smem:$0x3FA6] =	sst s6  }
0xf: {  	[smem:$0x3FA7] =	sst s7  }
0x10: {  	[smem:$0x3FA8] =	sst s8  }
0x11: {  	[smem:$0x3FA9] =	sst s9;
	s0 =	simm.s32 @!p0 $0x0  }
0x12: {  	s1 =	sld [smem:$0x3F8F];
	s0 =	simm.s32 @p0 $0x1  }
0x13: {  	[smem:$0x3FAA] =	sst s0;
	s0 =	simm.s32 @!p1 $0x0  }
0x14: {  	s2 =	sld [smem:$0x3F8E];
	s0 =	simm.s32 @p1 $0x1  }
0x15: {  	[smem:$0x3FAB] =	sst s0;
	s0 =	simm.s32 @!p2 $0x0  }
0x16: {  	s3 =	sld [smem:$0x3FDB];
	s0 =	simm.s32 @p2 $0x1  }
0x17: {  	s4 =	simm.s32 $0x1BF5;
	[smem:$0x3FAD] =	sst s0  }
0x18: {  	s0 =	sld [smem:$0x3F90];
	_ =	swait.ge [sflag:s4], $0x0  }
0x19: {  	s7 =	sld [smem:$0x3F91]  }
0x1a: {  	s8 =	sadd.s32 $0xFFFFE003, lr  }
0x1b: {  	s9 =	sadd.s32 $0xFFFFFEF7, lr;
	s5 =	simm.s32 $0xFFFFFFFF;
	p2 =	slt.u32 s8, $0xFFFFF086  }
0x1c: {  	p1 =	slt.u32 s9, $0xF7A;
	s5 =	simm.s32 @!p2 $0x0  }
0x1d: {  	s5 =	simm.s32 @p1 $0x1;
	p0 =	seq.s32 s7, s2  }
0x1e: {  	s7 =	smul.u32 @!p0 $0xF7A, s2;
	p2 =	seq.s32 @!p0 s5, $0x0  }
0x1f: {  	s9 =	smul.u32 $0xF7A, s1;
	s8 =	simm.s32 @!p0 $0x1BF5;
	p2 =	por !p2, p0  }
0x20: {  	[sflag:s8] =	ssyncset.s32 @!p0 $0xFFFFF086;
	s6 =	sadd.s32 @!p0 s3, s7;
	s7 =	simm.s32 @!p0 $0x108  }
0x21: {  	s3 =	sadd.s32 s3, s9;
	s6 =	sadd.s32 @!p0 $0x88, s6;
	s7 =	simm.s32 @p2 $0x1082  }
0x22: {  	[simem:s7], [sflag:s8] =	dma.local @!p0 [hbm:s6], $0xF7A  }
0x23: {  	s9 =	sor.u32 $0xD0000000, s2;
	s6 =	simm.s32 $0x108;
	_ =	swait.ge @!p0 [sflag:s8], $0x0  }
0x24: {  	s3 =	sadd.s32 $0x88, s3;
	s6 =	simm.s32 @!p1 $0x1082;
	[sflag:s4] =	ssyncset.s32 $0xFFFFF086  }
0x25: {  	[simem:s6], [sflag:s4] =	dma.local [hbm:s3], $0xF7A  }
0x26: {  	[smem:$0x3F91] =	sst s1;
	(tag) =	ssettag s2;
	_ =	strace s9  }
0x27: {  	s1 =	sld [smem:$0x3FA1]  }
0x28: {  	s2 =	sld [smem:$0x3FA2]  }
0x29: {  	s4 =	sld [smem:$0x3FA4]  }
0x2a: {  	p0 =	seq.s32 s5, $0x0;
	s5 =	sld [smem:$0x3FA5]  }
0x2b: {  	s6 =	sld [smem:$0x3FA6]  }
0x2c: {  	s7 =	sld [smem:$0x3FA7]  }
0x2d: {  	s3 =	simm.s32 $0x108;
	s8 =	sld [smem:$0x3FA8]  }
0x2e: {  	s3 =	simm.s32 @!p0 $0x1082;
	s9 =	sld [smem:$0x3FA9]  }
0x2f: {  	lr =	sadd.s32 s0, s3;
	s0 =	sld [smem:$0x3FA0]  }
0x30: {  	s3 =	sld [smem:$0x3FA3]  }
0x31: {  	[smem:$0x3FAC] =	sst s10  }
0x32: {  	s10 =	sld [smem:$0x3FAA];
	_ =	sdelay $0x3  }
0x33: {  	p0 =	seq.s32 s10, $0x1;
	s10 =	sld [smem:$0x3FAC];
	_ =	sdelay $0x3  }
0x34: {  	[smem:$0x3FAC] =	sst s10  }
0x35: {  	s10 =	sld [smem:$0x3FAB];
	_ =	sdelay $0x3  }
0x36: {  	p1 =	seq.s32 s10, $0x1;
	s10 =	sld [smem:$0x3FAC];
	_ =	sdelay $0x3  }
0x37: {  	[smem:$0x3FAC] =	sst s10  }
0x38: {  	s10 =	sld [smem:$0x3FAD]  }
0x39: {  	_ = 	snop;
	(pc) =	sbr.ind lr, $3  }
0x3a: {  	_ = 	snop  }
0x3b: {  	_ = 	snop  }
0x3c: {  	p2 =	seq.s32 s10, $0x1;
	s10 =	sld [smem:$0x3FAC]  }
0x3d: {  	_ =	shalt  }
0x3e: {  	_ =	shalt  }
0x3f: {  	_ =	shalt  }
0x40: {  	_ =	shalt  }
0x41: {  	_ =	shalt  }
0x42: {  	_ =	shalt  }
0x43: {  	_ =	shalt  }
0x44: {  	_ =	shalt  }
0x45: {  	_ =	shalt  }
0x46: {  	_ =	shalt  }
0x47: {  	_ =	shalt  }
0x48: {  	_ =	shalt  }
0x49: {  	_ =	shalt  }
0x4a: {  	_ =	shalt  }
0x4b: {  	_ =	shalt  }
0x4c: {  	_ =	shalt  }
0x4d: {  	_ =	shalt  }
0x4e: {  	_ =	shalt  }
0x4f: {  	_ =	shalt  }
0x50: {  	_ =	shalt  }
0x51: {  	_ =	shalt  }
0x52: {  	_ =	shalt  }
0x53: {  	_ =	shalt  }
0x54: {  	_ =	shalt  }
0x55: {  	_ =	shalt  }
0x56: {  	_ =	shalt  }
0x57: {  	_ =	shalt  }
0x58: {  	_ =	shalt  }
0x59: {  	_ =	shalt  }
0x5a: {  	_ =	shalt  }
0x5b: {  	_ =	shalt  }
0x5c: {  	_ =	shalt  }
0x5d: {  	_ =	shalt  }
0x5e: {  	_ =	shalt  }
0x5f: {  	_ =	shalt  }
0x60: {  	_ =	shalt  }
0x61: {  	_ =	shalt  }
0x62: {  	_ =	shalt  }
0x63: {  	_ =	shalt  }
0x64: {  	_ =	shalt  }
0x65: {  	_ =	shalt  }
0x66: {  	_ =	shalt  }
0x67: {  	_ =	shalt  }
0x68: {  	_ =	shalt  }
0x69: {  	_ =	shalt  }
0x6a: {  	_ =	shalt  }
0x6b: {  	_ =	shalt  }
0x6c: {  	_ =	shalt  }
0x6d: {  	_ =	shalt  }
0x6e: {  	_ =	shalt  }
0x6f: {  	_ =	shalt  }
0x70: {  	_ =	shalt  }
0x71: {  	_ =	shalt  }
0x72: {  	_ =	shalt  }
0x73: {  	_ =	shalt  }
0x74: {  	_ =	shalt  }
0x75: {  	_ =	shalt  }
0x76: {  	_ =	shalt  }
0x77: {  	_ =	shalt  }
0x78: {  	_ =	shalt  }
0x79: {  	_ =	shalt  }
0x7a: {  	_ =	shalt  }
0x7b: {  	_ =	shalt  }
0x7c: {  	_ =	shalt  }
0x7d: {  	_ =	shalt  }
0x7e: {  	_ =	shalt  }
0x7f: {  	_ =	shalt  }
0x80: {  	_ =	shalt  }
0x81: {  	_ =	shalt  }
0x82: {  	_ =	shalt  }
0x83: {  	_ =	shalt  }
0x84: {  	_ =	shalt  }
0x85: {  	_ =	shalt  }
0x86: {  	_ =	shalt  }
0x87: {  	_ =	shalt  }
.Lfunc_end0:
.L_simem_size_0:
called_computation_lowered:
.L_overlay_start_0:
0x88: {  	s2 =	sld [smem:$0x3FD9]  }
0x89: {  	s3 =	sld [smem:$0x3FFE];
	_ =	sdelay $0x1  }
0x8a: {  	s1 =	srdreg.scid  }
0x8b: {  	s0 =	sand.u32 $0x1, s1  }
0x8c: {  	s17 =	sshll.u32 s0, $0xA;
	s2 =	sadd.s32 s3, s2  }
0x8d: {  	s2 =	sadd.s32 s2, s17  }
0x8e: {  	[smem:$0x3FB8] =	sst s2  }
0x8f: {  	_ = 	snop  }
0x90: {  	s2 =	sld [smem:$0x3FD0];
	(tm) =	ssettm $0x1  }
0x91: {  	s18 =	sld [smem:$0x3FFB];
	_ =	sdelay $0x3  }
0x92: {  	_ =	strace s18  }
0x93: {  	s3 =	sld [smem:$0x3FFC];
	_ =	sdelay $0x3  }
0x94: {  	_ =	strace s3  }
0x95: {  	s3 =	sld [smem:$0x3FFD];
	_ =	sdelay $0x3  }
0x96: {  	_ =	strace s3  }
0x97: {  	_ =	strace $0x8FFFFFFF  }
0x98: {  	s19 =	sld [smem:$0x3FDB];
	_ =	sdelay $0x1  }
0x99: {  	s4 =	simm.s32 $_scs_section_size  }
0x9a: {  	s5 =	simm.s32 $_size__tile_overlayer_lowered;
	s6 =	simm.s32 $_tile_overlayer_lowered  }
0x9b: {  	s22 =	simm.s32 $0x1BFF;
	s21 =	sshll.u32 s6, $0x1;
	s3 =	sadd.s32 s4, s19  }
0x9c: {  	s7 =	simm.s32 $0x0;
	s20 =	sshll.u32 s5, $0x1;
	s5 =	sadd.s32 s21, s3  }
0x9d: {  	[timem:s7], [sflag:s22] =	dma.local [hbm:s5], s20  }
0x9e: {  	_ =	swait.ge [sflag:s22], s20  }
0x9f: {  	s4 =	ssub.s32 $0x0, s20;
	[sflag:s22] =	ssyncset.done $0x0  }
0xa0: {  	[sflag:s22] =	ssyncadd.s32 s4;
	_ =	sdelay $0x1  }
0xa1: {  	s23 =	simm.s32 $0x1B8B  }
0xa2: {  	_ =	swait.ge [sflag:s23], $0x1  }
0xa3: {  	[sflag:s23] =	ssyncset.done $0x0  }
0xa4: {  	s25 =	simm.s32 $0x1B8E;
	s24 =	sld [smem:$0x3FFE];
	[sflag:s23] =	ssyncadd.s32 $0xFFFFFFFF  }
0xa5: {  	s26 =	simm.s32 $execute0_lowered;
	[smem:$0x3FD2] =	sst s25  }
0xa6: {  	s5 =	sshll.u32 s26, $0x1;
	_ =	strace $0x80000046;
	[dreg:$0x1] =	wrdreg $0xFFFFFFFF  }
0xa7: {  	s28 =	simm.s32 $_size_execute0_lowered;
	s3 =	sadd.s32 s3, s5;
	[dreg:$0x0] =	wrdreg $0x0  }
0xa8: {  	s5 =	sshll.u32 s28, $0x1;
	[dreg:$0x2] =	wrdreg s3  }
0xa9: {  	[dreg:$0x3] =	wrdreg s5  }
0xaa: {  	[dreg:$0x4] =	wrdreg $0xC0  }
0xab: {  	_ =	task [dreg:s7], $0x5FFFF  }
0xac: {  	[dreg:$0x1] =	wrdreg $0xFFFFFFFF  }
0xad: {  	[dreg:$0x0] =	wrdreg $0x60  }
0xae: {  	[dreg:$0x2] =	wrdreg s24  }
0xaf: {  	[dreg:$0x3] =	wrdreg s2  }
0xb0: {  	[dreg:$0x4] =	wrdreg $0x64300  }
0xb1: {  	[dreg:$0x5] =	wrdreg $0x9  }
0xb2: {  	_ =	task.clear_ibuf [dreg:s7], $0x6FFFF;
	_ =	strace $0x90000046  }
0xb3: {  	s29 =	simm.s32 $0x9;
	_ =	strace $0x80000048  }
0xb4: {  	_ =	swait.ge [sflag:s29], $0x1  }
0xb5: {  	[sflag:s29] =	ssyncadd.s32 $0xFFFFFFFF  }
0xb6: {  	_ =	strace $0x90000048  }
0xb7: {  	_ =	sfence  }
0xb8: {  	s30 =	sld [smem:$0x0];
	_ =	sdelay $0x2  }
0xb9: {  	s31 =	sshll.u32 s1, $0xD;
	s1 =	sshrl.u32 s1, $0x2  }
0xba: {  	s3 =	sand.u32 $0x4000, s31;
	s1 =	sadd.s32 s1, s30  }
0xbb: {  	s0 =	sor.u32 s3, s0;
	s1 =	sshll.u32 s1, $0x11  }
0xbc: {  	s0 =	sor.u32 s1, s0  }
0xbd: {  	s0 =	sadd.s32 $0x8F2B, s0  }
0xbe: {  	[sflag:s0] =	ssyncadd.remote.s32 $0x1  }
0xbf: {  	_ =	sfence.sel $0xFFFF  }
0xc0: {  	[dreg:$0x0] =	wrdreg $0xFFFFFFFF;
	(pc) =	sbr.abs _section_cstart, $3  }
0xc1: {  	[dreg:$0x1] =	wrdreg $0xFFFFFFFF  }
0xc2: {  	_ =	task.clear_ibuf [dreg:s7], $0x2FFFF;
	_ =	strace $0x9FFFFFFF  }
0xc3: {  	(tm) =	ssettm $0x7FFFFFFF  }
tec
execute0_lowered:
.L_overlay_start_1:
0x0: {  	(tag) =	ssettag $0x1  }
0x1: {  	s0 =	rddreg [dreg:$0x0]  }
0x2: {  	s2 =	rddreg [dreg:$0x2];
	s4 =	simm.s32 $0x0  }
0x3: {  	s1 =	srdreg.scid;
	s12 =	stileid.u32;
	s19 =	simm.s32 $0x3480  }
0x4: {  	s28 =	simm.s32 $0x280;
	s29 =	simm.s32 $0xC80;
	s30 =	simm.s32 $0x1680  }
0x5: {  	s31 =	simm.s32 $0x3;
	[smem:$0x7FF] =	sst s4;
	s5 =	sadd.s32 $0xAFA00, s0  }
0x6: {  	s1 =	sand.u32 $0x1, s1;
	s3 =	sshll.u32 s12, $0x1;
	s6 =	sadd.s32 $0x4DE00, s0  }
0x7: {  	s7 =	sadd.s32 $0x35600, s0;
	s8 =	sadd.s32 $0x4800, s0;
	s11 =	smul.u32 $0x61A80, s12  }
0x8: {  	s10 =	sadd.s32 $0x4600, s0;
	s25 =	smul.u32 $0x30D4, s12;
	s12 =	simm.s32 $0x0  }
0x9: {  	_ =	strace $0x80000047;
	s9 =	smul.u32 $0x30D40, s1;
	s3 =	sor.u32 s1, s3  }
0xa: {  	s1 =	ssub.s32 $0x2, s1;
	[dreg:$0x4] =	wrdreg s10;
	s3 =	smul.u32 $0x186A0, s3  }
0xb: {  	s20 =	sshrl.u32 s1, $0x1;
	s26 =	sshrl.u32 s11, $0x2;
	s0 =	sadd.s32 s9, s0  }
0xc: {  	s1 =	ssub.s32 s1, s20;
	s17 =	sadd.s32 s26, s2;
	s20 =	simm.s32 $0x5  }
0xd: {  	s26 =	simm.s32 $0x1;
	s21 =	sshrl.u32 s3, $0x3;
	s14 =	sadd.s32 $0x140, s3  }
0xe: {  	s15 =	sadd.s32 $0x1E0, s3;
	s1 =	smax.u32 s1, $0x1;
	s0 =	sadd.s32 s25, s0  }
0xf: {  	s25 =	simm.s32 $0x1E0;
	s3 =	simm.s32 $0x780;
	s22 =	sadd.s32 s5, s21  }
0x10: {  	s23 =	sadd.s32 $0x14, s21;
	s9 =	sadd.s32 s6, s21;
	[dreg:$0x9] =	wrdreg s1  }
0x11: {  	s18 =	sadd.s32 $0x111600, s0;
	s0 =	simm.s32 $0x2;
	[dreg:$0x5] =	wrdreg s22  }
0x12: {  	s1 =	simm.s32 $0x1180;
	s21 =	simm.s32 $0x2080;
	[dreg:$0x6] =	wrdreg s9  }
0x13: {  	s24 =	sadd.s32 s5, s23;
	s10 =	sadd.s32 s6, s23;
	s22 =	simm.s32 $0x5490  }
0x14: {  	s23 =	simm.s32 $0x140;
	s9 =	simm.s32 $0x2A80;
	[dreg:$0x7] =	wrdreg s24  }
0x15: {  	v0 =	vimm.f32 $0.0e+00;
	v61 =	vlaneseq.u32;
	[dreg:$0x8] =	wrdreg s10;
	s24 =	simm.s32 $0xA0;
	s10 =	simm.s32 $0x4  }
.LBB2_1:
0x16: {  	[dreg:$0xa] =	wrdreg s12  }
0x17: {  	s11 =	rddreg [dreg:$0x1]  }
0x18: {  	[tilespmem:s19], [sflag:$0x5] =	stream.linear.gather [hbm4b:s11+s4], $0x2000, $0x38;
	[tilespmem:$0x1EAD0] =	vst v63  }
0x19: {  	_ =	swait.ge [sflag:s20], $0x2000  }
0x1a: {  	[sflag:s20] =	ssyncset.done $0x0  }
0x1b: {  	s16 =	simm.s32 $0x5480;
	s13 =	rddreg [dreg:$0x4];
	[sflag:s20] =	ssyncadd.s32 $0xFFFFE000  }
0x1c: {  	[tilespmem:s16], [sflag:$0x5] =	stream.linear.gather [hbm4b:s13+s4], $0x10, $0x38;
	[tilespmem:$0x1EAD0] =	vst v63  }
0x1d: {  	_ =	swait.ge [sflag:s20], $0x10  }
0x1e: {  	[sflag:s20] =	ssyncset.done $0x0  }
0x1f: {  	s12 =	simm.s32 $0x0;
	[sflag:s20] =	ssyncadd.s32 $0xFFFFFFF0  }
.LBB2_2:
0x20: {  	p0 =	sne.s32 s12, $0x3E40  }
.Ltmp0:
0x21: {  	_ = 	snop;
	(pc) =	sbr.rel @p0 .LBB2_2-.Ltmp0, $3  }
0x22: {  	_ =	sdelay $0x1  }
0x23: {  	s13 =	sshra.s32 s12, $0x2  }
0x24: {  	s12 =	sadd.s32 $0x40, s12;
	[tilespmem:s13+$0x5490] =	vst v0  }
0x25: {  	s12 =	sadd.s32 $0x0, s17  }
0x26: {  	[spmem:s12] =	stream.linear.scatter [tilespmem:s22], [sflag:$0x5], $0xFA0, $0x38;
	[tilespmem:$0x1EAD0] =	vst v63  }
0x27: {  	s12 =	simm.s32 $0x3E80;
	_ =	swait.ge [sflag:s20], $0xFA0  }
.LBB2_4:
0x28: {  	s13 =	sshra.s32 s12, $0x2;
	[sflag:s20] =	ssyncset.done $0x0;
	p0 =	sne.s32 s12, $0x5DC00  }
.Ltmp1:
0x29: {  	s13 =	sadd.s32 s13, s17;
	[sflag:s20] =	ssyncadd.s32 $0xFFFFF060;
	(pc) =	sbr.rel @p0 .LBB2_4-.Ltmp1, $3  }
0x2a: {  	[spmem:s13] =	stream.linear.scatter [tilespmem:s22], [sflag:$0x5], $0xFA0, $0x38;
	[tilespmem:$0x1EAD0] =	vst v63  }
0x2b: {  	s12 =	sadd.s32 $0x3E80, s12;
	_ =	sdelay $0x1  }
0x2c: {  	_ =	swait.ge [sflag:s20], $0xFA0  }
0x2d: {  	[sflag:s20] =	ssyncset.done $0x0  }
0x2e: {  	[sflag:s20] =	ssyncadd.s32 $0xFFFFF060  }
0x2f: {  	[bflag:$0x0] =	sbarrier.arrive $0xFFFF  }
0x30: {  	s12 =	simm.s32 $0x0;
	s11 =	rddreg [dreg:$0x5]  }
0x31: {  	v0 =	vld [tilespmem:$0x5480];
	[tilespmem:s12], [sflag:$0x1] =	stream.linear.gather [hbm4b:s11+s12], $0xA0, $0x38  }
0x32: {  	s16 =	rddreg [dreg:$0x6]  }
0x33: {  	[tilespmem:s23], [sflag:$0x1] =	stream.linear.gather [hbm4b:s16+s12], $0xA0, $0x38;
	[tilespmem:$0x1EAD0] =	vst v63  }
0x34: {  	s13 =	rddreg [dreg:$0x7]  }
0x35: {  	[tilespmem:s24], [sflag:$0x2] =	stream.linear.gather [hbm4b:s13+s12], $0xA0, $0x38;
	[tilespmem:$0x1EAD0] =	vst v63  }
0x36: {  	s16 =	rddreg [dreg:$0x8];
	[tilespmem:$0x1FFF0] =	vst v0  }
0x37: {  	[tilespmem:s25], [sflag:$0x2] =	stream.linear.gather [hbm4b:s16+s12], $0xA0, $0x38;
	[tilespmem:$0x1EAD0] =	vst v63  }
0x38: {  	_ =	swait.ge [sflag:s26], $0xA0  }
0x39: {  	[sflag:s26] =	ssyncset.done $0x0  }
0x3a: {  	[sflag:s26] =	ssyncadd.s32 $0xFFFFFF60  }
0x3b: {  	_ =	swait.ge [sflag:s26], $0xA0  }
0x3c: {  	[sflag:s26] =	ssyncset.done $0x0  }
0x3d: {  	[sflag:s26] =	ssyncadd.s32 $0xFFFFFF60  }
0x3e: {  	[tilespmem:s28], [sflag:$0x3] =	stream.indirect.gather [hbm4b:s7+s24], $0x8, s12, s24, $0xb8;
	[tilespmem:$0x1EAD0] =	vst v63  }
0x3f: {  	_ = 	snop  }
0x40: {  	[tilespmem:s29], [sflag:$0x3] =	stream.indirect.gather [hbm4b:s7+s24], $0x8, s23, s24, $0xb8;
	[tilespmem:$0x1EAD0] =	vst v63  }
0x41: {  	s13 =	simm.s32 $0x0  }
0x42: {  	[tilespmem:s30], [sflag:$0x3] =	stream.indirect.gather [hbm4b:s8+s24], $0x10, s12, s24, $0xb8;
	[tilespmem:$0x1EAD0] =	vst v63  }
.LBB2_6:
0x43: {  	_ =	swait.ge [sflag:s31], $0x500  }
0x44: {  	[sflag:s31] =	ssyncset.done $0x0  }
0x45: {  	[sflag:s31] =	ssyncadd.s32 $0xFFFFFB00  }
0x46: {  	_ =	swait.ge [sflag:s31], $0x500  }
0x47: {  	[sflag:s31] =	ssyncset.done $0x0  }
0x48: {  	[sflag:s31] =	ssyncadd.s32 $0xFFFFFB00  }
0x49: {  	_ =	swait.ge [sflag:s31], $0xA00  }
0x4a: {  	[sflag:s31] =	ssyncset.done $0x0  }
0x4b: {  	[sflag:s31] =	ssyncadd.s32 $0xFFFFF600  }
0x4c: {  	_ =	swait.ge [sflag:s0], $0xA0  }
0x4d: {  	[sflag:s0] =	ssyncset.done $0x0  }
0x4e: {  	[sflag:s0] =	ssyncadd.s32 $0xFFFFFF60  }
0x4f: {  	_ =	swait.ge [sflag:s0], $0xA0  }
0x50: {  	s11 =	simm.s32 $0x0;
	[sflag:s0] =	ssyncset.done $0x0  }
0x51: {  	v0 =	vor.u32 s11, v61;
	[sflag:s0] =	ssyncadd.s32 $0xFFFFFF60  }
0x52: {  	v1 =	vshll.u32 v0, $0x3;
	[tilespmem:s3], [sflag:$0x4] =	stream.indirect.gather [hbm4b:s7+s24], $0x8, s24, s24, $0xb8;
	[tilespmem:$0x1EAD0] =	vst v63  }
0x53: {  	v2 =	vor.u32 $0x1, v1  }
0x54: {  	[tilespmem:s1], [sflag:$0x4] =	stream.indirect.gather [hbm4b:s7+s24], $0x8, s25, s24, $0xb8;
	[tilespmem:$0x1EAD0] =	vst v63  }
0x55: {  	_ = 	snop  }
0x56: {  	v3 =	vor.u32 $0x2, v1;
	[tilespmem:s21], [sflag:$0x4] =	stream.indirect.gather [hbm4b:s8+s24], $0x10, s24, s24, $0xb8;
	[tilespmem:$0x1EAD0] =	vst v63  }
0x57: {  	v4 =	vld.idx.msk [tilespmem:v1+s28+$0x0], $0xffff  }
0x58: {  	v5 =	vld.idx.msk [tilespmem:v2+s28+$0x0], $0xffff  }
0x59: {  	v1 =	vld.idx.msk [tilespmem:v1+s29+$0x0], $0xffff  }
0x5a: {  	v2 =	vld.idx.msk [tilespmem:v2+s29+$0x0], $0xffff  }
0x5b: {  	v6 =	vld.idx.msk [tilespmem:v3+s29+$0x0], $0xffff  }
0x5c: {  	v3 =	vld.idx.msk [tilespmem:v3+s28+$0x0], $0xffff;
	_ =	sdelay $0x2  }
0x5d: {  	v1 =	vsub.f32 v4, v1;
	v2 =	vsub.f32 v5, v2;
	_ =	sdelay $0x1  }
0x5e: {  	v3 =	vsub.f32 v3, v6;
	v1 =	vmul.f32 v1, v1;
	v2 =	vmul.f32 v2, v2;
	_ =	sdelay $0x1  }
0x5f: {  	v1 =	vadd.f32 v2, v1;
	v2 =	vmul.f32 v3, v3;
	_ =	sdelay $0x1  }
0x60: {  	s16 =	simm.s32 $0x10;
	v1 =	vadd.f32 v2, v1  }
0x61: {  	v2 =	vor.u32 s16, v61  }
0x62: {  	v3 =	vshll.u32 v2, $0x3;
	v1 =	vadd.f32 $9.999999960e-13, v1;
	_ =	sdelay $0x1  }
0x63: {  	v4 =	vor.u32 $0x1, v3;
	v5 =	vshrl.u32 v1, $0x1;
	v6 =	vmul.f32 $5.000000000e-01, v1  }
0x64: {  	v5 =	vsub.s32 $0x5F3759DF, v5  }
0x65: {  	v8 =	vor.u32 $0x2, v3;
	v7 =	vmul.f32 v5, v6  }
0x66: {  	v9 =	vld.idx.msk [tilespmem:v3+s28+$0x0], $0xffff  }
0x67: {  	v3 =	vld.idx.msk [tilespmem:v3+s29+$0x0], $0xffff;
	v7 =	vmul.f32 v5, v7  }
0x68: {  	v10 =	vld.idx.msk [tilespmem:v4+s28+$0x0], $0xffff  }
0x69: {  	v4 =	vld.idx.msk [tilespmem:v4+s29+$0x0], $0xffff;
	v7 =	vsub.f32 $1.500000000e+00, v7  }
0x6a: {  	v11 =	vld.idx.msk [tilespmem:v8+s29+$0x0], $0xffff  }
0x6b: {  	v7 =	vmul.f32 v5, v7;
	v5 =	vld.idx.msk [tilespmem:v8+s28+$0x0], $0xffff;
	_ =	sdelay $0x1  }
0x6c: {  	v3 =	vsub.f32 v9, v3;
	v6 =	vmul.f32 v7, v6  }
0x6d: {  	v4 =	vsub.f32 v10, v4  }
0x6e: {  	v3 =	vmul.f32 v3, v3;
	v6 =	vmul.f32 v6, v7  }
0x6f: {  	v4 =	vmul.f32 v4, v4;
	v8 =	vsub.f32 v5, v11;
	v5 =	vshll.u32 v0, $0x4  }
0x70: {  	v0 =	vsub.f32 $1.500000000e+00, v6;
	v6 =	vor.u32 $0xF, v5  }
0x71: {  	v3 =	vadd.f32 v4, v3;
	v54 =	vor.u32 $0xB, v5;
	v4 =	vmul.f32 v8, v8  }
0x72: {  	[tilespmem:$0x1FFD0] =	vst v54  }
0x73: {  	[tilespmem:$0x1FEC0] =	vst v6;
	v0 =	vmul.f32 v0, v7;
	v3 =	vadd.f32 v4, v3;
	v4 =	vor.u32 $0xC, v5  }
0x74: {  	[tilespmem:$0x1FFE0] =	vst v4  }
0x75: {  	v0 =	vmul.f32 v0, v1;
	v1 =	vld.idx.msk [tilespmem:v6+s30+$0x0], $0xffff  }
0x76: {  	v8 =	vor.u32 $0xE, v5  }
0x77: {  	v53 =	vor.u32 $0xD, v5;
	_ =	sdelay $0x1  }
0x78: {  	[tilespmem:$0x1FED0] =	vst v8  }
0x79: {  	[tilespmem:$0x1FFA0] =	vst v1  }
0x7a: {  	v42 =	vld.idx.msk [tilespmem:v8+s30+$0x0], $0xffff;
	[tilespmem:$0x1FEE0] =	vst v53  }
0x7b: {  	v7 =	vadd.f32 $9.999999960e-13, v3;
	v3 =	vld.idx.msk [tilespmem:v53+s30+$0x0], $0xffff;
	_ =	sdelay $0x3  }
0x7c: {  	v30 =	vld [tilespmem:$0x1FFF0]  }
0x7d: {  	v1 =	vshrl.u32 v7, $0x1;
	[tilespmem:$0x1FFC0] =	vst v3  }
0x7e: {  	v55 =	vsub.s32 $0x5F3759DF, v1;
	v1 =	vld.idx.msk [tilespmem:v4+s30+$0x0], $0xffff;
	_ =	sdelay $0x1  }
0x7f: {  	v41 =	vor.u32 $0xA, v5  }
0x80: {  	v29 =	vor.u32 $0x9, v5;
	v0 =	vmul.f32 v0, v30  }
0x81: {  	v33 =	vor.u32 $0x8, v5  }
0x82: {  	v39 =	vor.u32 $0x7, v5;
	v0 =	vtrunc.f32 v0;
	v8 =	vmul.f32 $5.000000000e-01, v7;
	[tilespmem:$0x1FFB0] =	vst v1  }
0x83: {  	v25 =	vor.u32 $0x6, v5;
	v4 =	vcvt.f32.s32 v0;
	v32 =	vld.idx.msk [tilespmem:v54+s30+$0x0], $0xffff  }
0x84: {  	s12 =	simm.s32 $0x20;
	v10 =	vor.u32 $0x1, v5;
	v3 =	vmul.f32 v55, v8;
	v28 =	vld.idx.msk [tilespmem:v41+s30+$0x0], $0xffff  }
0x85: {  	v49 =	vor.u32 s12, v61;
	vm0 =	vlt.s32 v4, $0x1FF;
	v27 =	vld.idx.msk [tilespmem:v29+s30+$0x0], $0xffff  }
0x86: {  	v62 =	vshll.u32 v49, $0x3;
	v6 =	vmul.f32 v55, v3;
	v56 =	vnsel vm0, $0x1FF, v4;
	v4 =	vld.idx.msk [tilespmem:v33+s30+$0x0], $0xffff  }
0x87: {  	v61 =	vor.u32 $0x5, v5;
	v26 =	vld.idx.msk [tilespmem:v39+s30+$0x0], $0xffff  }
0x88: {  	v12 =	vsub.f32 $1.500000000e+00, v6;
	v11 =	vshll.u32 v56, $0x4;
	v6 =	vld.idx.msk [tilespmem:v25+s30+$0x0], $0xffff  }
0x89: {  	v13 =	vor.u32 $0x1, v11;
	v15 =	vld.idx.msk [tilespmem:v10+s30+$0x0], $0xffff  }
0x8a: {  	v14 =	vor.u32 $0x2, v11;
	v16 =	vld.idx.msk [tilespmem:v5+s30+$0x0], $0xffff  }
0x8b: {  	v9 =	vmul.f32 v55, v12;
	v57 =	vor.u32 $0x3, v11;
	v12 =	vld.idx.msk [tilespmem:v62+s28+$0x0], $0xffff  }
0x8c: {  	v17 =	vor.u32 $0x4, v11;
	v3 =	vld.idx.msk [tilespmem:v61+s30+$0x0], $0xffff  }
0x8d: {  	v19 =	vor.u32 $0x5, v11;
	v8 =	vmul.f32 v9, v8;
	v18 =	vld.idx.msk [tilespmem:v11+s19+$0x0], $0xffff  }
0x8e: {  	v20 =	vor.u32 $0x6, v11;
	v13 =	vld.idx.msk [tilespmem:v13+s19+$0x0], $0xffff  }
0x8f: {  	v21 =	vor.u32 $0x7, v11;
	v8 =	vmul.f32 v8, v9;
	v14 =	vld.idx.msk [tilespmem:v14+s19+$0x0], $0xffff  }
0x90: {  	v58 =	vor.u32 $0x8, v11;
	v22 =	vld.idx.msk [tilespmem:v57+s19+$0x0], $0xffff  }
0x91: {  	v23 =	vor.u32 $0x9, v11;
	v17 =	vld.idx.msk [tilespmem:v17+s19+$0x0], $0xffff;
	v8 =	vsub.f32 $1.500000000e+00, v8  }
0x92: {  	v59 =	vor.u32 $0xB, v11;
	v24 =	vld.idx.msk [tilespmem:v19+s19+$0x0], $0xffff  }
0x93: {  	v60 =	vor.u32 $0xE, v11;
	v43 =	vld.idx.msk [tilespmem:v20+s19+$0x0], $0xffff;
	v8 =	vmul.f32 v8, v9  }
0x94: {  	v44 =	vld.idx.msk [tilespmem:v21+s19+$0x0], $0xffff  }
0x95: {  	v19 =	vor.u32 $0xA, v11;
	v46 =	vld.idx.msk [tilespmem:v58+s19+$0x0], $0xffff;
	v7 =	vmul.f32 v8, v7  }
0x96: {  	v1 =	vor.u32 $0x4, v5;
	v47 =	vld.idx.msk [tilespmem:v23+s19+$0x0], $0xffff  }
0x97: {  	v50 =	vld.idx.msk [tilespmem:v59+s19+$0x0], $0xffff;
	v8 =	vor.u32 $0xD, v11;
	v7 =	vmul.f32 v7, v30  }
0x98: {  	v20 =	vor.u32 $0xC, v11;
	v53 =	vld.idx.msk [tilespmem:v60+s19+$0x0], $0xffff  }
0x99: {  	v21 =	vld.idx.msk [tilespmem:v62+s29+$0x0], $0xffff;
	v11 =	vor.u32 $0xF, v11;
	v7 =	vtrunc.f32 v7  }
0x9a: {  	v48 =	vld.idx.msk [tilespmem:v19+s19+$0x0], $0xffff;
	v19 =	vor.u32 $0x1, v62;
	v7 =	vcvt.f32.s32 v7  }
0x9b: {  	v16 =	vmul.f32 v16, v18;
	v18 =	vld.idx.msk [tilespmem:v1+s30+$0x0], $0xffff  }
0x9c: {  	v52 =	vld.idx.msk [tilespmem:v8+s19+$0x0], $0xffff;
	v8 =	vor.u32 $0x2, v62;
	vm15 =	vlt.s32 v7, $0x1FF  }
0x9d: {  	v45 =	vld.idx.msk [tilespmem:v20+s19+$0x0], $0xffff;
	v7 =	vnsel vm15, $0x1FF, v7  }
0x9e: {  	v60 =	vor.u32 $0x2, v5;
	v55 =	vld.idx.msk [tilespmem:v11+s19+$0x0], $0xffff;
	v7 =	vshll.u32 v7, $0x4  }
0x9f: {  	v20 =	vld.idx.msk [tilespmem:v19+s28+$0x0], $0xffff;
	v23 =	vor.u32 $0x3, v7  }
0xa0: {  	v19 =	vld.idx.msk [tilespmem:v19+s29+$0x0], $0xffff;
	v63 =	vor.u32 $0x1, v7  }
0xa1: {  	v36 =	vor.u32 $0x2, v7;
	v30 =	vld.idx.msk [tilespmem:v8+s29+$0x0], $0xffff  }
0xa2: {  	v54 =	vld.idx.msk [tilespmem:v8+s28+$0x0], $0xffff;
	v8 =	vor.u32 $0x5, v7  }
0xa3: {  	v62 =	vld.idx.msk [tilespmem:v60+s30+$0x0], $0xffff;
	v34 =	vor.u32 $0x4, v7  }
0xa4: {  	v31 =	vld.idx.msk [tilespmem:v23+s19+$0x0], $0xffff;
	v23 =	vor.u32 $0x8, v7  }
0xa5: {  	v40 =	vor.u32 $0x9, v7;
	v56 =	vld.idx.msk [tilespmem:v63+s19+$0x0], $0xffff  }
0xa6: {  	v37 =	vor.u32 $0x6, v7;
	v57 =	vld.idx.msk [tilespmem:v36+s19+$0x0], $0xffff  }
0xa7: {  	v59 =	vld.idx.msk [tilespmem:v8+s19+$0x0], $0xffff;
	v8 =	vor.u32 $0xA, v7  }
0xa8: {  	v38 =	vor.u32 $0x7, v7;
	v51 =	vld.idx.msk [tilespmem:v34+s19+$0x0], $0xffff  }
0xa9: {  	v36 =	vld.idx.msk [tilespmem:v23+s19+$0x0], $0xffff;
	v23 =	vor.u32 $0x3, v5  }
0xaa: {  	v34 =	vld.idx.msk [tilespmem:v40+s19+$0x0], $0xffff;
	v40 =	vor.u32 $0xB, v7  }
0xab: {  	v2 =	vshll.u32 v2, $0x4;
	v58 =	vld.idx.msk [tilespmem:v37+s19+$0x0], $0xffff;
	v37 =	vor.u32 $0xC, v7  }
0xac: {  	v35 =	vld.idx.msk [tilespmem:v8+s19+$0x0], $0xffff;
	v8 =	vor.u32 $0xF, v2  }
0xad: {  	v13 =	vmul.f32 v15, v13;
	v63 =	vld.idx.msk [tilespmem:v38+s19+$0x0], $0xffff  }
0xae: {  	v0 =	vld.idx.msk [tilespmem:v23+s30+$0x0], $0xffff;
	[tilespmem:v5+s9+$0x0] =	vst.idx.msk $0xffff, v16  }
0xaf: {  	v40 =	vld.idx.msk [tilespmem:v40+s19+$0x0], $0xffff;
	[tilespmem:v10+s9+$0x0] =	vst.idx.msk $0xffff, v13  }
0xb0: {  	v37 =	vld.idx.msk [tilespmem:v37+s19+$0x0], $0xffff;
	[tilespmem:$0x1FEF0] =	vst v8  }
0xb1: {  	v8 =	vld.idx.msk [tilespmem:v8+s30+$0x0], $0xffff;
	_ =	sdelay $0x2  }
0xb2: {  	v38 =	vor.u32 $0xE, v2  }
0xb3: {  	v5 =	vmul.f32 v62, v14  }
0xb4: {  	[tilespmem:$0x1FF00] =	vst v8  }
0xb5: {  	[tilespmem:v60+s9+$0x0] =	vst.idx.msk $0xffff, v5  }
0xb6: {  	[tilespmem:$0x1FF10] =	vst v38  }
0xb7: {  	v8 =	vld.idx.msk [tilespmem:v38+s30+$0x0], $0xffff  }
0xb8: {  	v15 =	vor.u32 $0xD, v2;
	_ =	sdelay $0x2  }
0xb9: {  	[tilespmem:$0x1FF30] =	vst v15  }
0xba: {  	[tilespmem:$0x1FF20] =	vst v8  }
0xbb: {  	v8 =	vld.idx.msk [tilespmem:v15+s30+$0x0], $0xffff  }
0xbc: {  	v9 =	vor.u32 $0xC, v2;
	_ =	sdelay $0x2  }
0xbd: {  	[tilespmem:$0x1FF50] =	vst v9  }
0xbe: {  	[tilespmem:$0x1FF40] =	vst v8  }
0xbf: {  	v8 =	vld.idx.msk [tilespmem:v9+s30+$0x0], $0xffff;
	_ =	sdelay $0x1  }
0xc0: {  	v11 =	vor.u32 $0xB, v2  }
0xc1: {  	v12 =	vsub.f32 v12, v21;
	v13 =	vsub.f32 v20, v19  }
0xc2: {  	v10 =	vor.u32 $0xA, v2;
	v0 =	vmul.f32 v0, v22;
	[tilespmem:$0x1FF70] =	vst v11  }
0xc3: {  	v20 =	vmul.f32 v12, v12;
	v21 =	vmul.f32 v13, v13;
	[tilespmem:$0x1FF60] =	vst v8  }
0xc4: {  	v62 =	vor.u32 $0x9, v2;
	v5 =	vsub.f32 v54, v30;
	v30 =	vmul.f32 v18, v17;
	[tilespmem:v23+s9+$0x0] =	vst.idx.msk $0xffff, v0  }
0xc5: {  	v20 =	vadd.f32 v21, v20;
	v54 =	vor.u32 $0x8, v2;
	v21 =	vld.idx.msk [tilespmem:v11+s30+$0x0], $0xffff;
	[tilespmem:$0x1FF80] =	vst v10  }
0xc6: {  	v8 =	vor.u32 $0x6, v2;
	v0 =	vmul.f32 v3, v24;
	[tilespmem:v1+s9+$0x0] =	vst.idx.msk $0xffff, v30  }
0xc7: {  	v5 =	vmul.f32 v5, v5;
	v24 =	vld.idx.msk [tilespmem:v10+s30+$0x0], $0xffff;
	[tilespmem:$0x1FF90] =	vst v62  }
0xc8: {  	[tilespmem:v61+s9+$0x0] =	vst.idx.msk $0xffff, v0;
	v0 =	vmul.f32 v6, v43  }
0xc9: {  	v15 =	vor.u32 $0x5, v2;
	v3 =	vmul.f32 v26, v44;
	v1 =	vadd.f32 v5, v20;
	v20 =	vld.idx.msk [tilespmem:v62+s30+$0x0], $0xffff  }
0xca: {  	v4 =	vmul.f32 v4, v46;
	v22 =	vor.u32 $0x4, v2;
	v23 =	vld.idx.msk [tilespmem:v54+s30+$0x0], $0xffff;
	[tilespmem:v25+s9+$0x0] =	vst.idx.msk $0xffff, v0  }
0xcb: {  	v38 =	vld.idx.msk [tilespmem:v8+s30+$0x0], $0xffff;
	[tilespmem:v39+s9+$0x0] =	vst.idx.msk $0xffff, v3  }
0xcc: {  	v0 =	vld [tilespmem:$0x1FFA0];
	[tilespmem:v33+s9+$0x0] =	vst.idx.msk $0xffff, v4  }
0xcd: {  	v4 =	vld [tilespmem:$0x1FFB0]  }
0xce: {  	v6 =	vor.u32 $0x1, v2;
	v43 =	vld.idx.msk [tilespmem:v15+s30+$0x0], $0xffff  }
0xcf: {  	v62 =	vmov v54;
	v54 =	vadd.f32 $9.999999960e-13, v1;
	v1 =	vld.idx.msk [tilespmem:v22+s30+$0x0], $0xffff  }
0xd0: {  	v12 =	vor.u32 $0xE, v7;
	v18 =	vmov v8;
	v5 =	vmul.f32 v27, v47;
	v8 =	vld.idx.msk [tilespmem:v2+s30+$0x0], $0xffff  }
0xd1: {  	v26 =	vor.u32 $0x7, v2;
	v11 =	vld.idx.msk [tilespmem:v7+s19+$0x0], $0xffff;
	v3 =	vmul.f32 v28, v48  }
0xd2: {  	v30 =	vor.u32 $0x2, v2;
	v45 =	vmul.f32 v4, v45;
	v4 =	vld [tilespmem:$0x1FFC0];
	[tilespmem:v29+s9+$0x0] =	vst.idx.msk $0xffff, v5  }
0xd3: {  	v14 =	vor.u32 $0xF, v7;
	v28 =	vmul.f32 v0, v55;
	v0 =	vld.idx.msk [tilespmem:v6+s30+$0x0], $0xffff;
	[tilespmem:v41+s9+$0x0] =	vst.idx.msk $0xffff, v3  }
0xd4: {  	v39 =	vor.u32 $0x3, v2;
	v3 =	vld [tilespmem:$0x1FFD0]  }
0xd5: {  	v10 =	vor.u32 $0xD, v7;
	v61 =	vld.idx.msk [tilespmem:v12+s19+$0x0], $0xffff  }
0xd6: {  	v19 =	vmov v15;
	v15 =	vld.idx.msk [tilespmem:v26+s30+$0x0], $0xffff  }
0xd7: {  	v44 =	vld.idx.msk [tilespmem:v30+s30+$0x0], $0xffff;
	v48 =	vmul.f32 v32, v50;
	v33 =	vmul.f32 v1, v51  }
0xd8: {  	v32 =	vmul.f32 v43, v59;
	v1 =	vmul.f32 v8, v11;
	v59 =	vld.idx.msk [tilespmem:v14+s19+$0x0], $0xffff  }
0xd9: {  	v25 =	vshrl.u32 v54, $0x1;
	v46 =	vmul.f32 $5.000000000e-01, v54;
	v50 =	vld.idx.msk [tilespmem:v39+s30+$0x0], $0xffff;
	v0 =	vmul.f32 v0, v56  }
0xda: {  	v47 =	vsub.s32 $0x5F3759DF, v25;
	v29 =	vld.idx.msk [tilespmem:v10+s19+$0x0], $0xffff;
	[tilespmem:v2+s9+$0x0] =	vst.idx.msk $0xffff, v1  }
0xdb: {  	v25 =	vmul.f32 v47, v46;
	[tilespmem:v6+s9+$0x0] =	vst.idx.msk $0xffff, v0  }
0xdc: {  	[tilespmem:v3+s9+$0x0] =	vst.idx.msk $0xffff, v48  }
0xdd: {  	v13 =	vmul.f32 v47, v25;
	v25 =	vshll.u32 v49, $0x4;
	v1 =	vld [tilespmem:$0x1FFE0]  }
0xde: {  	v27 =	vmul.f32 v42, v53;
	v42 =	vor.u32 $0xF, v25  }
0xdf: {  	v57 =	vmul.f32 v44, v57;
	v44 =	vor.u32 $0xE, v25;
	v5 =	vsub.f32 $1.500000000e+00, v13  }
0xe0: {  	v43 =	vor.u32 $0xD, v25  }
0xe1: {  	v7 =	vmul.f32 v47, v5  }
0xe2: {  	v38 =	vmul.f32 v38, v58;
	v51 =	vor.u32 $0xA, v25  }
0xe3: {  	v53 =	vor.u32 $0x9, v25;
	v55 =	vor.u32 $0x8, v25;
	v47 =	vld.idx.msk [tilespmem:v42+s30+$0x0], $0xffff;
	v3 =	vmul.f32 v7, v46  }
0xe4: {  	v41 =	vmul.f32 v15, v63;
	v49 =	vld.idx.msk [tilespmem:v44+s30+$0x0], $0xffff;
	v56 =	vor.u32 $0x7, v25;
	v4 =	vmul.f32 v4, v52  }
0xe5: {  	s16 =	simm.s32 $0x30;
	v52 =	vld.idx.msk [tilespmem:v43+s30+$0x0], $0xffff;
	v48 =	vor.u32 $0xB, v25;
	v46 =	vor.u32 $0xC, v25;
	v0 =	vmul.f32 v3, v7;
	[tilespmem:v1+s9+$0x0] =	vst.idx.msk $0xffff, v45  }
.LBB2_7:
0xe6: {  	v1 =	vlaneseq.u32  }
0xe7: {  	v5 =	vor.u32 s16, v1;
	v1 =	vld [tilespmem:$0x1FEE0];
	_ =	sdelay $0x6  }
0xe8: {  	v63 =	vld.idx.msk [tilespmem:v46+s30+$0x0], $0xffff  }
0xe9: {  	[tilespmem:v1+s9+$0x0] =	vst.idx.msk $0xffff, v4;
	v1 =	vsub.f32 $1.500000000e+00, v0;
	v0 =	vld [tilespmem:$0x1FED0];
	_ =	sdelay $0x1  }
0xea: {  	v3 =	vld [tilespmem:$0x1FEC0];
	_ =	sdelay $0x5  }
0xeb: {  	v6 =	vmul.f32 v50, v31;
	v31 =	vld.idx.msk [tilespmem:v48+s30+$0x0], $0xffff;
	[tilespmem:v0+s9+$0x0] =	vst.idx.msk $0xffff, v27  }
0xec: {  	v58 =	vld.idx.msk [tilespmem:v51+s30+$0x0], $0xffff  }
0xed: {  	[tilespmem:v3+s9+$0x0] =	vst.idx.msk $0xffff, v28;
	v3 =	vld [tilespmem:$0x1FF70];
	_ =	sdelay $0x4  }
0xee: {  	v9 =	vld [tilespmem:$0x1FEF0];
	v8 =	vmov v3  }
0xef: {  	[tilespmem:$0x1FE90] =	vst v8;
	v8 =	vld [tilespmem:$0x1FF20];
	_ =	sdelay $0x3  }
0xf0: {  	v0 =	vmul.f32 v20, v34  }
0xf1: {  	v20 =	vld.idx.msk [tilespmem:v53+s30+$0x0], $0xffff;
	[tilespmem:v30+s9+$0x0] =	vst.idx.msk $0xffff, v57;
	v27 =	vmul.f32 v8, v61;
	v8 =	vmov v9  }
0xf2: {  	[tilespmem:$0x1FEC0] =	vst v8;
	v8 =	vld.idx.msk [tilespmem:v56+s30+$0x0], $0xffff;
	_ =	sdelay $0x4  }
0xf3: {  	[tilespmem:$0x1FEA0] =	vst v8;
	v8 =	vld [tilespmem:$0x1FF00];
	_ =	sdelay $0x4  }
0xf4: {  	v28 =	vmul.f32 v8, v59;
	v8 =	vmov v42  }
0xf5: {  	[tilespmem:$0x1FEF0] =	vst v8;
	v8 =	vld [tilespmem:$0x1FF60];
	_ =	sdelay $0x4  }
0xf6: {  	v10 =	vmov v48;
	v48 =	vld [tilespmem:$0x1FF10];
	v14 =	vmul.f32 v8, v37;
	v8 =	vmov v44  }
0xf7: {  	[tilespmem:$0x1FF10] =	vst v8;
	v8 =	vld [tilespmem:$0x1FF50];
	_ =	sdelay $0x4  }
0xf8: {  	v13 =	vmov v63;
	v4 =	vshll.u32 v5, $0x3;
	v63 =	vmov v8;
	v8 =	vld [tilespmem:$0x1FFF0]  }
0xf9: {  	v7 =	vmul.f32 v1, v7;
	_ =	sdelay $0x1  }
0xfa: {  	v2 =	vmul.f32 v23, v36;
	v36 =	vor.u32 $0x1, v4;
	v7 =	vmul.f32 v7, v54;
	v54 =	vld [tilespmem:$0x1FF30]  }
0xfb: {  	v30 =	vor.u32 $0x2, v4;
	v23 =	vld.idx.msk [tilespmem:v55+s30+$0x0], $0xffff  }
0xfc: {  	v34 =	vld.idx.msk [tilespmem:v4+s28+$0x0], $0xffff;
	v7 =	vmul.f32 v7, v8;
	v8 =	vmov v43  }
0xfd: {  	[tilespmem:$0x1FF30] =	vst v8;
	v8 =	vld [tilespmem:$0x1FF80]  }
0xfe: {  	v4 =	vld.idx.msk [tilespmem:v4+s29+$0x0], $0xffff  }
0xff: {  	v1 =	vmul.f32 v21, v40;
	v21 =	vmovc v31;
	v57 =	vmov v53;
	v53 =	vor.u32 $0x3, v25;
	v31 =	vld.idx.msk [tilespmem:v36+s29+$0x0], $0xffff  }
0x100: {  	v40 =	vor.u32 $0x5, v25;
	v3 =	vmul.f32 v24, v35;
	v24 =	vmov v58;
	v58 =	vld.idx.msk [tilespmem:v30+s29+$0x0], $0xffff  }
0x101: {  	v61 =	vld.idx.msk [tilespmem:v30+s28+$0x0], $0xffff;
	v30 =	vor.u32 $0x2, v25;
	v7 =	vtrunc.f32 v7  }
0x102: {  	v35 =	vld.idx.msk [tilespmem:v36+s28+$0x0], $0xffff;
	v7 =	vcvt.f32.s32 v7;
	v59 =	vmov v8;
	v8 =	vmov v47  }
0x103: {  	v42 =	vor.u32 $0x4, v25;
	[tilespmem:$0x1FF00] =	vst v8;
	v8 =	vld [tilespmem:$0x1FF90]  }
0x104: {  	v50 =	vld.idx.msk [tilespmem:v53+s30+$0x0], $0xffff;
	vm0 =	vlt.s32 v7, $0x1FF  }
0x105: {  	v45 =	vmovc v56;
	v56 =	vmov v51;
	v51 =	vld.idx.msk [tilespmem:v40+s30+$0x0], $0xffff;
	v37 =	vor.u32 $0x6, v25;
	v7 =	vnsel vm0, $0x1FF, v7  }
0x106: {  	v12 =	vmovc v46;
	v4 =	vsub.f32 v34, v4;
	v9 =	vmov v48;
	v48 =	vld.idx.msk [tilespmem:v30+s30+$0x0], $0xffff;
	[tilespmem:$0x1FF60] =	vst v13;
	v7 =	vshll.u32 v7, $0x4  }
0x107: {  	v31 =	vsub.f32 v35, v31;
	v36 =	vsub.f32 v61, v58;
	v61 =	vld.idx.msk [tilespmem:v25+s30+$0x0], $0xffff;
	[tilespmem:$0x1FF50] =	vst v12;
	v12 =	vor.u32 $0x1, v7  }
0x108: {  	[tilespmem:$0x1FEB0] =	vst v14;
	v43 =	vmovc v62;
	v62 =	vmovc v55;
	v55 =	vld.idx.msk [tilespmem:v42+s30+$0x0], $0xffff;
	v13 =	vor.u32 $0x2, v7;
	v47 =	vmov v8;
	v8 =	vmov v49  }
0x109: {  	v4 =	vmul.f32 v4, v4;
	v31 =	vmul.f32 v31, v31;
	v14 =	vor.u32 $0x3, v7;
	[tilespmem:$0x1FF20] =	vst v8;
	v8 =	vld [tilespmem:$0x1FF40]  }
0x10a: {  	v15 =	vor.u32 $0x4, v7;
	v49 =	vld.idx.msk [tilespmem:v37+s30+$0x0], $0xffff  }
0x10b: {  	[tilespmem:$0x1FED0] =	vst v9;
	v4 =	vadd.f32 v31, v4;
	v31 =	vmul.f32 v36, v36;
	v36 =	vor.u32 $0x5, v7;
	v9 =	vld.idx.msk [tilespmem:v7+s19+$0x0], $0xffff  }
0x10c: {  	[tilespmem:$0x1FF70] =	vst v10;
	v34 =	vor.u32 $0x6, v7;
	v10 =	vld.idx.msk [tilespmem:v12+s19+$0x0], $0xffff  }
0x10d: {  	v60 =	vor.u32 $0x7, v7;
	v35 =	vld.idx.msk [tilespmem:v13+s19+$0x0], $0xffff  }
0x10e: {  	v4 =	vadd.f32 v31, v4;
	v31 =	vld.idx.msk [tilespmem:v14+s19+$0x0], $0xffff;
	v46 =	vmovc v8;
	v8 =	vmov v52;
	v52 =	vor.u32 $0x1, v25  }
0x10f: {  	v11 =	vmov v54;
	[tilespmem:$0x1FF90] =	vst v57;
	v57 =	vor.u32 $0x8, v7;
	v12 =	vld.idx.msk [tilespmem:v15+s19+$0x0], $0xffff  }
0x110: {  	[tilespmem:$0x1FEE0] =	vst v11;
	v44 =	vor.u32 $0x9, v7;
	v11 =	vld.idx.msk [tilespmem:v36+s19+$0x0], $0xffff  }
0x111: {  	v54 =	vadd.f32 $9.999999960e-13, v4;
	v13 =	vor.u32 $0xA, v7;
	v15 =	vld.idx.msk [tilespmem:v34+s19+$0x0], $0xffff  }
0x112: {  	v16 =	vor.u32 $0xB, v7;
	v58 =	vld.idx.msk [tilespmem:v60+s19+$0x0], $0xffff;
	[tilespmem:$0x1FF40] =	vst v8  }
0x113: {  	v4 =	vshrl.u32 v54, $0x1;
	v60 =	vor.u32 $0xC, v7;
	v8 =	vld.idx.msk [tilespmem:v52+s30+$0x0], $0xffff;
	[tilespmem:v39+s9+$0x0] =	vst.idx.msk $0xffff, v6  }
0x114: {  	v17 =	vsub.s32 $0x5F3759DF, v4;
	v4 =	vmul.f32 v46, v29;
	v29 =	vor.u32 $0xD, v7;
	v36 =	vld.idx.msk [tilespmem:v57+s19+$0x0], $0xffff;
	[tilespmem:v22+s9+$0x0] =	vst.idx.msk $0xffff, v33  }
0x115: {  	v39 =	vor.u32 $0xE, v7;
	v34 =	vld.idx.msk [tilespmem:v44+s19+$0x0], $0xffff;
	[tilespmem:v19+s9+$0x0] =	vst.idx.msk $0xffff, v32  }
0x116: {  	v57 =	vmul.f32 v48, v35;
	v35 =	vld.idx.msk [tilespmem:v13+s19+$0x0], $0xffff;
	[tilespmem:v18+s9+$0x0] =	vst.idx.msk $0xffff, v38  }
0x117: {  	v19 =	vmov v40;
	v40 =	vld.idx.msk [tilespmem:v16+s19+$0x0], $0xffff;
	[tilespmem:v26+s9+$0x0] =	vst.idx.msk $0xffff, v41  }
0x118: {  	v18 =	vmov v37;
	v37 =	vld.idx.msk [tilespmem:v60+s19+$0x0], $0xffff;
	[tilespmem:v43+s9+$0x0] =	vst.idx.msk $0xffff, v2  }
0x119: {  	v29 =	vld.idx.msk [tilespmem:v29+s19+$0x0], $0xffff;
	[tilespmem:v47+s9+$0x0] =	vst.idx.msk $0xffff, v0  }
0x11a: {  	v0 =	vmul.f32 v61, v9;
	v61 =	vld.idx.msk [tilespmem:v39+s19+$0x0], $0xffff  }
0x11b: {  	[tilespmem:v59+s9+$0x0] =	vst.idx.msk $0xffff, v3;
	v3 =	vld [tilespmem:$0x1FE90];
	_ =	sdelay $0x2  }
0x11c: {  	v5 =	vshll.u32 v5, $0x4;
	v14 =	vmul.f32 $5.000000000e-01, v54;
	v13 =	vor.u32 $0xF, v7  }
0x11d: {  	v22 =	vmov v42;
	v42 =	vor.u32 $0xF, v5  }
0x11e: {  	v6 =	vmul.f32 v17, v14;
	_ =	sdelay $0x1  }
0x11f: {  	v6 =	vmul.f32 v17, v6  }
0x120: {  	v59 =	vld.idx.msk [tilespmem:v13+s19+$0x0], $0xffff;
	[tilespmem:v3+s9+$0x0] =	vst.idx.msk $0xffff, v1  }
0x121: {  	v6 =	vsub.f32 $1.500000000e+00, v6;
	v47 =	vld.idx.msk [tilespmem:v42+s30+$0x0], $0xffff  }
0x122: {  	[tilespmem:v25+s9+$0x0] =	vst.idx.msk $0xffff, v0;
	v0 =	vld [tilespmem:$0x1FEA0]  }
0x123: {  	v7 =	vmul.f32 v17, v6;
	_ =	sdelay $0x1  }
0x124: {  	v1 =	vmul.f32 v7, v14  }
0x125: {  	v44 =	vor.u32 $0xE, v5  }
0x126: {  	p0 =	sne.s32 s16, $0x90;
	v43 =	vor.u32 $0xD, v5;
	v41 =	vmul.f32 v0, v58;
	v0 =	vmul.f32 v1, v7;
	v1 =	vld [tilespmem:$0x1FEB0]  }
.Ltmp2:
0x127: {  	_ = 	snop;
	(pc) =	sbr.rel @p0 .LBB2_7-.Ltmp2, $4  }
0x128: {  	[tilespmem:$0x1FF80] =	vst v56;
	v56 =	vor.u32 $0x7, v5;
	v46 =	vor.u32 $0xC, v5;
	v2 =	vmul.f32 v8, v10  }
0x129: {  	v48 =	vor.u32 $0xB, v5;
	v33 =	vmul.f32 v55, v12;
	v32 =	vmul.f32 v51, v11  }
0x12a: {  	v51 =	vor.u32 $0xA, v5;
	v38 =	vmul.f32 v49, v15;
	v25 =	vmov v5;
	v49 =	vld.idx.msk [tilespmem:v44+s30+$0x0], $0xffff;
	[tilespmem:v52+s9+$0x0] =	vst.idx.msk $0xffff, v2  }
0x12b: {  	s16 =	sadd.s32 $0x10, s16;
	v26 =	vmovc v45;
	v39 =	vmov v53;
	v53 =	vor.u32 $0x9, v5;
	v55 =	vor.u32 $0x8, v25;
	v52 =	vld.idx.msk [tilespmem:v43+s30+$0x0], $0xffff;
	[tilespmem:v63+s9+$0x0] =	vst.idx.msk $0xffff, v1  }
0x12c: {  	v63 =	vld [tilespmem:$0x1FEE0];
	_ =	sdelay $0x7  }
0x12d: {  	v60 =	vld [tilespmem:$0x1FFF0];
	[tilespmem:v63+s9+$0x0] =	vst.idx.msk $0xffff, v4  }
0x12e: {  	v63 =	vld [tilespmem:$0x1FED0];
	_ =	sdelay $0x7  }
0x12f: {  	[tilespmem:v63+s9+$0x0] =	vst.idx.msk $0xffff, v27  }
0x130: {  	v0 =	vsub.f32 $1.500000000e+00, v0;
	v63 =	vld [tilespmem:$0x1FEC0];
	_ =	sdelay $0x1  }
0x131: {  	v0 =	vmul.f32 v0, v7;
	_ =	sdelay $0x1  }
0x132: {  	v0 =	vmul.f32 v0, v54;
	_ =	sdelay $0x1  }
0x133: {  	v0 =	vmul.f32 v0, v60;
	_ =	sdelay $0x1  }
0x134: {  	v0 =	vtrunc.f32 v0;
	[tilespmem:v63+s9+$0x0] =	vst.idx.msk $0xffff, v28;
	v28 =	vmul.f32 v50, v31  }
0x135: {  	v0 =	vcvt.f32.s32 v0;
	[tilespmem:v30+s9+$0x0] =	vst.idx.msk $0xffff, v57  }
0x136: {  	[tilespmem:v39+s9+$0x0] =	vst.idx.msk $0xffff, v28  }
0x137: {  	v14 =	vld.idx.msk [tilespmem:v46+s30+$0x0], $0xffff;
	vm0 =	vlt.s32 v0, $0x1FF;
	[tilespmem:v22+s9+$0x0] =	vst.idx.msk $0xffff, v33  }
0x138: {  	v15 =	vld.idx.msk [tilespmem:v48+s30+$0x0], $0xffff;
	v0 =	vnsel vm0, $0x1FF, v0;
	[tilespmem:v19+s9+$0x0] =	vst.idx.msk $0xffff, v32  }
0x139: {  	v17 =	vld.idx.msk [tilespmem:v51+s30+$0x0], $0xffff;
	v45 =	vor.u32 $0x5, v25;
	v23 =	vmul.f32 v23, v36;
	v0 =	vshll.u32 v0, $0x4;
	[tilespmem:v18+s9+$0x0] =	vst.idx.msk $0xffff, v38  }
0x13a: {  	v54 =	vld.idx.msk [tilespmem:v53+s30+$0x0], $0xffff;
	v1 =	vor.u32 $0x1, v0;
	[tilespmem:v26+s9+$0x0] =	vst.idx.msk $0xffff, v41  }
0x13b: {  	v4 =	vld.idx.msk [tilespmem:v55+s30+$0x0], $0xffff;
	v2 =	vor.u32 $0x2, v0;
	[tilespmem:v62+s9+$0x0] =	vst.idx.msk $0xffff, v23  }
0x13c: {  	v3 =	vor.u32 $0x3, v0;
	v38 =	vld [tilespmem:$0x1FF90]  }
0x13d: {  	v5 =	vor.u32 $0x4, v0;
	v27 =	vld.idx.msk [tilespmem:v56+s30+$0x0], $0xffff  }
0x13e: {  	v6 =	vor.u32 $0x5, v0;
	v57 =	vld.idx.msk [tilespmem:v45+s30+$0x0], $0xffff  }
0x13f: {  	v7 =	vor.u32 $0x6, v0;
	v1 =	vld.idx.msk [tilespmem:v1+s19+$0x0], $0xffff  }
0x140: {  	v2 =	vld.idx.msk [tilespmem:v2+s19+$0x0], $0xffff  }
0x141: {  	v8 =	vor.u32 $0x7, v0;
	v3 =	vld.idx.msk [tilespmem:v3+s19+$0x0], $0xffff  }
0x142: {  	v20 =	vmul.f32 v20, v34;
	v9 =	vor.u32 $0x8, v0;
	v5 =	vld.idx.msk [tilespmem:v5+s19+$0x0], $0xffff  }
0x143: {  	v10 =	vor.u32 $0x9, v0;
	v6 =	vld.idx.msk [tilespmem:v6+s19+$0x0], $0xffff  }
0x144: {  	v11 =	vor.u32 $0xA, v0;
	v7 =	vld.idx.msk [tilespmem:v7+s19+$0x0], $0xffff;
	[tilespmem:v38+s9+$0x0] =	vst.idx.msk $0xffff, v20  }
0x145: {  	v12 =	vor.u32 $0xB, v0;
	v41 =	vld [tilespmem:$0x1FF80]  }
0x146: {  	v13 =	vor.u32 $0xC, v0;
	v8 =	vld.idx.msk [tilespmem:v8+s19+$0x0], $0xffff  }
0x147: {  	v16 =	vor.u32 $0x6, v25;
	v9 =	vld.idx.msk [tilespmem:v9+s19+$0x0], $0xffff  }
0x148: {  	v10 =	vld.idx.msk [tilespmem:v10+s19+$0x0], $0xffff  }
0x149: {  	v11 =	vld.idx.msk [tilespmem:v11+s19+$0x0], $0xffff  }
0x14a: {  	v12 =	vld.idx.msk [tilespmem:v12+s19+$0x0], $0xffff  }
0x14b: {  	v58 =	vor.u32 $0x4, v25;
	v13 =	vld.idx.msk [tilespmem:v13+s19+$0x0], $0xffff;
	v23 =	vmul.f32 v24, v35  }
0x14c: {  	v31 =	vor.u32 $0x1, v25;
	v50 =	vld.idx.msk [tilespmem:v16+s30+$0x0], $0xffff  }
0x14d: {  	v30 =	vor.u32 $0x3, v25;
	v63 =	vld.idx.msk [tilespmem:v0+s19+$0x0], $0xffff;
	[tilespmem:v41+s9+$0x0] =	vst.idx.msk $0xffff, v23  }
0x14e: {  	v28 =	vor.u32 $0x2, v25;
	v23 =	vld [tilespmem:$0x1FF70]  }
0x14f: {  	v22 =	vld.idx.msk [tilespmem:v25+s30+$0x0], $0xffff;
	v32 =	vor.u32 $0xE, v0  }
0x150: {  	v39 =	vld.idx.msk [tilespmem:v58+s30+$0x0], $0xffff;
	v33 =	vor.u32 $0xD, v0;
	v0 =	vor.u32 $0xF, v0  }
0x151: {  	v36 =	vld.idx.msk [tilespmem:v31+s30+$0x0], $0xffff  }
0x152: {  	v26 =	vld.idx.msk [tilespmem:v30+s30+$0x0], $0xffff  }
0x153: {  	v24 =	vld.idx.msk [tilespmem:v28+s30+$0x0], $0xffff  }
0x154: {  	v18 =	vmul.f32 v22, v63;
	v22 =	vld.idx.msk [tilespmem:v32+s19+$0x0], $0xffff;
	v20 =	vmul.f32 v21, v40  }
0x155: {  	v0 =	vld.idx.msk [tilespmem:v0+s19+$0x0], $0xffff  }
0x156: {  	v1 =	vmul.f32 v36, v1;
	v21 =	vld.idx.msk [tilespmem:v33+s19+$0x0], $0xffff;
	[tilespmem:v23+s9+$0x0] =	vst.idx.msk $0xffff, v20  }
0x157: {  	v20 =	vld [tilespmem:$0x1FF60];
	[tilespmem:v25+s9+$0x0] =	vst.idx.msk $0xffff, v18  }
0x158: {  	v18 =	vld [tilespmem:$0x1FF40];
	[tilespmem:v31+s9+$0x0] =	vst.idx.msk $0xffff, v1  }
0x159: {  	v19 =	vld [tilespmem:$0x1FF50];
	_ =	sdelay $0x5  }
0x15a: {  	v20 =	vmul.f32 v20, v37;
	_ =	sdelay $0x1  }
0x15b: {  	v1 =	vld [tilespmem:$0x1FF20];
	[tilespmem:v19+s9+$0x0] =	vst.idx.msk $0xffff, v20  }
0x15c: {  	v20 =	vld [tilespmem:$0x1FF30];
	_ =	sdelay $0x5  }
0x15d: {  	v18 =	vmul.f32 v18, v29;
	_ =	sdelay $0x1  }
0x15e: {  	v19 =	vld [tilespmem:$0x1FF00];
	[tilespmem:v20+s9+$0x0] =	vst.idx.msk $0xffff, v18  }
0x15f: {  	v18 =	vld [tilespmem:$0x1FF10];
	_ =	sdelay $0x5  }
0x160: {  	v1 =	vmul.f32 v1, v61;
	_ =	sdelay $0x1  }
0x161: {  	[tilespmem:v18+s9+$0x0] =	vst.idx.msk $0xffff, v1  }
0x162: {  	v1 =	vmul.f32 v26, v3;
	v3 =	vld [tilespmem:$0x1FEF0];
	_ =	sdelay $0x4  }
0x163: {  	v2 =	vmul.f32 v24, v2  }
0x164: {  	v19 =	vmul.f32 v19, v59  }
0x165: {  	[tilespmem:v28+s9+$0x0] =	vst.idx.msk $0xffff, v2  }
0x166: {  	[tilespmem:v3+s9+$0x0] =	vst.idx.msk $0xffff, v19;
	v3 =	vmul.f32 v39, v5  }
0x167: {  	v2 =	vmul.f32 v57, v6;
	[tilespmem:v30+s9+$0x0] =	vst.idx.msk $0xffff, v1  }
0x168: {  	v1 =	vmul.f32 v50, v7;
	[tilespmem:v58+s9+$0x0] =	vst.idx.msk $0xffff, v3  }
0x169: {  	v3 =	vmul.f32 v27, v8;
	[tilespmem:v45+s9+$0x0] =	vst.idx.msk $0xffff, v2  }
0x16a: {  	v2 =	vmul.f32 v4, v9;
	[tilespmem:v16+s9+$0x0] =	vst.idx.msk $0xffff, v1  }
0x16b: {  	v1 =	vmul.f32 v54, v10;
	[tilespmem:v56+s9+$0x0] =	vst.idx.msk $0xffff, v3  }
0x16c: {  	v3 =	vmul.f32 v17, v11;
	[tilespmem:v55+s9+$0x0] =	vst.idx.msk $0xffff, v2  }
0x16d: {  	v2 =	vmul.f32 v15, v12;
	[tilespmem:v53+s9+$0x0] =	vst.idx.msk $0xffff, v1  }
0x16e: {  	v1 =	vmul.f32 v14, v13;
	[tilespmem:v51+s9+$0x0] =	vst.idx.msk $0xffff, v3  }
0x16f: {  	v3 =	vmul.f32 v52, v21;
	[tilespmem:v48+s9+$0x0] =	vst.idx.msk $0xffff, v2  }
0x170: {  	v2 =	vmul.f32 v49, v22;
	[tilespmem:v46+s9+$0x0] =	vst.idx.msk $0xffff, v1  }
0x171: {  	v0 =	vmul.f32 v47, v0;
	[tilespmem:v43+s9+$0x0] =	vst.idx.msk $0xffff, v3  }
0x172: {  	[tilespmem:v44+s9+$0x0] =	vst.idx.msk $0xffff, v2  }
0x173: {  	s16 =	smul.u32 $0x140, s13;
	[tilespmem:v42+s9+$0x0] =	vst.idx.msk $0xffff, v0  }
0x174: {  	[spmem:s2] =	stream.indirect.scatter.add.f32 [tilespmem:s9], [sflag:$0x5], $0x10, s23, s24, $0xb8;
	[tilespmem:$0x1EAD0] =	vst v63  }
0x175: {  	s16 =	sadd.s32 s16, s14;
	_ =	swait.ge [sflag:s20], $0xA00  }
0x176: {  	s16 =	sshrl.u32 s16, $0x3;
	[sflag:s20] =	ssyncset.done $0x0  }
0x177: {  	s12 =	simm.s32 $0x0;
	s11 =	sadd.s32 s5, s16;
	[sflag:s20] =	ssyncadd.s32 $0xFFFFF600  }
0x178: {  	[tilespmem:s12], [sflag:$0x1] =	stream.linear.gather [hbm4b:s11+s12], $0xA0, $0x38;
	[tilespmem:$0x1EAD0] =	vst v63  }
0x179: {  	s16 =	sadd.s32 s6, s16  }
0x17a: {  	[tilespmem:s23], [sflag:$0x1] =	stream.linear.gather [hbm4b:s16+s12], $0xA0, $0x38;
	[tilespmem:$0x1EAD0] =	vst v63  }
0x17b: {  	_ =	swait.ge [sflag:s10], $0x500  }
0x17c: {  	[sflag:s10] =	ssyncset.done $0x0  }
0x17d: {  	[sflag:s10] =	ssyncadd.s32 $0xFFFFFB00  }
0x17e: {  	_ =	swait.ge [sflag:s10], $0x500  }
0x17f: {  	[sflag:s10] =	ssyncset.done $0x0  }
0x180: {  	[sflag:s10] =	ssyncadd.s32 $0xFFFFFB00  }
0x181: {  	_ =	swait.ge [sflag:s10], $0xA00  }
0x182: {  	[sflag:s10] =	ssyncset.done $0x0  }
0x183: {  	[sflag:s10] =	ssyncadd.s32 $0xFFFFF600  }
0x184: {  	_ =	swait.ge [sflag:s26], $0xA0  }
0x185: {  	[sflag:s26] =	ssyncset.done $0x0  }
0x186: {  	[sflag:s26] =	ssyncadd.s32 $0xFFFFFF60  }
0x187: {  	_ =	swait.ge [sflag:s26], $0xA0  }
0x188: {  	v29 =	vlaneseq.u32;
	[sflag:s26] =	ssyncset.done $0x0  }
0x189: {  	v0 =	vor.u32 s12, v29;
	[sflag:s26] =	ssyncadd.s32 $0xFFFFFF60  }
0x18a: {  	v1 =	vshll.u32 v0, $0x3;
	[tilespmem:s28], [sflag:$0x3] =	stream.indirect.gather [hbm4b:s7+s24], $0x8, s12, s24, $0xb8;
	[tilespmem:$0x1EAD0] =	vst v63  }
0x18b: {  	v2 =	vor.u32 $0x1, v1  }
0x18c: {  	[tilespmem:s29], [sflag:$0x3] =	stream.indirect.gather [hbm4b:s7+s24], $0x8, s23, s24, $0xb8;
	[tilespmem:$0x1EAD0] =	vst v63  }
0x18d: {  	_ = 	snop  }
0x18e: {  	v3 =	vor.u32 $0x2, v1;
	[tilespmem:s30], [sflag:$0x3] =	stream.indirect.gather [hbm4b:s8+s24], $0x10, s12, s24, $0xb8;
	[tilespmem:$0x1EAD0] =	vst v63  }
0x18f: {  	v4 =	vld.idx.msk [tilespmem:v1+s3+$0x0], $0xffff  }
0x190: {  	v5 =	vld.idx.msk [tilespmem:v2+s3+$0x0], $0xffff  }
0x191: {  	v1 =	vld.idx.msk [tilespmem:v1+s1+$0x0], $0xffff  }
0x192: {  	v2 =	vld.idx.msk [tilespmem:v2+s1+$0x0], $0xffff  }
0x193: {  	v6 =	vld.idx.msk [tilespmem:v3+s1+$0x0], $0xffff  }
0x194: {  	v3 =	vld.idx.msk [tilespmem:v3+s3+$0x0], $0xffff;
	_ =	sdelay $0x2  }
0x195: {  	v1 =	vsub.f32 v4, v1;
	v2 =	vsub.f32 v5, v2;
	_ =	sdelay $0x1  }
0x196: {  	v3 =	vsub.f32 v3, v6;
	v1 =	vmul.f32 v1, v1;
	v2 =	vmul.f32 v2, v2;
	_ =	sdelay $0x1  }
0x197: {  	v1 =	vadd.f32 v2, v1;
	v2 =	vmul.f32 v3, v3;
	_ =	sdelay $0x1  }
0x198: {  	v1 =	vadd.f32 v2, v1;
	_ =	sdelay $0x1  }
0x199: {  	v1 =	vadd.f32 $9.999999960e-13, v1  }
0x19a: {  	s12 =	simm.s32 $0x10  }
0x19b: {  	v2 =	vor.u32 s12, v29;
	v5 =	vshrl.u32 v1, $0x1;
	v6 =	vmul.f32 $5.000000000e-01, v1  }
0x19c: {  	v3 =	vshll.u32 v2, $0x3;
	v5 =	vsub.s32 $0x5F3759DF, v5  }
0x19d: {  	v8 =	vor.u32 $0x2, v3;
	v7 =	vmul.f32 v5, v6;
	_ =	sdelay $0x1  }
0x19e: {  	v7 =	vmul.f32 v5, v7  }
0x19f: {  	v4 =	vor.u32 $0x1, v3  }
0x1a0: {  	v46 =	vld.idx.msk [tilespmem:v3+s3+$0x0], $0xffff;
	v7 =	vsub.f32 $1.500000000e+00, v7  }
0x1a1: {  	v48 =	vld.idx.msk [tilespmem:v8+s1+$0x0], $0xffff  }
0x1a2: {  	v7 =	vmul.f32 v5, v7;
	v5 =	vld.idx.msk [tilespmem:v8+s3+$0x0], $0xffff  }
0x1a3: {  	v3 =	vld.idx.msk [tilespmem:v3+s1+$0x0], $0xffff  }
0x1a4: {  	v47 =	vld.idx.msk [tilespmem:v4+s3+$0x0], $0xffff;
	v6 =	vmul.f32 v7, v6  }
0x1a5: {  	v4 =	vld.idx.msk [tilespmem:v4+s1+$0x0], $0xffff  }
0x1a6: {  	v6 =	vmul.f32 v6, v7  }
0x1a7: {  	v8 =	vsub.f32 v5, v48;
	v5 =	vshll.u32 v0, $0x4  }
0x1a8: {  	v0 =	vsub.f32 $1.500000000e+00, v6;
	v6 =	vor.u32 $0xF, v5;
	_ =	sdelay $0x1  }
0x1a9: {  	v3 =	vsub.f32 v46, v3;
	v4 =	vsub.f32 v47, v4;
	v50 =	vor.u32 $0xB, v5  }
0x1aa: {  	[tilespmem:$0x1FE80] =	vst v50;
	v0 =	vmul.f32 v0, v7  }
0x1ab: {  	v3 =	vmul.f32 v3, v3;
	v4 =	vmul.f32 v4, v4;
	[tilespmem:$0x1FD60] =	vst v6  }
0x1ac: {  	v0 =	vmul.f32 v0, v1;
	v1 =	vld.idx.msk [tilespmem:v6+s21+$0x0], $0xffff  }
0x1ad: {  	v3 =	vadd.f32 v4, v3;
	v4 =	vmul.f32 v8, v8;
	v8 =	vor.u32 $0xE, v5;
	_ =	sdelay $0x2  }
0x1ae: {  	[tilespmem:$0x1FD70] =	vst v8  }
0x1af: {  	[tilespmem:$0x1FE50] =	vst v1  }
0x1b0: {  	v1 =	vld.idx.msk [tilespmem:v8+s21+$0x0], $0xffff  }
0x1b1: {  	v49 =	vor.u32 $0xD, v5;
	_ =	sdelay $0x2  }
0x1b2: {  	v3 =	vadd.f32 v4, v3;
	[tilespmem:$0x1FD80] =	vst v49  }
0x1b3: {  	[tilespmem:$0x1FE40] =	vst v1  }
0x1b4: {  	v7 =	vadd.f32 $9.999999960e-13, v3;
	v3 =	vld.idx.msk [tilespmem:v49+s21+$0x0], $0xffff  }
0x1b5: {  	v61 =	vor.u32 $0xC, v5;
	_ =	sdelay $0x3  }
0x1b6: {  	v1 =	vshrl.u32 v7, $0x1;
	[tilespmem:$0x1FE70] =	vst v3  }
0x1b7: {  	v51 =	vsub.s32 $0x5F3759DF, v1;
	v1 =	vld.idx.msk [tilespmem:v61+s21+$0x0], $0xffff;
	_ =	sdelay $0x1  }
0x1b8: {  	v45 =	vor.u32 $0xA, v5;
	v0 =	vmul.f32 v0, v60  }
0x1b9: {  	v41 =	vor.u32 $0x9, v5  }
0x1ba: {  	v32 =	vor.u32 $0x8, v5;
	v0 =	vtrunc.f32 v0  }
0x1bb: {  	v39 =	vor.u32 $0x7, v5;
	v4 =	vcvt.f32.s32 v0;
	v8 =	vmul.f32 $5.000000000e-01, v7;
	[tilespmem:$0x1FE60] =	vst v1  }
0x1bc: {  	v25 =	vor.u32 $0x6, v5;
	v42 =	vld.idx.msk [tilespmem:v50+s21+$0x0], $0xffff  }
0x1bd: {  	v10 =	vor.u32 $0x1, v5;
	vm14 =	vlt.s32 v4, $0x1FF;
	v3 =	vmul.f32 v51, v8;
	v28 =	vld.idx.msk [tilespmem:v45+s21+$0x0], $0xffff  }
0x1be: {  	v52 =	vnsel vm14, $0x1FF, v4;
	v27 =	vld.idx.msk [tilespmem:v41+s21+$0x0], $0xffff  }
0x1bf: {  	v11 =	vshll.u32 v52, $0x4;
	v6 =	vmul.f32 v51, v3;
	v4 =	vld.idx.msk [tilespmem:v32+s21+$0x0], $0xffff  }
0x1c0: {  	v54 =	vor.u32 $0x1, v11;
	v26 =	vld.idx.msk [tilespmem:v39+s21+$0x0], $0xffff  }
0x1c1: {  	v55 =	vor.u32 $0x2, v11;
	v53 =	vsub.f32 $1.500000000e+00, v6;
	v6 =	vld.idx.msk [tilespmem:v25+s21+$0x0], $0xffff  }
0x1c2: {  	v56 =	vor.u32 $0x3, v11;
	v15 =	vld.idx.msk [tilespmem:v10+s21+$0x0], $0xffff  }
0x1c3: {  	v17 =	vor.u32 $0x4, v11;
	v16 =	vld.idx.msk [tilespmem:v5+s21+$0x0], $0xffff  }
0x1c4: {  	v19 =	vor.u32 $0x5, v11;
	v9 =	vmul.f32 v51, v53;
	v18 =	vld.idx.msk [tilespmem:v11+s19+$0x0], $0xffff  }
0x1c5: {  	v20 =	vor.u32 $0x6, v11;
	v13 =	vld.idx.msk [tilespmem:v54+s19+$0x0], $0xffff  }
0x1c6: {  	v21 =	vor.u32 $0x7, v11;
	v14 =	vld.idx.msk [tilespmem:v55+s19+$0x0], $0xffff;
	v8 =	vmul.f32 v9, v8  }
0x1c7: {  	v57 =	vor.u32 $0x8, v11;
	v22 =	vld.idx.msk [tilespmem:v56+s19+$0x0], $0xffff  }
0x1c8: {  	v23 =	vor.u32 $0x9, v11;
	v17 =	vld.idx.msk [tilespmem:v17+s19+$0x0], $0xffff;
	v8 =	vmul.f32 v8, v9  }
0x1c9: {  	v58 =	vor.u32 $0xB, v11;
	v24 =	vld.idx.msk [tilespmem:v19+s19+$0x0], $0xffff  }
0x1ca: {  	s16 =	simm.s32 $0x20;
	v59 =	vor.u32 $0xE, v11;
	v43 =	vld.idx.msk [tilespmem:v20+s19+$0x0], $0xffff;
	v8 =	vsub.f32 $1.500000000e+00, v8  }
0x1cb: {  	v49 =	vor.u32 s16, v29;
	v29 =	vor.u32 $0x5, v5;
	v44 =	vld.idx.msk [tilespmem:v21+s19+$0x0], $0xffff  }
0x1cc: {  	v19 =	vor.u32 $0xA, v11;
	v46 =	vld.idx.msk [tilespmem:v57+s19+$0x0], $0xffff;
	v8 =	vmul.f32 v8, v9  }
0x1cd: {  	v20 =	vor.u32 $0xC, v11;
	v47 =	vld.idx.msk [tilespmem:v23+s19+$0x0], $0xffff  }
0x1ce: {  	v1 =	vor.u32 $0x4, v5;
	v50 =	vld.idx.msk [tilespmem:v58+s19+$0x0], $0xffff;
	v7 =	vmul.f32 v8, v7  }
0x1cf: {  	v53 =	vld.idx.msk [tilespmem:v59+s19+$0x0], $0xffff;
	v8 =	vor.u32 $0xD, v11  }
0x1d0: {  	v3 =	vld.idx.msk [tilespmem:v29+s21+$0x0], $0xffff;
	v11 =	vor.u32 $0xF, v11;
	v7 =	vmul.f32 v7, v60  }
0x1d1: {  	v48 =	vld.idx.msk [tilespmem:v19+s19+$0x0], $0xffff;
	v60 =	vshll.u32 v49, $0x3  }
0x1d2: {  	v51 =	vld.idx.msk [tilespmem:v20+s19+$0x0], $0xffff;
	v7 =	vtrunc.f32 v7  }
0x1d3: {  	v16 =	vmul.f32 v16, v18;
	v18 =	vld.idx.msk [tilespmem:v1+s21+$0x0], $0xffff;
	v19 =	vor.u32 $0x1, v60;
	v7 =	vcvt.f32.s32 v7  }
0x1d4: {  	v52 =	vld.idx.msk [tilespmem:v8+s19+$0x0], $0xffff  }
0x1d5: {  	v55 =	vld.idx.msk [tilespmem:v11+s19+$0x0], $0xffff;
	v8 =	vor.u32 $0x2, v60;
	vm15 =	vlt.s32 v7, $0x1FF  }
0x1d6: {  	v11 =	vld.idx.msk [tilespmem:v60+s3+$0x0], $0xffff;
	v7 =	vnsel vm15, $0x1FF, v7  }
0x1d7: {  	v21 =	vld.idx.msk [tilespmem:v60+s1+$0x0], $0xffff;
	v60 =	vor.u32 $0x2, v5;
	v7 =	vshll.u32 v7, $0x4  }
0x1d8: {  	v20 =	vld.idx.msk [tilespmem:v19+s3+$0x0], $0xffff;
	v23 =	vor.u32 $0x3, v7  }
0x1d9: {  	v19 =	vld.idx.msk [tilespmem:v19+s1+$0x0], $0xffff;
	v62 =	vor.u32 $0x1, v7  }
0x1da: {  	v63 =	vor.u32 $0x2, v7;
	v30 =	vld.idx.msk [tilespmem:v8+s1+$0x0], $0xffff  }
0x1db: {  	v54 =	vld.idx.msk [tilespmem:v8+s3+$0x0], $0xffff;
	v8 =	vor.u32 $0x5, v7  }
0x1dc: {  	v36 =	vor.u32 $0x4, v7;
	v12 =	vld.idx.msk [tilespmem:v60+s21+$0x0], $0xffff  }
0x1dd: {  	v31 =	vld.idx.msk [tilespmem:v23+s19+$0x0], $0xffff;
	v23 =	vor.u32 $0x8, v7  }
0x1de: {  	v40 =	vor.u32 $0x9, v7;
	v56 =	vld.idx.msk [tilespmem:v62+s19+$0x0], $0xffff  }
0x1df: {  	v37 =	vor.u32 $0x6, v7;
	v57 =	vld.idx.msk [tilespmem:v63+s19+$0x0], $0xffff  }
0x1e0: {  	v59 =	vld.idx.msk [tilespmem:v8+s19+$0x0], $0xffff;
	v8 =	vor.u32 $0xA, v7  }
0x1e1: {  	v38 =	vor.u32 $0x7, v7;
	v33 =	vld.idx.msk [tilespmem:v36+s19+$0x0], $0xffff  }
0x1e2: {  	v36 =	vld.idx.msk [tilespmem:v23+s19+$0x0], $0xffff;
	v23 =	vor.u32 $0x3, v5  }
0x1e3: {  	v34 =	vld.idx.msk [tilespmem:v40+s19+$0x0], $0xffff;
	v40 =	vor.u32 $0xB, v7  }
0x1e4: {  	v2 =	vshll.u32 v2, $0x4;
	v58 =	vld.idx.msk [tilespmem:v37+s19+$0x0], $0xffff;
	v62 =	vor.u32 $0xC, v7  }
0x1e5: {  	v35 =	vld.idx.msk [tilespmem:v8+s19+$0x0], $0xffff;
	v8 =	vor.u32 $0xF, v2  }
0x1e6: {  	v13 =	vmul.f32 v15, v13;
	v63 =	vld.idx.msk [tilespmem:v38+s19+$0x0], $0xffff  }
0x1e7: {  	v0 =	vld.idx.msk [tilespmem:v23+s21+$0x0], $0xffff;
	[tilespmem:v5+s9+$0x0] =	vst.idx.msk $0xffff, v16  }
0x1e8: {  	v40 =	vld.idx.msk [tilespmem:v40+s19+$0x0], $0xffff;
	[tilespmem:v10+s9+$0x0] =	vst.idx.msk $0xffff, v13  }
0x1e9: {  	v37 =	vld.idx.msk [tilespmem:v62+s19+$0x0], $0xffff;
	[tilespmem:$0x1FD90] =	vst v8  }
0x1ea: {  	v8 =	vld.idx.msk [tilespmem:v8+s21+$0x0], $0xffff;
	_ =	sdelay $0x2  }
0x1eb: {  	v38 =	vor.u32 $0xE, v2  }
0x1ec: {  	v5 =	vmul.f32 v12, v14  }
0x1ed: {  	[tilespmem:$0x1FDA0] =	vst v8  }
0x1ee: {  	[tilespmem:v60+s9+$0x0] =	vst.idx.msk $0xffff, v5  }
0x1ef: {  	[tilespmem:$0x1FDB0] =	vst v38  }
0x1f0: {  	v8 =	vld.idx.msk [tilespmem:v38+s21+$0x0], $0xffff  }
0x1f1: {  	v15 =	vor.u32 $0xD, v2;
	_ =	sdelay $0x2  }
0x1f2: {  	[tilespmem:$0x1FDD0] =	vst v15  }
0x1f3: {  	[tilespmem:$0x1FDC0] =	vst v8  }
0x1f4: {  	v8 =	vld.idx.msk [tilespmem:v15+s21+$0x0], $0xffff  }
0x1f5: {  	v9 =	vor.u32 $0xC, v2;
	_ =	sdelay $0x2  }
0x1f6: {  	[tilespmem:$0x1FDF0] =	vst v9  }
0x1f7: {  	[tilespmem:$0x1FDE0] =	vst v8  }
0x1f8: {  	v8 =	vld.idx.msk [tilespmem:v9+s21+$0x0], $0xffff;
	_ =	sdelay $0x1  }
0x1f9: {  	v12 =	vor.u32 $0xB, v2  }
0x1fa: {  	v11 =	vsub.f32 v11, v21;
	v13 =	vsub.f32 v20, v19  }
0x1fb: {  	v10 =	vor.u32 $0xA, v2;
	v0 =	vmul.f32 v0, v22;
	[tilespmem:$0x1FE10] =	vst v12  }
0x1fc: {  	v20 =	vmul.f32 v11, v11;
	v21 =	vmul.f32 v13, v13;
	[tilespmem:$0x1FE00] =	vst v8  }
0x1fd: {  	v5 =	vsub.f32 v54, v30;
	v30 =	vmul.f32 v18, v17;
	[tilespmem:v23+s9+$0x0] =	vst.idx.msk $0xffff, v0  }
0x1fe: {  	v20 =	vadd.f32 v21, v20;
	v21 =	vld.idx.msk [tilespmem:v12+s21+$0x0], $0xffff;
	[tilespmem:$0x1FE20] =	vst v10  }
0x1ff: {  	v62 =	vor.u32 $0x9, v2;
	v0 =	vmul.f32 v3, v24;
	[tilespmem:v1+s9+$0x0] =	vst.idx.msk $0xffff, v30  }
0x200: {  	v24 =	vld.idx.msk [tilespmem:v10+s21+$0x0], $0xffff;
	[tilespmem:$0x1FE30] =	vst v62  }
0x201: {  	[tilespmem:v29+s9+$0x0] =	vst.idx.msk $0xffff, v0;
	v0 =	vmul.f32 v6, v43  }
0x202: {  	v3 =	vmul.f32 v26, v44  }
0x203: {  	v13 =	vor.u32 $0x8, v2;
	[tilespmem:v25+s9+$0x0] =	vst.idx.msk $0xffff, v0  }
0x204: {  	v5 =	vmul.f32 v5, v5;
	v8 =	vor.u32 $0x6, v2;
	[tilespmem:v39+s9+$0x0] =	vst.idx.msk $0xffff, v3  }
0x205: {  	v0 =	vld [tilespmem:$0x1FE40]  }
0x206: {  	v1 =	vadd.f32 v5, v20  }
0x207: {  	v15 =	vor.u32 $0x5, v2;
	v20 =	vld.idx.msk [tilespmem:v62+s21+$0x0], $0xffff  }
0x208: {  	v4 =	vmul.f32 v4, v46;
	v22 =	vor.u32 $0x4, v2;
	v23 =	vld.idx.msk [tilespmem:v13+s21+$0x0], $0xffff;
	v54 =	vadd.f32 $9.999999960e-13, v1  }
0x209: {  	v5 =	vmul.f32 v27, v47;
	v38 =	vld.idx.msk [tilespmem:v8+s21+$0x0], $0xffff  }
0x20a: {  	v25 =	vshrl.u32 v54, $0x1;
	v46 =	vmul.f32 $5.000000000e-01, v54;
	v27 =	vmul.f32 v0, v53;
	v0 =	vld [tilespmem:$0x1FE50];
	[tilespmem:v32+s9+$0x0] =	vst.idx.msk $0xffff, v4  }
0x20b: {  	v47 =	vsub.s32 $0x5F3759DF, v25;
	v1 =	vld [tilespmem:$0x1FE60]  }
0x20c: {  	v30 =	vor.u32 $0x2, v2;
	v44 =	vld.idx.msk [tilespmem:v15+s21+$0x0], $0xffff;
	v25 =	vmul.f32 v47, v46  }
0x20d: {  	v29 =	vld.idx.msk [tilespmem:v22+s21+$0x0], $0xffff  }
0x20e: {  	v60 =	vld.idx.msk [tilespmem:v2+s21+$0x0], $0xffff;
	v14 =	vmul.f32 v47, v25  }
0x20f: {  	v6 =	vor.u32 $0x1, v2;
	v12 =	vld.idx.msk [tilespmem:v7+s19+$0x0], $0xffff;
	v3 =	vmul.f32 v28, v48  }
0x210: {  	v18 =	vmovc v8;
	v8 =	vor.u32 $0xD, v7;
	v51 =	vmul.f32 v1, v51;
	v1 =	vld [tilespmem:$0x1FE70];
	[tilespmem:v41+s9+$0x0] =	vst.idx.msk $0xffff, v5;
	v5 =	vsub.f32 $1.500000000e+00, v14  }
0x211: {  	v26 =	vor.u32 $0x7, v2;
	v39 =	vor.u32 $0x3, v2;
	v43 =	vld.idx.msk [tilespmem:v30+s21+$0x0], $0xffff;
	[tilespmem:v45+s9+$0x0] =	vst.idx.msk $0xffff, v3  }
0x212: {  	v19 =	vmovc v15;
	v62 =	vmovc v13;
	v13 =	vor.u32 $0xE, v7;
	v15 =	vor.u32 $0xF, v7;
	v7 =	vmul.f32 v47, v5;
	v5 =	vld [tilespmem:$0x1FE80];
	_ =	sdelay $0x1  }
0x213: {  	v25 =	vshll.u32 v49, $0x4;
	v28 =	vmul.f32 v0, v55;
	v0 =	vld.idx.msk [tilespmem:v6+s21+$0x0], $0xffff  }
0x214: {  	v48 =	vmul.f32 v42, v50;
	v33 =	vmul.f32 v29, v33;
	v29 =	vld.idx.msk [tilespmem:v8+s19+$0x0], $0xffff;
	v42 =	vor.u32 $0xF, v25  }
0x215: {  	v57 =	vmul.f32 v43, v57;
	v50 =	vld.idx.msk [tilespmem:v39+s21+$0x0], $0xffff;
	v43 =	vor.u32 $0xE, v25;
	v32 =	vmul.f32 v44, v59  }
0x216: {  	v44 =	vor.u32 $0xD, v25;
	v3 =	vmul.f32 v60, v12;
	v4 =	vmul.f32 v1, v52;
	v1 =	vld.idx.msk [tilespmem:v26+s21+$0x0], $0xffff  }
0x217: {  	v38 =	vmul.f32 v38, v58;
	v59 =	vld.idx.msk [tilespmem:v15+s19+$0x0], $0xffff  }
0x218: {  	v49 =	vor.u32 $0xB, v25;
	v60 =	vld.idx.msk [tilespmem:v13+s19+$0x0], $0xffff;
	v0 =	vmul.f32 v0, v56;
	[tilespmem:v2+s9+$0x0] =	vst.idx.msk $0xffff, v3  }
0x219: {  	v53 =	vor.u32 $0x9, v25;
	v55 =	vor.u32 $0x8, v25;
	v47 =	vld.idx.msk [tilespmem:v42+s21+$0x0], $0xffff;
	[tilespmem:v5+s9+$0x0] =	vst.idx.msk $0xffff, v48;
	v5 =	vmul.f32 v7, v46  }
0x21a: {  	v56 =	vor.u32 $0x7, v25;
	v52 =	vor.u32 $0xA, v25;
	[tilespmem:v6+s9+$0x0] =	vst.idx.msk $0xffff, v0;
	v46 =	vor.u32 $0xC, v25;
	v48 =	vld.idx.msk [tilespmem:v43+s21+$0x0], $0xffff  }
0x21b: {  	s16 =	simm.s32 $0x30;
	v41 =	vmul.f32 v1, v63;
	[tilespmem:v61+s9+$0x0] =	vst.idx.msk $0xffff, v51;
	v51 =	vld.idx.msk [tilespmem:v44+s21+$0x0], $0xffff;
	v61 =	vlaneseq.u32;
	v0 =	vmul.f32 v5, v7  }
.LBB2_9:
0x21c: {  	v1 =	vld [tilespmem:$0x1FD80];
	_ =	sdelay $0x6  }
0x21d: {  	v63 =	vld.idx.msk [tilespmem:v46+s21+$0x0], $0xffff  }
0x21e: {  	[tilespmem:v1+s9+$0x0] =	vst.idx.msk $0xffff, v4;
	v1 =	vsub.f32 $1.500000000e+00, v0;
	v0 =	vld [tilespmem:$0x1FD70];
	_ =	sdelay $0x1  }
0x21f: {  	v3 =	vld [tilespmem:$0x1FD60];
	_ =	sdelay $0x5  }
0x220: {  	v6 =	vmul.f32 v50, v31;
	v31 =	vld.idx.msk [tilespmem:v49+s21+$0x0], $0xffff;
	[tilespmem:v0+s9+$0x0] =	vst.idx.msk $0xffff, v27  }
0x221: {  	v58 =	vld.idx.msk [tilespmem:v52+s21+$0x0], $0xffff  }
0x222: {  	[tilespmem:v3+s9+$0x0] =	vst.idx.msk $0xffff, v28;
	v3 =	vld [tilespmem:$0x1FE10];
	_ =	sdelay $0x4  }
0x223: {  	v9 =	vld [tilespmem:$0x1FD90];
	v8 =	vmov v3  }
0x224: {  	[tilespmem:$0x1FD30] =	vst v8;
	v8 =	vld [tilespmem:$0x1FDC0];
	_ =	sdelay $0x3  }
0x225: {  	v0 =	vmul.f32 v20, v34  }
0x226: {  	v20 =	vld.idx.msk [tilespmem:v53+s21+$0x0], $0xffff;
	[tilespmem:v30+s9+$0x0] =	vst.idx.msk $0xffff, v57;
	v27 =	vmul.f32 v8, v60;
	v8 =	vmov v9  }
0x227: {  	[tilespmem:$0x1FD60] =	vst v8;
	v8 =	vld.idx.msk [tilespmem:v56+s21+$0x0], $0xffff;
	_ =	sdelay $0x4  }
0x228: {  	[tilespmem:$0x1FD40] =	vst v8;
	v8 =	vld [tilespmem:$0x1FDA0];
	_ =	sdelay $0x4  }
0x229: {  	v28 =	vmul.f32 v8, v59;
	v8 =	vmov v42  }
0x22a: {  	[tilespmem:$0x1FD90] =	vst v8;
	v8 =	vld [tilespmem:$0x1FE00];
	_ =	sdelay $0x4  }
0x22b: {  	v13 =	vmov v63;
	v63 =	vld [tilespmem:$0x1FDB0];
	v14 =	vmul.f32 v8, v37;
	v8 =	vmov v43  }
0x22c: {  	[tilespmem:$0x1FDB0] =	vst v8;
	v8 =	vld [tilespmem:$0x1FDF0];
	_ =	sdelay $0x2  }
0x22d: {  	v5 =	vor.u32 s16, v61  }
0x22e: {  	v4 =	vshll.u32 v5, $0x3  }
0x22f: {  	v9 =	vmov v63;
	v63 =	vmov v8;
	v8 =	vld [tilespmem:$0x1FFF0]  }
0x230: {  	v7 =	vmul.f32 v1, v7  }
0x231: {  	v30 =	vor.u32 $0x2, v4  }
0x232: {  	v2 =	vmul.f32 v23, v36;
	v7 =	vmul.f32 v7, v54;
	v23 =	vld.idx.msk [tilespmem:v55+s21+$0x0], $0xffff  }
0x233: {  	v12 =	vmov v46;
	v34 =	vld.idx.msk [tilespmem:v4+s3+$0x0], $0xffff  }
0x234: {  	v36 =	vor.u32 $0x1, v4;
	[tilespmem:$0x1FDF0] =	vst v12;
	v12 =	vld [tilespmem:$0x1FDD0];
	v7 =	vmul.f32 v7, v8;
	v8 =	vmov v44  }
0x235: {  	[tilespmem:$0x1FDD0] =	vst v8;
	v8 =	vld [tilespmem:$0x1FE20]  }
0x236: {  	v15 =	vld.idx.msk [tilespmem:v30+s1+$0x0], $0xffff  }
0x237: {  	v57 =	vld.idx.msk [tilespmem:v30+s3+$0x0], $0xffff;
	v30 =	vor.u32 $0x2, v25  }
0x238: {  	v1 =	vmul.f32 v21, v40;
	v4 =	vld.idx.msk [tilespmem:v4+s1+$0x0], $0xffff  }
0x239: {  	v40 =	vor.u32 $0x5, v25;
	v21 =	vmovc v31;
	v31 =	vld.idx.msk [tilespmem:v36+s1+$0x0], $0xffff;
	v3 =	vmul.f32 v24, v35;
	v7 =	vtrunc.f32 v7  }
0x23a: {  	v35 =	vld.idx.msk [tilespmem:v36+s3+$0x0], $0xffff;
	[tilespmem:$0x1FD50] =	vst v14;
	v14 =	vmovc v53;
	v53 =	vor.u32 $0x3, v25;
	v7 =	vcvt.f32.s32 v7;
	v59 =	vmovc v8;
	v8 =	vmov v47  }
0x23b: {  	v42 =	vor.u32 $0x4, v25;
	[tilespmem:$0x1FDA0] =	vst v8;
	v8 =	vld [tilespmem:$0x1FE30]  }
0x23c: {  	v10 =	vmov v49;
	v49 =	vld.idx.msk [tilespmem:v30+s21+$0x0], $0xffff;
	vm0 =	vlt.s32 v7, $0x1FF  }
0x23d: {  	v60 =	vld.idx.msk [tilespmem:v25+s21+$0x0], $0xffff;
	v37 =	vor.u32 $0x6, v25;
	v7 =	vnsel vm0, $0x1FF, v7  }
0x23e: {  	v24 =	vmov v58;
	[tilespmem:$0x1FE00] =	vst v13;
	v13 =	vmov v52;
	v52 =	vld.idx.msk [tilespmem:v40+s21+$0x0], $0xffff;
	v7 =	vshll.u32 v7, $0x4  }
0x23f: {  	v4 =	vsub.f32 v34, v4;
	v31 =	vsub.f32 v35, v31;
	v11 =	vmovc v12;
	v50 =	vld.idx.msk [tilespmem:v53+s21+$0x0], $0xffff;
	v58 =	vor.u32 $0x1, v7  }
0x240: {  	v44 =	vmovc v62;
	v62 =	vmovc v55;
	v55 =	vld.idx.msk [tilespmem:v42+s21+$0x0], $0xffff;
	[tilespmem:$0x1FE20] =	vst v13;
	v12 =	vor.u32 $0x2, v7;
	v47 =	vmov v8;
	v8 =	vmov v48  }
0x241: {  	v4 =	vmul.f32 v4, v4;
	v13 =	vor.u32 $0x3, v7;
	[tilespmem:$0x1FDC0] =	vst v8;
	v8 =	vld [tilespmem:$0x1FDE0]  }
0x242: {  	v36 =	vsub.f32 v57, v15;
	v31 =	vmul.f32 v31, v31;
	[tilespmem:$0x1FE30] =	vst v14;
	v14 =	vor.u32 $0x4, v7;
	v48 =	vld.idx.msk [tilespmem:v37+s21+$0x0], $0xffff  }
0x243: {  	[tilespmem:$0x1FD70] =	vst v9;
	v15 =	vor.u32 $0x5, v7;
	v9 =	vld.idx.msk [tilespmem:v7+s19+$0x0], $0xffff  }
0x244: {  	v4 =	vadd.f32 v31, v4;
	v31 =	vmul.f32 v36, v36;
	[tilespmem:$0x1FD80] =	vst v11;
	v34 =	vor.u32 $0x6, v7;
	v11 =	vld.idx.msk [tilespmem:v58+s19+$0x0], $0xffff  }
0x245: {  	v61 =	vor.u32 $0x7, v7;
	v35 =	vld.idx.msk [tilespmem:v12+s19+$0x0], $0xffff  }
0x246: {  	v4 =	vadd.f32 v31, v4;
	v31 =	vld.idx.msk [tilespmem:v13+s19+$0x0], $0xffff;
	v46 =	vmovc v8;
	v8 =	vmov v51;
	v51 =	vor.u32 $0x1, v25  }
0x247: {  	[tilespmem:$0x1FE10] =	vst v10;
	v57 =	vor.u32 $0x8, v7;
	v10 =	vld.idx.msk [tilespmem:v14+s19+$0x0], $0xffff  }
0x248: {  	v43 =	vor.u32 $0x9, v7;
	v12 =	vld.idx.msk [tilespmem:v15+s19+$0x0], $0xffff  }
0x249: {  	v54 =	vadd.f32 $9.999999960e-13, v4;
	v13 =	vor.u32 $0xA, v7;
	v15 =	vld.idx.msk [tilespmem:v34+s19+$0x0], $0xffff  }
0x24a: {  	v16 =	vor.u32 $0xB, v7;
	v58 =	vld.idx.msk [tilespmem:v61+s19+$0x0], $0xffff;
	[tilespmem:$0x1FDE0] =	vst v8  }
0x24b: {  	v4 =	vshrl.u32 v54, $0x1;
	v61 =	vor.u32 $0xC, v7;
	v8 =	vld.idx.msk [tilespmem:v51+s21+$0x0], $0xffff;
	[tilespmem:v39+s9+$0x0] =	vst.idx.msk $0xffff, v6  }
0x24c: {  	v17 =	vsub.s32 $0x5F3759DF, v4;
	v4 =	vmul.f32 v46, v29;
	v29 =	vor.u32 $0xD, v7;
	v36 =	vld.idx.msk [tilespmem:v57+s19+$0x0], $0xffff;
	[tilespmem:v22+s9+$0x0] =	vst.idx.msk $0xffff, v33  }
0x24d: {  	v39 =	vor.u32 $0xE, v7;
	v34 =	vld.idx.msk [tilespmem:v43+s19+$0x0], $0xffff;
	[tilespmem:v19+s9+$0x0] =	vst.idx.msk $0xffff, v32  }
0x24e: {  	v57 =	vmul.f32 v49, v35;
	v35 =	vld.idx.msk [tilespmem:v13+s19+$0x0], $0xffff;
	[tilespmem:v18+s9+$0x0] =	vst.idx.msk $0xffff, v38  }
0x24f: {  	v19 =	vmov v40;
	v40 =	vld.idx.msk [tilespmem:v16+s19+$0x0], $0xffff;
	[tilespmem:v26+s9+$0x0] =	vst.idx.msk $0xffff, v41  }
0x250: {  	v18 =	vmov v37;
	v37 =	vld.idx.msk [tilespmem:v61+s19+$0x0], $0xffff;
	[tilespmem:v44+s9+$0x0] =	vst.idx.msk $0xffff, v2  }
0x251: {  	v29 =	vld.idx.msk [tilespmem:v29+s19+$0x0], $0xffff;
	[tilespmem:v47+s9+$0x0] =	vst.idx.msk $0xffff, v0  }
0x252: {  	v0 =	vmul.f32 v60, v9;
	v60 =	vld.idx.msk [tilespmem:v39+s19+$0x0], $0xffff  }
0x253: {  	[tilespmem:v59+s9+$0x0] =	vst.idx.msk $0xffff, v3;
	v3 =	vld [tilespmem:$0x1FD30];
	_ =	sdelay $0x2  }
0x254: {  	v5 =	vshll.u32 v5, $0x4;
	v14 =	vmul.f32 $5.000000000e-01, v54;
	v13 =	vor.u32 $0xF, v7  }
0x255: {  	v22 =	vmov v42;
	v42 =	vor.u32 $0xF, v5  }
0x256: {  	v6 =	vmul.f32 v17, v14;
	_ =	sdelay $0x1  }
0x257: {  	v6 =	vmul.f32 v17, v6  }
0x258: {  	v59 =	vld.idx.msk [tilespmem:v13+s19+$0x0], $0xffff;
	[tilespmem:v3+s9+$0x0] =	vst.idx.msk $0xffff, v1  }
0x259: {  	v6 =	vsub.f32 $1.500000000e+00, v6;
	v47 =	vld.idx.msk [tilespmem:v42+s21+$0x0], $0xffff  }
0x25a: {  	[tilespmem:v25+s9+$0x0] =	vst.idx.msk $0xffff, v0;
	v0 =	vld [tilespmem:$0x1FD40]  }
0x25b: {  	v7 =	vmul.f32 v17, v6;
	_ =	sdelay $0x1  }
0x25c: {  	v1 =	vmul.f32 v7, v14  }
0x25d: {  	v43 =	vor.u32 $0xE, v5  }
0x25e: {  	p0 =	sne.s32 s16, $0x90;
	v44 =	vor.u32 $0xD, v5;
	v41 =	vmul.f32 v0, v58;
	v0 =	vmul.f32 v1, v7;
	v1 =	vld [tilespmem:$0x1FD50]  }
.Ltmp3:
0x25f: {  	_ = 	snop;
	(pc) =	sbr.rel @p0 .LBB2_9-.Ltmp3, $4  }
0x260: {  	v45 =	vmovc v56;
	v56 =	vor.u32 $0x7, v5;
	v46 =	vor.u32 $0xC, v5;
	v2 =	vmul.f32 v8, v11  }
0x261: {  	v49 =	vor.u32 $0xB, v5;
	v33 =	vmul.f32 v55, v10;
	v32 =	vmul.f32 v52, v12  }
0x262: {  	v52 =	vor.u32 $0xA, v5;
	v38 =	vmul.f32 v48, v15;
	v25 =	vmov v5;
	v48 =	vld.idx.msk [tilespmem:v43+s21+$0x0], $0xffff;
	[tilespmem:v51+s9+$0x0] =	vst.idx.msk $0xffff, v2  }
0x263: {  	s16 =	sadd.s32 $0x10, s16;
	v26 =	vmovc v45;
	v61 =	vlaneseq.u32;
	v39 =	vmovc v53;
	v53 =	vor.u32 $0x9, v5;
	v55 =	vor.u32 $0x8, v25;
	v51 =	vld.idx.msk [tilespmem:v44+s21+$0x0], $0xffff;
	[tilespmem:v63+s9+$0x0] =	vst.idx.msk $0xffff, v1  }
0x264: {  	v63 =	vld [tilespmem:$0x1FD80];
	_ =	sdelay $0x7  }
0x265: {  	v1 =	vld [tilespmem:$0x1FFF0];
	[tilespmem:v63+s9+$0x0] =	vst.idx.msk $0xffff, v4  }
0x266: {  	v63 =	vld [tilespmem:$0x1FD70];
	_ =	sdelay $0x6  }
0x267: {  	v0 =	vsub.f32 $1.500000000e+00, v0  }
0x268: {  	[tilespmem:v63+s9+$0x0] =	vst.idx.msk $0xffff, v27  }
0x269: {  	v0 =	vmul.f32 v0, v7;
	v63 =	vld [tilespmem:$0x1FD60];
	_ =	sdelay $0x1  }
0x26a: {  	v0 =	vmul.f32 v0, v54;
	_ =	sdelay $0x1  }
0x26b: {  	v0 =	vmul.f32 v0, v1;
	_ =	sdelay $0x1  }
0x26c: {  	v0 =	vtrunc.f32 v0  }
0x26d: {  	v0 =	vcvt.f32.s32 v0  }
0x26e: {  	[tilespmem:v63+s9+$0x0] =	vst.idx.msk $0xffff, v28;
	v63 =	vmul.f32 v50, v31  }
0x26f: {  	vm0 =	vlt.s32 v0, $0x1FF;
	[tilespmem:v30+s9+$0x0] =	vst.idx.msk $0xffff, v57  }
0x270: {  	v14 =	vld.idx.msk [tilespmem:v46+s21+$0x0], $0xffff;
	v45 =	vor.u32 $0x5, v25;
	v0 =	vnsel vm0, $0x1FF, v0;
	[tilespmem:v39+s9+$0x0] =	vst.idx.msk $0xffff, v63  }
0x271: {  	v15 =	vld.idx.msk [tilespmem:v49+s21+$0x0], $0xffff;
	v0 =	vshll.u32 v0, $0x4;
	[tilespmem:v22+s9+$0x0] =	vst.idx.msk $0xffff, v33  }
0x272: {  	v17 =	vld.idx.msk [tilespmem:v52+s21+$0x0], $0xffff;
	v54 =	vor.u32 $0x1, v0;
	[tilespmem:v19+s9+$0x0] =	vst.idx.msk $0xffff, v32  }
0x273: {  	v23 =	vmul.f32 v23, v36;
	v4 =	vld.idx.msk [tilespmem:v55+s21+$0x0], $0xffff;
	v2 =	vor.u32 $0x2, v0;
	[tilespmem:v18+s9+$0x0] =	vst.idx.msk $0xffff, v38  }
0x274: {  	v3 =	vor.u32 $0x3, v0;
	v27 =	vld.idx.msk [tilespmem:v56+s21+$0x0], $0xffff;
	[tilespmem:v26+s9+$0x0] =	vst.idx.msk $0xffff, v41  }
0x275: {  	v5 =	vor.u32 $0x4, v0;
	v57 =	vld.idx.msk [tilespmem:v45+s21+$0x0], $0xffff;
	[tilespmem:v62+s9+$0x0] =	vst.idx.msk $0xffff, v23  }
0x276: {  	v6 =	vor.u32 $0x5, v0;
	v38 =	vld [tilespmem:$0x1FE30]  }
0x277: {  	v58 =	vor.u32 $0x6, v0;
	v1 =	vld.idx.msk [tilespmem:v54+s19+$0x0], $0xffff  }
0x278: {  	v8 =	vor.u32 $0x7, v0;
	v2 =	vld.idx.msk [tilespmem:v2+s19+$0x0], $0xffff  }
0x279: {  	v9 =	vor.u32 $0x8, v0;
	v3 =	vld.idx.msk [tilespmem:v3+s19+$0x0], $0xffff  }
0x27a: {  	v5 =	vld.idx.msk [tilespmem:v5+s19+$0x0], $0xffff  }
0x27b: {  	v10 =	vor.u32 $0x9, v0;
	v6 =	vld.idx.msk [tilespmem:v6+s19+$0x0], $0xffff  }
0x27c: {  	v20 =	vmul.f32 v20, v34;
	v11 =	vor.u32 $0xA, v0;
	v7 =	vld.idx.msk [tilespmem:v58+s19+$0x0], $0xffff  }
0x27d: {  	v12 =	vor.u32 $0xB, v0;
	v8 =	vld.idx.msk [tilespmem:v8+s19+$0x0], $0xffff  }
0x27e: {  	v13 =	vor.u32 $0xC, v0;
	v9 =	vld.idx.msk [tilespmem:v9+s19+$0x0], $0xffff;
	[tilespmem:v38+s9+$0x0] =	vst.idx.msk $0xffff, v20  }
0x27f: {  	v19 =	vld [tilespmem:$0x1FE20]  }
0x280: {  	v16 =	vor.u32 $0x6, v25;
	v10 =	vld.idx.msk [tilespmem:v10+s19+$0x0], $0xffff  }
0x281: {  	v11 =	vld.idx.msk [tilespmem:v11+s19+$0x0], $0xffff  }
0x282: {  	v12 =	vld.idx.msk [tilespmem:v12+s19+$0x0], $0xffff  }
0x283: {  	v13 =	vld.idx.msk [tilespmem:v13+s19+$0x0], $0xffff  }
0x284: {  	v54 =	vld.idx.msk [tilespmem:v53+s21+$0x0], $0xffff;
	v58 =	vor.u32 $0x4, v25  }
0x285: {  	v31 =	vor.u32 $0x1, v25;
	v50 =	vld.idx.msk [tilespmem:v16+s21+$0x0], $0xffff;
	v23 =	vmul.f32 v24, v35  }
0x286: {  	v30 =	vor.u32 $0x3, v25;
	v63 =	vld.idx.msk [tilespmem:v0+s19+$0x0], $0xffff  }
0x287: {  	v28 =	vor.u32 $0x2, v25;
	v22 =	vld.idx.msk [tilespmem:v25+s21+$0x0], $0xffff;
	[tilespmem:v19+s9+$0x0] =	vst.idx.msk $0xffff, v23  }
0x288: {  	v33 =	vor.u32 $0xD, v0;
	v23 =	vld [tilespmem:$0x1FE10]  }
0x289: {  	v39 =	vld.idx.msk [tilespmem:v58+s21+$0x0], $0xffff;
	v32 =	vor.u32 $0xE, v0  }
0x28a: {  	v0 =	vor.u32 $0xF, v0;
	v36 =	vld.idx.msk [tilespmem:v31+s21+$0x0], $0xffff  }
0x28b: {  	v26 =	vld.idx.msk [tilespmem:v30+s21+$0x0], $0xffff  }
0x28c: {  	v24 =	vld.idx.msk [tilespmem:v28+s21+$0x0], $0xffff  }
0x28d: {  	v62 =	vld.idx.msk [tilespmem:v33+s19+$0x0], $0xffff;
	v34 =	vmul.f32 v22, v63  }
0x28e: {  	v41 =	vmul.f32 v21, v40;
	v35 =	vld.idx.msk [tilespmem:v32+s19+$0x0], $0xffff  }
0x28f: {  	v0 =	vld.idx.msk [tilespmem:v0+s19+$0x0], $0xffff;
	v1 =	vmul.f32 v36, v1;
	[tilespmem:v25+s9+$0x0] =	vst.idx.msk $0xffff, v34  }
0x290: {  	[tilespmem:v23+s9+$0x0] =	vst.idx.msk $0xffff, v41  }
0x291: {  	v18 =	vld [tilespmem:$0x1FE00];
	[tilespmem:v31+s9+$0x0] =	vst.idx.msk $0xffff, v1  }
0x292: {  	v20 =	vld [tilespmem:$0x1FDF0];
	_ =	sdelay $0x5  }
0x293: {  	v18 =	vmul.f32 v18, v37;
	_ =	sdelay $0x1  }
0x294: {  	v1 =	vld [tilespmem:$0x1FDE0];
	[tilespmem:v20+s9+$0x0] =	vst.idx.msk $0xffff, v18  }
0x295: {  	v19 =	vld [tilespmem:$0x1FDD0];
	_ =	sdelay $0x5  }
0x296: {  	v1 =	vmul.f32 v1, v29;
	_ =	sdelay $0x1  }
0x297: {  	v18 =	vld [tilespmem:$0x1FDC0];
	[tilespmem:v19+s9+$0x0] =	vst.idx.msk $0xffff, v1  }
0x298: {  	v19 =	vld [tilespmem:$0x1FDB0];
	_ =	sdelay $0x5  }
0x299: {  	v18 =	vmul.f32 v18, v60  }
0x29a: {  	v2 =	vmul.f32 v24, v2  }
0x29b: {  	v38 =	vmul.f32 v26, v3;
	v1 =	vld [tilespmem:$0x1FDA0];
	[tilespmem:v19+s9+$0x0] =	vst.idx.msk $0xffff, v18  }
0x29c: {  	v39 =	vmul.f32 v39, v5;
	v18 =	vld [tilespmem:$0x1FD90];
	[tilespmem:v28+s9+$0x0] =	vst.idx.msk $0xffff, v2  }
0x29d: {  	v40 =	vmul.f32 v57, v6;
	[tilespmem:v30+s9+$0x0] =	vst.idx.msk $0xffff, v38  }
0x29e: {  	v41 =	vmul.f32 v50, v7;
	[tilespmem:v58+s9+$0x0] =	vst.idx.msk $0xffff, v39  }
0x29f: {  	[tilespmem:v45+s9+$0x0] =	vst.idx.msk $0xffff, v40;
	v45 =	vmul.f32 v27, v8  }
0x2a0: {  	v50 =	vmul.f32 v4, v9;
	[tilespmem:v16+s9+$0x0] =	vst.idx.msk $0xffff, v41  }
0x2a1: {  	v57 =	vmul.f32 v54, v10;
	[tilespmem:v56+s9+$0x0] =	vst.idx.msk $0xffff, v45  }
0x2a2: {  	v1 =	vmul.f32 v1, v59;
	[tilespmem:v55+s9+$0x0] =	vst.idx.msk $0xffff, v50  }
0x2a3: {  	v58 =	vmul.f32 v17, v11;
	[tilespmem:v53+s9+$0x0] =	vst.idx.msk $0xffff, v57  }
0x2a4: {  	v59 =	vmul.f32 v15, v12;
	[tilespmem:v18+s9+$0x0] =	vst.idx.msk $0xffff, v1  }
0x2a5: {  	v60 =	vmul.f32 v14, v13;
	[tilespmem:v52+s9+$0x0] =	vst.idx.msk $0xffff, v58  }
0x2a6: {  	v62 =	vmul.f32 v51, v62;
	[tilespmem:v49+s9+$0x0] =	vst.idx.msk $0xffff, v59  }
0x2a7: {  	v63 =	vmul.f32 v48, v35;
	[tilespmem:v46+s9+$0x0] =	vst.idx.msk $0xffff, v60  }
0x2a8: {  	s11 =	sshll.u32 s13, $0x1;
	v0 =	vmul.f32 v47, v0;
	[tilespmem:v44+s9+$0x0] =	vst.idx.msk $0xffff, v62  }
0x2a9: {  	s11 =	smin.u32 s11, $0x26D;
	[tilespmem:v43+s9+$0x0] =	vst.idx.msk $0xffff, v63  }
0x2aa: {  	s13 =	sadd.s32 $0x1, s13;
	s11 =	smul.u32 $0xA0, s11;
	[tilespmem:v42+s9+$0x0] =	vst.idx.msk $0xffff, v0  }
0x2ab: {  	[spmem:s2] =	stream.indirect.scatter.add.f32 [tilespmem:s9], [sflag:$0x5], $0x10, s25, s24, $0xb8;
	[tilespmem:$0x1EAD0] =	vst v63  }
0x2ac: {  	p0 =	sne.s32 s13, $0x138;
	s11 =	sadd.s32 s11, s15;
	_ =	swait.ge [sflag:s20], $0xA00  }
.Ltmp4:
0x2ad: {  	s11 =	sshrl.u32 s11, $0x3;
	[sflag:s20] =	ssyncset.done $0x0;
	(pc) =	sbr.rel @p0 .LBB2_6-.Ltmp4, $4  }
0x2ae: {  	s12 =	sadd.s32 s5, s11;
	[sflag:s20] =	ssyncadd.s32 $0xFFFFF600  }
0x2af: {  	[tilespmem:s24], [sflag:$0x2] =	stream.linear.gather [hbm4b:s12+s4], $0xA0, $0x38;
	[tilespmem:$0x1EAD0] =	vst v63  }
0x2b0: {  	s11 =	sadd.s32 s6, s11  }
0x2b1: {  	[tilespmem:s25], [sflag:$0x2] =	stream.linear.gather [hbm4b:s11+s4], $0xA0, $0x38;
	[tilespmem:$0x1EAD0] =	vst v63  }
0x2b2: {  	_ =	swait.ge [sflag:s31], $0x500  }
0x2b3: {  	[sflag:s31] =	ssyncset.done $0x0  }
0x2b4: {  	[sflag:s31] =	ssyncadd.s32 $0xFFFFFB00  }
0x2b5: {  	_ =	swait.ge [sflag:s31], $0x500  }
0x2b6: {  	[sflag:s31] =	ssyncset.done $0x0  }
0x2b7: {  	[sflag:s31] =	ssyncadd.s32 $0xFFFFFB00  }
0x2b8: {  	_ =	swait.ge [sflag:s31], $0xA00  }
0x2b9: {  	[sflag:s31] =	ssyncset.done $0x0  }
0x2ba: {  	s11 =	simm.s32 $0x0;
	[sflag:s31] =	ssyncadd.s32 $0xFFFFF600  }
0x2bb: {  	v0 =	vor.u32 s11, v61;
	_ =	swait.ge [sflag:s0], $0xA0  }
0x2bc: {  	v1 =	vshll.u32 v0, $0x3;
	[sflag:s0] =	ssyncset.done $0x0  }
0x2bd: {  	v2 =	vor.u32 $0x1, v1;
	[sflag:s0] =	ssyncadd.s32 $0xFFFFFF60  }
0x2be: {  	_ =	swait.ge [sflag:s0], $0xA0  }
0x2bf: {  	[sflag:s0] =	ssyncset.done $0x0  }
0x2c0: {  	v3 =	vor.u32 $0x2, v1;
	[sflag:s0] =	ssyncadd.s32 $0xFFFFFF60  }
0x2c1: {  	v4 =	vld.idx.msk [tilespmem:v1+s28+$0x0], $0xffff  }
0x2c2: {  	v5 =	vld.idx.msk [tilespmem:v2+s28+$0x0], $0xffff  }
0x2c3: {  	v1 =	vld.idx.msk [tilespmem:v1+s29+$0x0], $0xffff  }
0x2c4: {  	v2 =	vld.idx.msk [tilespmem:v2+s29+$0x0], $0xffff  }
0x2c5: {  	v6 =	vld.idx.msk [tilespmem:v3+s29+$0x0], $0xffff  }
0x2c6: {  	v3 =	vld.idx.msk [tilespmem:v3+s28+$0x0], $0xffff;
	_ =	sdelay $0x2  }
0x2c7: {  	v1 =	vsub.f32 v4, v1;
	v2 =	vsub.f32 v5, v2;
	_ =	sdelay $0x1  }
0x2c8: {  	v3 =	vsub.f32 v3, v6;
	v1 =	vmul.f32 v1, v1;
	v2 =	vmul.f32 v2, v2;
	_ =	sdelay $0x1  }
0x2c9: {  	v1 =	vadd.f32 v2, v1;
	v2 =	vmul.f32 v3, v3;
	_ =	sdelay $0x1  }
0x2ca: {  	s13 =	simm.s32 $0x10;
	v1 =	vadd.f32 v2, v1  }
0x2cb: {  	v2 =	vor.u32 s13, v61  }
0x2cc: {  	v3 =	vshll.u32 v2, $0x3;
	v1 =	vadd.f32 $9.999999960e-13, v1;
	_ =	sdelay $0x1  }
0x2cd: {  	v4 =	vor.u32 $0x1, v3;
	v5 =	vshrl.u32 v1, $0x1;
	v6 =	vmul.f32 $5.000000000e-01, v1  }
0x2ce: {  	v5 =	vsub.s32 $0x5F3759DF, v5  }
0x2cf: {  	v8 =	vor.u32 $0x2, v3;
	v7 =	vmul.f32 v5, v6  }
0x2d0: {  	v9 =	vld.idx.msk [tilespmem:v3+s28+$0x0], $0xffff  }
0x2d1: {  	v3 =	vld.idx.msk [tilespmem:v3+s29+$0x0], $0xffff;
	v7 =	vmul.f32 v5, v7  }
0x2d2: {  	v10 =	vld.idx.msk [tilespmem:v4+s28+$0x0], $0xffff  }
0x2d3: {  	v4 =	vld.idx.msk [tilespmem:v4+s29+$0x0], $0xffff;
	v7 =	vsub.f32 $1.500000000e+00, v7  }
0x2d4: {  	v11 =	vld.idx.msk [tilespmem:v8+s29+$0x0], $0xffff  }
0x2d5: {  	v7 =	vmul.f32 v5, v7;
	v5 =	vld.idx.msk [tilespmem:v8+s28+$0x0], $0xffff;
	_ =	sdelay $0x1  }
0x2d6: {  	v3 =	vsub.f32 v9, v3;
	v6 =	vmul.f32 v7, v6  }
0x2d7: {  	v4 =	vsub.f32 v10, v4  }
0x2d8: {  	v3 =	vmul.f32 v3, v3;
	v6 =	vmul.f32 v6, v7  }
0x2d9: {  	v4 =	vmul.f32 v4, v4;
	v8 =	vsub.f32 v5, v11;
	v5 =	vshll.u32 v0, $0x4  }
0x2da: {  	v0 =	vsub.f32 $1.500000000e+00, v6;
	v6 =	vor.u32 $0xF, v5  }
0x2db: {  	v3 =	vadd.f32 v4, v3;
	v54 =	vor.u32 $0xB, v5;
	v4 =	vmul.f32 v8, v8  }
0x2dc: {  	[tilespmem:$0x1FD10] =	vst v54  }
0x2dd: {  	[tilespmem:$0x1FBF0] =	vst v6;
	v0 =	vmul.f32 v0, v7;
	v3 =	vadd.f32 v4, v3;
	v4 =	vor.u32 $0xC, v5  }
0x2de: {  	[tilespmem:$0x1FD20] =	vst v4  }
0x2df: {  	v0 =	vmul.f32 v0, v1;
	v1 =	vld.idx.msk [tilespmem:v6+s30+$0x0], $0xffff  }
0x2e0: {  	v8 =	vor.u32 $0xE, v5;
	_ =	sdelay $0x2  }
0x2e1: {  	[tilespmem:$0x1FC00] =	vst v8  }
0x2e2: {  	[tilespmem:$0x1FCE0] =	vst v1  }
0x2e3: {  	v1 =	vld.idx.msk [tilespmem:v8+s30+$0x0], $0xffff  }
0x2e4: {  	v53 =	vor.u32 $0xD, v5;
	_ =	sdelay $0x2  }
0x2e5: {  	[tilespmem:$0x1FC10] =	vst v53  }
0x2e6: {  	[tilespmem:$0x1FCD0] =	vst v1  }
0x2e7: {  	v7 =	vadd.f32 $9.999999960e-13, v3;
	v3 =	vld.idx.msk [tilespmem:v53+s30+$0x0], $0xffff;
	_ =	sdelay $0x2  }
0x2e8: {  	v29 =	vld [tilespmem:$0x1FFF0];
	_ =	sdelay $0x1  }
0x2e9: {  	v1 =	vshrl.u32 v7, $0x1;
	[tilespmem:$0x1FD00] =	vst v3  }
0x2ea: {  	v55 =	vsub.s32 $0x5F3759DF, v1;
	v1 =	vld.idx.msk [tilespmem:v4+s30+$0x0], $0xffff;
	_ =	sdelay $0x1  }
0x2eb: {  	v45 =	vor.u32 $0xA, v5;
	v0 =	vmul.f32 v0, v29  }
0x2ec: {  	v41 =	vor.u32 $0x9, v5  }
0x2ed: {  	v32 =	vor.u32 $0x8, v5;
	v0 =	vtrunc.f32 v0  }
0x2ee: {  	v39 =	vor.u32 $0x7, v5;
	v8 =	vmul.f32 $5.000000000e-01, v7;
	v4 =	vcvt.f32.s32 v0;
	[tilespmem:$0x1FCF0] =	vst v1  }
0x2ef: {  	v25 =	vor.u32 $0x6, v5;
	v42 =	vld.idx.msk [tilespmem:v54+s30+$0x0], $0xffff  }
0x2f0: {  	v10 =	vor.u32 $0x1, v5;
	v3 =	vmul.f32 v55, v8;
	vm0 =	vlt.s32 v4, $0x1FF;
	v28 =	vld.idx.msk [tilespmem:v45+s30+$0x0], $0xffff  }
0x2f1: {  	v56 =	vnsel vm0, $0x1FF, v4;
	v27 =	vld.idx.msk [tilespmem:v41+s30+$0x0], $0xffff  }
0x2f2: {  	v6 =	vmul.f32 v55, v3;
	v11 =	vshll.u32 v56, $0x4;
	v4 =	vld.idx.msk [tilespmem:v32+s30+$0x0], $0xffff  }
0x2f3: {  	v13 =	vor.u32 $0x1, v11;
	v26 =	vld.idx.msk [tilespmem:v39+s30+$0x0], $0xffff  }
0x2f4: {  	v12 =	vsub.f32 $1.500000000e+00, v6;
	v14 =	vor.u32 $0x2, v11;
	v6 =	vld.idx.msk [tilespmem:v25+s30+$0x0], $0xffff  }
0x2f5: {  	v57 =	vor.u32 $0x3, v11;
	v15 =	vld.idx.msk [tilespmem:v10+s30+$0x0], $0xffff  }
0x2f6: {  	v17 =	vor.u32 $0x4, v11;
	v16 =	vld.idx.msk [tilespmem:v5+s30+$0x0], $0xffff  }
0x2f7: {  	v9 =	vmul.f32 v55, v12;
	v19 =	vor.u32 $0x5, v11;
	v18 =	vld.idx.msk [tilespmem:v11+s19+$0x0], $0xffff  }
0x2f8: {  	v20 =	vor.u32 $0x6, v11;
	v13 =	vld.idx.msk [tilespmem:v13+s19+$0x0], $0xffff  }
0x2f9: {  	v21 =	vor.u32 $0x7, v11;
	v8 =	vmul.f32 v9, v8;
	v14 =	vld.idx.msk [tilespmem:v14+s19+$0x0], $0xffff  }
0x2fa: {  	v58 =	vor.u32 $0x8, v11;
	v22 =	vld.idx.msk [tilespmem:v57+s19+$0x0], $0xffff  }
0x2fb: {  	v23 =	vor.u32 $0x9, v11;
	v8 =	vmul.f32 v8, v9;
	v17 =	vld.idx.msk [tilespmem:v17+s19+$0x0], $0xffff  }
0x2fc: {  	s16 =	simm.s32 $0x20;
	v59 =	vor.u32 $0xB, v11;
	v24 =	vld.idx.msk [tilespmem:v19+s19+$0x0], $0xffff  }
0x2fd: {  	v49 =	vor.u32 s16, v61;
	v60 =	vor.u32 $0xE, v11;
	v43 =	vld.idx.msk [tilespmem:v20+s19+$0x0], $0xffff;
	v8 =	vsub.f32 $1.500000000e+00, v8  }
0x2fe: {  	v62 =	vshll.u32 v49, $0x3;
	v44 =	vld.idx.msk [tilespmem:v21+s19+$0x0], $0xffff  }
0x2ff: {  	v1 =	vor.u32 $0x4, v5;
	v46 =	vld.idx.msk [tilespmem:v58+s19+$0x0], $0xffff;
	v8 =	vmul.f32 v8, v9  }
0x300: {  	v19 =	vor.u32 $0xA, v11;
	v47 =	vld.idx.msk [tilespmem:v23+s19+$0x0], $0xffff  }
0x301: {  	v20 =	vor.u32 $0xC, v11;
	v50 =	vld.idx.msk [tilespmem:v59+s19+$0x0], $0xffff;
	v7 =	vmul.f32 v8, v7  }
0x302: {  	v53 =	vld.idx.msk [tilespmem:v60+s19+$0x0], $0xffff;
	v8 =	vor.u32 $0xD, v11  }
0x303: {  	v21 =	vld.idx.msk [tilespmem:v62+s29+$0x0], $0xffff;
	v11 =	vor.u32 $0xF, v11;
	v7 =	vmul.f32 v7, v29  }
0x304: {  	v16 =	vmul.f32 v16, v18;
	v18 =	vld.idx.msk [tilespmem:v1+s30+$0x0], $0xffff  }
0x305: {  	v48 =	vld.idx.msk [tilespmem:v19+s19+$0x0], $0xffff;
	v19 =	vor.u32 $0x1, v62;
	v7 =	vtrunc.f32 v7  }
0x306: {  	v51 =	vld.idx.msk [tilespmem:v20+s19+$0x0], $0xffff;
	v7 =	vcvt.f32.s32 v7  }
0x307: {  	v60 =	vor.u32 $0x2, v5;
	v52 =	vld.idx.msk [tilespmem:v8+s19+$0x0], $0xffff  }
0x308: {  	v55 =	vld.idx.msk [tilespmem:v11+s19+$0x0], $0xffff;
	v8 =	vor.u32 $0x2, v62;
	vm15 =	vlt.s32 v7, $0x1FF  }
0x309: {  	v11 =	vld.idx.msk [tilespmem:v62+s28+$0x0], $0xffff;
	v7 =	vnsel vm15, $0x1FF, v7  }
0x30a: {  	v29 =	vor.u32 $0x5, v5;
	v20 =	vld.idx.msk [tilespmem:v19+s28+$0x0], $0xffff;
	v7 =	vshll.u32 v7, $0x4  }
0x30b: {  	v19 =	vld.idx.msk [tilespmem:v19+s29+$0x0], $0xffff;
	v23 =	vor.u32 $0x3, v7  }
0x30c: {  	v62 =	vld.idx.msk [tilespmem:v60+s30+$0x0], $0xffff;
	v63 =	vor.u32 $0x1, v7  }
0x30d: {  	v36 =	vor.u32 $0x2, v7;
	v30 =	vld.idx.msk [tilespmem:v8+s29+$0x0], $0xffff  }
0x30e: {  	v54 =	vld.idx.msk [tilespmem:v8+s28+$0x0], $0xffff;
	v8 =	vor.u32 $0x5, v7  }
0x30f: {  	v3 =	vld.idx.msk [tilespmem:v29+s30+$0x0], $0xffff;
	v34 =	vor.u32 $0x4, v7  }
0x310: {  	v31 =	vld.idx.msk [tilespmem:v23+s19+$0x0], $0xffff;
	v23 =	vor.u32 $0x8, v7  }
0x311: {  	v40 =	vor.u32 $0x9, v7;
	v56 =	vld.idx.msk [tilespmem:v63+s19+$0x0], $0xffff  }
0x312: {  	v37 =	vor.u32 $0x6, v7;
	v57 =	vld.idx.msk [tilespmem:v36+s19+$0x0], $0xffff  }
0x313: {  	v59 =	vld.idx.msk [tilespmem:v8+s19+$0x0], $0xffff;
	v8 =	vor.u32 $0xA, v7  }
0x314: {  	v38 =	vor.u32 $0x7, v7;
	v33 =	vld.idx.msk [tilespmem:v34+s19+$0x0], $0xffff  }
0x315: {  	v36 =	vld.idx.msk [tilespmem:v23+s19+$0x0], $0xffff;
	v23 =	vor.u32 $0x3, v5  }
0x316: {  	v34 =	vld.idx.msk [tilespmem:v40+s19+$0x0], $0xffff;
	v40 =	vor.u32 $0xB, v7  }
0x317: {  	v2 =	vshll.u32 v2, $0x4;
	v58 =	vld.idx.msk [tilespmem:v37+s19+$0x0], $0xffff;
	v37 =	vor.u32 $0xC, v7  }
0x318: {  	v35 =	vld.idx.msk [tilespmem:v8+s19+$0x0], $0xffff;
	v8 =	vor.u32 $0xF, v2  }
0x319: {  	v13 =	vmul.f32 v15, v13;
	v63 =	vld.idx.msk [tilespmem:v38+s19+$0x0], $0xffff  }
0x31a: {  	v0 =	vld.idx.msk [tilespmem:v23+s30+$0x0], $0xffff;
	[tilespmem:v5+s9+$0x0] =	vst.idx.msk $0xffff, v16  }
0x31b: {  	v40 =	vld.idx.msk [tilespmem:v40+s19+$0x0], $0xffff;
	[tilespmem:v10+s9+$0x0] =	vst.idx.msk $0xffff, v13  }
0x31c: {  	v37 =	vld.idx.msk [tilespmem:v37+s19+$0x0], $0xffff;
	[tilespmem:$0x1FC20] =	vst v8  }
0x31d: {  	v8 =	vld.idx.msk [tilespmem:v8+s30+$0x0], $0xffff;
	_ =	sdelay $0x2  }
0x31e: {  	v38 =	vor.u32 $0xE, v2  }
0x31f: {  	v5 =	vmul.f32 v62, v14  }
0x320: {  	[tilespmem:$0x1FC30] =	vst v8  }
0x321: {  	[tilespmem:v60+s9+$0x0] =	vst.idx.msk $0xffff, v5  }
0x322: {  	[tilespmem:$0x1FC40] =	vst v38  }
0x323: {  	v8 =	vld.idx.msk [tilespmem:v38+s30+$0x0], $0xffff  }
0x324: {  	v15 =	vor.u32 $0xD, v2;
	_ =	sdelay $0x2  }
0x325: {  	[tilespmem:$0x1FC60] =	vst v15  }
0x326: {  	[tilespmem:$0x1FC50] =	vst v8  }
0x327: {  	v8 =	vld.idx.msk [tilespmem:v15+s30+$0x0], $0xffff  }
0x328: {  	v9 =	vor.u32 $0xC, v2;
	_ =	sdelay $0x2  }
0x329: {  	[tilespmem:$0x1FC80] =	vst v9  }
0x32a: {  	[tilespmem:$0x1FC70] =	vst v8  }
0x32b: {  	v8 =	vld.idx.msk [tilespmem:v9+s30+$0x0], $0xffff;
	_ =	sdelay $0x1  }
0x32c: {  	v12 =	vor.u32 $0xB, v2  }
0x32d: {  	v11 =	vsub.f32 v11, v21;
	v13 =	vsub.f32 v20, v19  }
0x32e: {  	v10 =	vor.u32 $0xA, v2;
	v0 =	vmul.f32 v0, v22;
	[tilespmem:$0x1FCA0] =	vst v12  }
0x32f: {  	v20 =	vmul.f32 v11, v11;
	v21 =	vmul.f32 v13, v13;
	[tilespmem:$0x1FC90] =	vst v8  }
0x330: {  	v5 =	vsub.f32 v54, v30;
	v30 =	vmul.f32 v18, v17;
	[tilespmem:v23+s9+$0x0] =	vst.idx.msk $0xffff, v0  }
0x331: {  	v20 =	vadd.f32 v21, v20;
	v21 =	vld.idx.msk [tilespmem:v12+s30+$0x0], $0xffff;
	[tilespmem:$0x1FCB0] =	vst v10  }
0x332: {  	v62 =	vor.u32 $0x9, v2;
	v0 =	vmul.f32 v3, v24;
	[tilespmem:v1+s9+$0x0] =	vst.idx.msk $0xffff, v30  }
0x333: {  	v24 =	vld.idx.msk [tilespmem:v10+s30+$0x0], $0xffff;
	[tilespmem:$0x1FCC0] =	vst v62  }
0x334: {  	[tilespmem:v29+s9+$0x0] =	vst.idx.msk $0xffff, v0;
	v0 =	vmul.f32 v6, v43  }
0x335: {  	v3 =	vmul.f32 v26, v44  }
0x336: {  	v13 =	vor.u32 $0x8, v2;
	[tilespmem:v25+s9+$0x0] =	vst.idx.msk $0xffff, v0  }
0x337: {  	v5 =	vmul.f32 v5, v5;
	v8 =	vor.u32 $0x6, v2;
	[tilespmem:v39+s9+$0x0] =	vst.idx.msk $0xffff, v3  }
0x338: {  	v0 =	vld [tilespmem:$0x1FCD0]  }
0x339: {  	v1 =	vadd.f32 v5, v20  }
0x33a: {  	v15 =	vor.u32 $0x5, v2;
	v20 =	vld.idx.msk [tilespmem:v62+s30+$0x0], $0xffff  }
0x33b: {  	v4 =	vmul.f32 v4, v46;
	v22 =	vor.u32 $0x4, v2;
	v23 =	vld.idx.msk [tilespmem:v13+s30+$0x0], $0xffff;
	v54 =	vadd.f32 $9.999999960e-13, v1  }
0x33c: {  	v5 =	vmul.f32 v27, v47;
	v38 =	vld.idx.msk [tilespmem:v8+s30+$0x0], $0xffff  }
0x33d: {  	v25 =	vshrl.u32 v54, $0x1;
	v46 =	vmul.f32 $5.000000000e-01, v54;
	v27 =	vmul.f32 v0, v53;
	v0 =	vld [tilespmem:$0x1FCE0];
	[tilespmem:v32+s9+$0x0] =	vst.idx.msk $0xffff, v4  }
0x33e: {  	v47 =	vsub.s32 $0x5F3759DF, v25;
	v1 =	vld [tilespmem:$0x1FCF0]  }
0x33f: {  	v6 =	vor.u32 $0x1, v2;
	v43 =	vld.idx.msk [tilespmem:v15+s30+$0x0], $0xffff;
	v25 =	vmul.f32 v47, v46  }
0x340: {  	v29 =	vld.idx.msk [tilespmem:v22+s30+$0x0], $0xffff  }
0x341: {  	v30 =	vor.u32 $0x2, v2;
	v60 =	vld.idx.msk [tilespmem:v2+s30+$0x0], $0xffff;
	v14 =	vmul.f32 v47, v25  }
0x342: {  	v18 =	vmov v8;
	v8 =	vor.u32 $0xD, v7;
	v12 =	vld.idx.msk [tilespmem:v7+s19+$0x0], $0xffff;
	v3 =	vmul.f32 v28, v48  }
0x343: {  	v39 =	vor.u32 $0x3, v2;
	v51 =	vmul.f32 v1, v51;
	v1 =	vld [tilespmem:$0x1FD00];
	[tilespmem:v41+s9+$0x0] =	vst.idx.msk $0xffff, v5;
	v5 =	vsub.f32 $1.500000000e+00, v14  }
0x344: {  	v26 =	vor.u32 $0x7, v2;
	v28 =	vmul.f32 v0, v55;
	v0 =	vld.idx.msk [tilespmem:v6+s30+$0x0], $0xffff;
	[tilespmem:v45+s9+$0x0] =	vst.idx.msk $0xffff, v3  }
0x345: {  	v19 =	vmovc v15;
	v62 =	vmovc v13;
	v13 =	vor.u32 $0xE, v7;
	v15 =	vor.u32 $0xF, v7;
	v7 =	vmul.f32 v47, v5;
	v5 =	vld [tilespmem:$0x1FD10]  }
0x346: {  	v44 =	vld.idx.msk [tilespmem:v30+s30+$0x0], $0xffff  }
0x347: {  	v33 =	vmul.f32 v29, v33;
	v29 =	vld.idx.msk [tilespmem:v8+s19+$0x0], $0xffff  }
0x348: {  	v48 =	vmul.f32 v42, v50;
	v50 =	vld.idx.msk [tilespmem:v39+s30+$0x0], $0xffff  }
0x349: {  	v3 =	vmul.f32 v60, v12;
	v4 =	vmul.f32 v1, v52;
	v1 =	vld.idx.msk [tilespmem:v26+s30+$0x0], $0xffff  }
0x34a: {  	v32 =	vmul.f32 v43, v59;
	v59 =	vld.idx.msk [tilespmem:v15+s19+$0x0], $0xffff;
	v0 =	vmul.f32 v0, v56  }
0x34b: {  	v60 =	vld.idx.msk [tilespmem:v13+s19+$0x0], $0xffff;
	[tilespmem:v2+s9+$0x0] =	vst.idx.msk $0xffff, v3  }
0x34c: {  	[tilespmem:v6+s9+$0x0] =	vst.idx.msk $0xffff, v0  }
0x34d: {  	[tilespmem:v5+s9+$0x0] =	vst.idx.msk $0xffff, v48  }
0x34e: {  	v25 =	vshll.u32 v49, $0x4;
	v41 =	vmul.f32 v1, v63;
	v1 =	vld [tilespmem:$0x1FD20]  }
0x34f: {  	v42 =	vor.u32 $0xF, v25  }
0x350: {  	v57 =	vmul.f32 v44, v57;
	v44 =	vor.u32 $0xE, v25  }
0x351: {  	v43 =	vor.u32 $0xD, v25;
	_ =	sdelay $0x2  }
0x352: {  	v38 =	vmul.f32 v38, v58;
	v49 =	vor.u32 $0xB, v25;
	v47 =	vld.idx.msk [tilespmem:v42+s30+$0x0], $0xffff;
	v5 =	vmul.f32 v7, v46  }
0x353: {  	v53 =	vor.u32 $0x9, v25;
	v55 =	vor.u32 $0x8, v25;
	v56 =	vor.u32 $0x7, v25;
	v48 =	vld.idx.msk [tilespmem:v44+s30+$0x0], $0xffff  }
0x354: {  	s12 =	simm.s32 $0x30;
	v52 =	vor.u32 $0xA, v25;
	v46 =	vor.u32 $0xC, v25;
	v0 =	vmul.f32 v5, v7;
	[tilespmem:v1+s9+$0x0] =	vst.idx.msk $0xffff, v51;
	v51 =	vld.idx.msk [tilespmem:v43+s30+$0x0], $0xffff  }
.LBB2_12:
0x355: {  	v1 =	vld [tilespmem:$0x1FC10];
	_ =	sdelay $0x6  }
0x356: {  	v63 =	vld.idx.msk [tilespmem:v46+s30+$0x0], $0xffff  }
0x357: {  	[tilespmem:v1+s9+$0x0] =	vst.idx.msk $0xffff, v4;
	v1 =	vsub.f32 $1.500000000e+00, v0;
	v0 =	vld [tilespmem:$0x1FC00];
	_ =	sdelay $0x1  }
0x358: {  	v3 =	vld [tilespmem:$0x1FBF0];
	_ =	sdelay $0x5  }
0x359: {  	v6 =	vmul.f32 v50, v31;
	v31 =	vld.idx.msk [tilespmem:v49+s30+$0x0], $0xffff;
	[tilespmem:v0+s9+$0x0] =	vst.idx.msk $0xffff, v27  }
0x35a: {  	v58 =	vld.idx.msk [tilespmem:v52+s30+$0x0], $0xffff  }
0x35b: {  	[tilespmem:v3+s9+$0x0] =	vst.idx.msk $0xffff, v28;
	v3 =	vld [tilespmem:$0x1FCA0];
	_ =	sdelay $0x4  }
0x35c: {  	v9 =	vld [tilespmem:$0x1FC20];
	v8 =	vmov v3  }
0x35d: {  	[tilespmem:$0x1FBC0] =	vst v8;
	v8 =	vld [tilespmem:$0x1FC50];
	_ =	sdelay $0x3  }
0x35e: {  	v0 =	vmul.f32 v20, v34  }
0x35f: {  	v20 =	vld.idx.msk [tilespmem:v53+s30+$0x0], $0xffff;
	[tilespmem:v30+s9+$0x0] =	vst.idx.msk $0xffff, v57;
	v27 =	vmul.f32 v8, v60;
	v8 =	vmov v9  }
0x360: {  	[tilespmem:$0x1FBF0] =	vst v8;
	v8 =	vld.idx.msk [tilespmem:v56+s30+$0x0], $0xffff;
	_ =	sdelay $0x4  }
0x361: {  	[tilespmem:$0x1FBD0] =	vst v8;
	v8 =	vld [tilespmem:$0x1FC30];
	_ =	sdelay $0x4  }
0x362: {  	v28 =	vmul.f32 v8, v59;
	v8 =	vmov v42  }
0x363: {  	[tilespmem:$0x1FC20] =	vst v8;
	v8 =	vld [tilespmem:$0x1FC90];
	_ =	sdelay $0x4  }
0x364: {  	v13 =	vmov v63;
	v63 =	vld [tilespmem:$0x1FC40];
	v14 =	vmul.f32 v8, v37;
	v8 =	vmov v44  }
0x365: {  	[tilespmem:$0x1FC40] =	vst v8;
	v8 =	vld [tilespmem:$0x1FC80];
	_ =	sdelay $0x2  }
0x366: {  	v5 =	vor.u32 s12, v61  }
0x367: {  	v4 =	vshll.u32 v5, $0x3  }
0x368: {  	v9 =	vmov v63;
	v63 =	vmov v8;
	v8 =	vld [tilespmem:$0x1FFF0]  }
0x369: {  	v7 =	vmul.f32 v1, v7  }
0x36a: {  	v30 =	vor.u32 $0x2, v4  }
0x36b: {  	v2 =	vmul.f32 v23, v36;
	v7 =	vmul.f32 v7, v54;
	v23 =	vld.idx.msk [tilespmem:v55+s30+$0x0], $0xffff  }
0x36c: {  	v12 =	vmov v46;
	v34 =	vld.idx.msk [tilespmem:v4+s28+$0x0], $0xffff  }
0x36d: {  	v36 =	vor.u32 $0x1, v4;
	[tilespmem:$0x1FC80] =	vst v12;
	v12 =	vld [tilespmem:$0x1FC60];
	v7 =	vmul.f32 v7, v8;
	v8 =	vmov v43  }
0x36e: {  	[tilespmem:$0x1FC60] =	vst v8;
	v8 =	vld [tilespmem:$0x1FCB0]  }
0x36f: {  	v15 =	vld.idx.msk [tilespmem:v30+s29+$0x0], $0xffff  }
0x370: {  	v57 =	vld.idx.msk [tilespmem:v30+s28+$0x0], $0xffff;
	v30 =	vor.u32 $0x2, v25  }
0x371: {  	v1 =	vmul.f32 v21, v40;
	v4 =	vld.idx.msk [tilespmem:v4+s29+$0x0], $0xffff  }
0x372: {  	v40 =	vor.u32 $0x5, v25;
	v21 =	vmovc v31;
	v31 =	vld.idx.msk [tilespmem:v36+s29+$0x0], $0xffff;
	v3 =	vmul.f32 v24, v35;
	v7 =	vtrunc.f32 v7  }
0x373: {  	v35 =	vld.idx.msk [tilespmem:v36+s28+$0x0], $0xffff;
	[tilespmem:$0x1FBE0] =	vst v14;
	v14 =	vmovc v53;
	v53 =	vor.u32 $0x3, v25;
	v7 =	vcvt.f32.s32 v7;
	v59 =	vmovc v8;
	v8 =	vmov v47  }
0x374: {  	v42 =	vor.u32 $0x4, v25;
	[tilespmem:$0x1FC30] =	vst v8;
	v8 =	vld [tilespmem:$0x1FCC0]  }
0x375: {  	v10 =	vmov v49;
	v49 =	vld.idx.msk [tilespmem:v30+s30+$0x0], $0xffff;
	vm0 =	vlt.s32 v7, $0x1FF  }
0x376: {  	v60 =	vld.idx.msk [tilespmem:v25+s30+$0x0], $0xffff;
	v37 =	vor.u32 $0x6, v25;
	v7 =	vnsel vm0, $0x1FF, v7  }
0x377: {  	v24 =	vmov v58;
	[tilespmem:$0x1FC90] =	vst v13;
	v13 =	vmov v52;
	v52 =	vld.idx.msk [tilespmem:v40+s30+$0x0], $0xffff;
	v7 =	vshll.u32 v7, $0x4  }
0x378: {  	v4 =	vsub.f32 v34, v4;
	v31 =	vsub.f32 v35, v31;
	v11 =	vmovc v12;
	v50 =	vld.idx.msk [tilespmem:v53+s30+$0x0], $0xffff;
	v58 =	vor.u32 $0x1, v7  }
0x379: {  	v43 =	vmovc v62;
	v62 =	vmovc v55;
	v55 =	vld.idx.msk [tilespmem:v42+s30+$0x0], $0xffff;
	[tilespmem:$0x1FCB0] =	vst v13;
	v12 =	vor.u32 $0x2, v7;
	v47 =	vmov v8;
	v8 =	vmov v48  }
0x37a: {  	v4 =	vmul.f32 v4, v4;
	v13 =	vor.u32 $0x3, v7;
	[tilespmem:$0x1FC50] =	vst v8;
	v8 =	vld [tilespmem:$0x1FC70]  }
0x37b: {  	v36 =	vsub.f32 v57, v15;
	v31 =	vmul.f32 v31, v31;
	[tilespmem:$0x1FCC0] =	vst v14;
	v14 =	vor.u32 $0x4, v7;
	v48 =	vld.idx.msk [tilespmem:v37+s30+$0x0], $0xffff  }
0x37c: {  	[tilespmem:$0x1FC00] =	vst v9;
	v15 =	vor.u32 $0x5, v7;
	v9 =	vld.idx.msk [tilespmem:v7+s19+$0x0], $0xffff  }
0x37d: {  	v4 =	vadd.f32 v31, v4;
	v31 =	vmul.f32 v36, v36;
	[tilespmem:$0x1FC10] =	vst v11;
	v34 =	vor.u32 $0x6, v7;
	v11 =	vld.idx.msk [tilespmem:v58+s19+$0x0], $0xffff  }
0x37e: {  	v61 =	vor.u32 $0x7, v7;
	v35 =	vld.idx.msk [tilespmem:v12+s19+$0x0], $0xffff  }
0x37f: {  	v4 =	vadd.f32 v31, v4;
	v31 =	vld.idx.msk [tilespmem:v13+s19+$0x0], $0xffff;
	v46 =	vmovc v8;
	v8 =	vmov v51;
	v51 =	vor.u32 $0x1, v25  }
0x380: {  	[tilespmem:$0x1FCA0] =	vst v10;
	v57 =	vor.u32 $0x8, v7;
	v10 =	vld.idx.msk [tilespmem:v14+s19+$0x0], $0xffff  }
0x381: {  	v44 =	vor.u32 $0x9, v7;
	v12 =	vld.idx.msk [tilespmem:v15+s19+$0x0], $0xffff  }
0x382: {  	v54 =	vadd.f32 $9.999999960e-13, v4;
	v13 =	vor.u32 $0xA, v7;
	v15 =	vld.idx.msk [tilespmem:v34+s19+$0x0], $0xffff  }
0x383: {  	v16 =	vor.u32 $0xB, v7;
	v58 =	vld.idx.msk [tilespmem:v61+s19+$0x0], $0xffff;
	[tilespmem:$0x1FC70] =	vst v8  }
0x384: {  	v4 =	vshrl.u32 v54, $0x1;
	v61 =	vor.u32 $0xC, v7;
	v8 =	vld.idx.msk [tilespmem:v51+s30+$0x0], $0xffff;
	[tilespmem:v39+s9+$0x0] =	vst.idx.msk $0xffff, v6  }
0x385: {  	v17 =	vsub.s32 $0x5F3759DF, v4;
	v4 =	vmul.f32 v46, v29;
	v29 =	vor.u32 $0xD, v7;
	v36 =	vld.idx.msk [tilespmem:v57+s19+$0x0], $0xffff;
	[tilespmem:v22+s9+$0x0] =	vst.idx.msk $0xffff, v33  }
0x386: {  	v39 =	vor.u32 $0xE, v7;
	v34 =	vld.idx.msk [tilespmem:v44+s19+$0x0], $0xffff;
	[tilespmem:v19+s9+$0x0] =	vst.idx.msk $0xffff, v32  }
0x387: {  	v57 =	vmul.f32 v49, v35;
	v35 =	vld.idx.msk [tilespmem:v13+s19+$0x0], $0xffff;
	[tilespmem:v18+s9+$0x0] =	vst.idx.msk $0xffff, v38  }
0x388: {  	v19 =	vmov v40;
	v40 =	vld.idx.msk [tilespmem:v16+s19+$0x0], $0xffff;
	[tilespmem:v26+s9+$0x0] =	vst.idx.msk $0xffff, v41  }
0x389: {  	v18 =	vmov v37;
	v37 =	vld.idx.msk [tilespmem:v61+s19+$0x0], $0xffff;
	[tilespmem:v43+s9+$0x0] =	vst.idx.msk $0xffff, v2  }
0x38a: {  	v29 =	vld.idx.msk [tilespmem:v29+s19+$0x0], $0xffff;
	[tilespmem:v47+s9+$0x0] =	vst.idx.msk $0xffff, v0  }
0x38b: {  	v0 =	vmul.f32 v60, v9;
	v60 =	vld.idx.msk [tilespmem:v39+s19+$0x0], $0xffff  }
0x38c: {  	[tilespmem:v59+s9+$0x0] =	vst.idx.msk $0xffff, v3;
	v3 =	vld [tilespmem:$0x1FBC0];
	_ =	sdelay $0x2  }
0x38d: {  	v5 =	vshll.u32 v5, $0x4;
	v14 =	vmul.f32 $5.000000000e-01, v54;
	v13 =	vor.u32 $0xF, v7  }
0x38e: {  	v22 =	vmov v42;
	v42 =	vor.u32 $0xF, v5  }
0x38f: {  	v6 =	vmul.f32 v17, v14;
	_ =	sdelay $0x1  }
0x390: {  	v6 =	vmul.f32 v17, v6  }
0x391: {  	v59 =	vld.idx.msk [tilespmem:v13+s19+$0x0], $0xffff;
	[tilespmem:v3+s9+$0x0] =	vst.idx.msk $0xffff, v1  }
0x392: {  	v6 =	vsub.f32 $1.500000000e+00, v6;
	v47 =	vld.idx.msk [tilespmem:v42+s30+$0x0], $0xffff  }
0x393: {  	[tilespmem:v25+s9+$0x0] =	vst.idx.msk $0xffff, v0;
	v0 =	vld [tilespmem:$0x1FBD0]  }
0x394: {  	v7 =	vmul.f32 v17, v6;
	_ =	sdelay $0x1  }
0x395: {  	v1 =	vmul.f32 v7, v14  }
0x396: {  	v44 =	vor.u32 $0xE, v5  }
0x397: {  	p0 =	sne.s32 s12, $0x90;
	v43 =	vor.u32 $0xD, v5;
	v41 =	vmul.f32 v0, v58;
	v0 =	vmul.f32 v1, v7;
	v1 =	vld [tilespmem:$0x1FBE0]  }
.Ltmp5:
0x398: {  	_ = 	snop;
	(pc) =	sbr.rel @p0 .LBB2_12-.Ltmp5, $4  }
0x399: {  	v45 =	vmovc v56;
	v56 =	vor.u32 $0x7, v5;
	v46 =	vor.u32 $0xC, v5;
	v2 =	vmul.f32 v8, v11  }
0x39a: {  	v49 =	vor.u32 $0xB, v5;
	v33 =	vmul.f32 v55, v10;
	v32 =	vmul.f32 v52, v12  }
0x39b: {  	v52 =	vor.u32 $0xA, v5;
	v38 =	vmul.f32 v48, v15;
	v25 =	vmov v5;
	v48 =	vld.idx.msk [tilespmem:v44+s30+$0x0], $0xffff;
	[tilespmem:v51+s9+$0x0] =	vst.idx.msk $0xffff, v2  }
0x39c: {  	s12 =	sadd.s32 $0x10, s12;
	v26 =	vmovc v45;
	v61 =	vlaneseq.u32;
	v39 =	vmovc v53;
	v53 =	vor.u32 $0x9, v5;
	v55 =	vor.u32 $0x8, v25;
	v51 =	vld.idx.msk [tilespmem:v43+s30+$0x0], $0xffff;
	[tilespmem:v63+s9+$0x0] =	vst.idx.msk $0xffff, v1  }
0x39d: {  	v63 =	vld [tilespmem:$0x1FC10];
	_ =	sdelay $0x7  }
0x39e: {  	v1 =	vld [tilespmem:$0x1FFF0];
	[tilespmem:v63+s9+$0x0] =	vst.idx.msk $0xffff, v4  }
0x39f: {  	v63 =	vld [tilespmem:$0x1FC00];
	_ =	sdelay $0x6  }
0x3a0: {  	v0 =	vsub.f32 $1.500000000e+00, v0  }
0x3a1: {  	[tilespmem:v63+s9+$0x0] =	vst.idx.msk $0xffff, v27  }
0x3a2: {  	v0 =	vmul.f32 v0, v7;
	v63 =	vld [tilespmem:$0x1FBF0];
	_ =	sdelay $0x1  }
0x3a3: {  	v0 =	vmul.f32 v0, v54;
	_ =	sdelay $0x1  }
0x3a4: {  	v0 =	vmul.f32 v0, v1;
	_ =	sdelay $0x1  }
0x3a5: {  	v0 =	vtrunc.f32 v0  }
0x3a6: {  	v0 =	vcvt.f32.s32 v0  }
0x3a7: {  	[tilespmem:v63+s9+$0x0] =	vst.idx.msk $0xffff, v28;
	v63 =	vmul.f32 v50, v31  }
0x3a8: {  	vm0 =	vlt.s32 v0, $0x1FF;
	[tilespmem:v30+s9+$0x0] =	vst.idx.msk $0xffff, v57  }
0x3a9: {  	v14 =	vld.idx.msk [tilespmem:v46+s30+$0x0], $0xffff;
	v45 =	vor.u32 $0x5, v25;
	v0 =	vnsel vm0, $0x1FF, v0;
	[tilespmem:v39+s9+$0x0] =	vst.idx.msk $0xffff, v63  }
0x3aa: {  	v15 =	vld.idx.msk [tilespmem:v49+s30+$0x0], $0xffff;
	v0 =	vshll.u32 v0, $0x4;
	[tilespmem:v22+s9+$0x0] =	vst.idx.msk $0xffff, v33  }
0x3ab: {  	v17 =	vld.idx.msk [tilespmem:v52+s30+$0x0], $0xffff;
	v54 =	vor.u32 $0x1, v0;
	[tilespmem:v19+s9+$0x0] =	vst.idx.msk $0xffff, v32  }
0x3ac: {  	v23 =	vmul.f32 v23, v36;
	v4 =	vld.idx.msk [tilespmem:v55+s30+$0x0], $0xffff;
	v2 =	vor.u32 $0x2, v0;
	[tilespmem:v18+s9+$0x0] =	vst.idx.msk $0xffff, v38  }
0x3ad: {  	v3 =	vor.u32 $0x3, v0;
	v27 =	vld.idx.msk [tilespmem:v56+s30+$0x0], $0xffff;
	[tilespmem:v26+s9+$0x0] =	vst.idx.msk $0xffff, v41  }
0x3ae: {  	v5 =	vor.u32 $0x4, v0;
	v57 =	vld.idx.msk [tilespmem:v45+s30+$0x0], $0xffff;
	[tilespmem:v62+s9+$0x0] =	vst.idx.msk $0xffff, v23  }
0x3af: {  	v6 =	vor.u32 $0x5, v0;
	v38 =	vld [tilespmem:$0x1FCC0]  }
0x3b0: {  	v58 =	vor.u32 $0x6, v0;
	v1 =	vld.idx.msk [tilespmem:v54+s19+$0x0], $0xffff  }
0x3b1: {  	v8 =	vor.u32 $0x7, v0;
	v2 =	vld.idx.msk [tilespmem:v2+s19+$0x0], $0xffff  }
0x3b2: {  	v9 =	vor.u32 $0x8, v0;
	v3 =	vld.idx.msk [tilespmem:v3+s19+$0x0], $0xffff  }
0x3b3: {  	v5 =	vld.idx.msk [tilespmem:v5+s19+$0x0], $0xffff  }
0x3b4: {  	v10 =	vor.u32 $0x9, v0;
	v6 =	vld.idx.msk [tilespmem:v6+s19+$0x0], $0xffff  }
0x3b5: {  	v20 =	vmul.f32 v20, v34;
	v11 =	vor.u32 $0xA, v0;
	v7 =	vld.idx.msk [tilespmem:v58+s19+$0x0], $0xffff  }
0x3b6: {  	v12 =	vor.u32 $0xB, v0;
	v8 =	vld.idx.msk [tilespmem:v8+s19+$0x0], $0xffff  }
0x3b7: {  	v13 =	vor.u32 $0xC, v0;
	v9 =	vld.idx.msk [tilespmem:v9+s19+$0x0], $0xffff;
	[tilespmem:v38+s9+$0x0] =	vst.idx.msk $0xffff, v20  }
0x3b8: {  	v19 =	vld [tilespmem:$0x1FCB0]  }
0x3b9: {  	v16 =	vor.u32 $0x6, v25;
	v10 =	vld.idx.msk [tilespmem:v10+s19+$0x0], $0xffff  }
0x3ba: {  	v11 =	vld.idx.msk [tilespmem:v11+s19+$0x0], $0xffff  }
0x3bb: {  	v12 =	vld.idx.msk [tilespmem:v12+s19+$0x0], $0xffff  }
0x3bc: {  	v13 =	vld.idx.msk [tilespmem:v13+s19+$0x0], $0xffff  }
0x3bd: {  	v54 =	vld.idx.msk [tilespmem:v53+s30+$0x0], $0xffff;
	v58 =	vor.u32 $0x4, v25  }
0x3be: {  	v31 =	vor.u32 $0x1, v25;
	v50 =	vld.idx.msk [tilespmem:v16+s30+$0x0], $0xffff;
	v23 =	vmul.f32 v24, v35  }
0x3bf: {  	v30 =	vor.u32 $0x3, v25;
	v63 =	vld.idx.msk [tilespmem:v0+s19+$0x0], $0xffff  }
0x3c0: {  	v28 =	vor.u32 $0x2, v25;
	v22 =	vld.idx.msk [tilespmem:v25+s30+$0x0], $0xffff;
	[tilespmem:v19+s9+$0x0] =	vst.idx.msk $0xffff, v23  }
0x3c1: {  	v33 =	vor.u32 $0xD, v0;
	v23 =	vld [tilespmem:$0x1FCA0]  }
0x3c2: {  	v39 =	vld.idx.msk [tilespmem:v58+s30+$0x0], $0xffff;
	v32 =	vor.u32 $0xE, v0  }
0x3c3: {  	v0 =	vor.u32 $0xF, v0;
	v36 =	vld.idx.msk [tilespmem:v31+s30+$0x0], $0xffff  }
0x3c4: {  	v26 =	vld.idx.msk [tilespmem:v30+s30+$0x0], $0xffff  }
0x3c5: {  	v24 =	vld.idx.msk [tilespmem:v28+s30+$0x0], $0xffff  }
0x3c6: {  	v62 =	vld.idx.msk [tilespmem:v33+s19+$0x0], $0xffff;
	v34 =	vmul.f32 v22, v63  }
0x3c7: {  	v41 =	vmul.f32 v21, v40;
	v35 =	vld.idx.msk [tilespmem:v32+s19+$0x0], $0xffff  }
0x3c8: {  	v0 =	vld.idx.msk [tilespmem:v0+s19+$0x0], $0xffff;
	v1 =	vmul.f32 v36, v1;
	[tilespmem:v25+s9+$0x0] =	vst.idx.msk $0xffff, v34  }
0x3c9: {  	[tilespmem:v23+s9+$0x0] =	vst.idx.msk $0xffff, v41  }
0x3ca: {  	v18 =	vld [tilespmem:$0x1FC90];
	[tilespmem:v31+s9+$0x0] =	vst.idx.msk $0xffff, v1  }
0x3cb: {  	v20 =	vld [tilespmem:$0x1FC80];
	_ =	sdelay $0x5  }
0x3cc: {  	v18 =	vmul.f32 v18, v37;
	_ =	sdelay $0x1  }
0x3cd: {  	v1 =	vld [tilespmem:$0x1FC70];
	[tilespmem:v20+s9+$0x0] =	vst.idx.msk $0xffff, v18  }
0x3ce: {  	v19 =	vld [tilespmem:$0x1FC60];
	_ =	sdelay $0x5  }
0x3cf: {  	v1 =	vmul.f32 v1, v29;
	_ =	sdelay $0x1  }
0x3d0: {  	v18 =	vld [tilespmem:$0x1FC50];
	[tilespmem:v19+s9+$0x0] =	vst.idx.msk $0xffff, v1  }
0x3d1: {  	v19 =	vld [tilespmem:$0x1FC40];
	_ =	sdelay $0x5  }
0x3d2: {  	v18 =	vmul.f32 v18, v60  }
0x3d3: {  	v2 =	vmul.f32 v24, v2  }
0x3d4: {  	v38 =	vmul.f32 v26, v3;
	v1 =	vld [tilespmem:$0x1FC30];
	[tilespmem:v19+s9+$0x0] =	vst.idx.msk $0xffff, v18  }
0x3d5: {  	v39 =	vmul.f32 v39, v5;
	v18 =	vld [tilespmem:$0x1FC20];
	[tilespmem:v28+s9+$0x0] =	vst.idx.msk $0xffff, v2  }
0x3d6: {  	v40 =	vmul.f32 v57, v6;
	[tilespmem:v30+s9+$0x0] =	vst.idx.msk $0xffff, v38  }
0x3d7: {  	v41 =	vmul.f32 v50, v7;
	[tilespmem:v58+s9+$0x0] =	vst.idx.msk $0xffff, v39  }
0x3d8: {  	[tilespmem:v45+s9+$0x0] =	vst.idx.msk $0xffff, v40;
	v45 =	vmul.f32 v27, v8  }
0x3d9: {  	v50 =	vmul.f32 v4, v9;
	[tilespmem:v16+s9+$0x0] =	vst.idx.msk $0xffff, v41  }
0x3da: {  	v57 =	vmul.f32 v54, v10;
	[tilespmem:v56+s9+$0x0] =	vst.idx.msk $0xffff, v45  }
0x3db: {  	v1 =	vmul.f32 v1, v59;
	[tilespmem:v55+s9+$0x0] =	vst.idx.msk $0xffff, v50  }
0x3dc: {  	v58 =	vmul.f32 v17, v11;
	[tilespmem:v53+s9+$0x0] =	vst.idx.msk $0xffff, v57  }
0x3dd: {  	v59 =	vmul.f32 v15, v12;
	[tilespmem:v18+s9+$0x0] =	vst.idx.msk $0xffff, v1  }
0x3de: {  	v60 =	vmul.f32 v14, v13;
	[tilespmem:v52+s9+$0x0] =	vst.idx.msk $0xffff, v58  }
0x3df: {  	v62 =	vmul.f32 v51, v62;
	[tilespmem:v49+s9+$0x0] =	vst.idx.msk $0xffff, v59  }
0x3e0: {  	v63 =	vmul.f32 v48, v35;
	[tilespmem:v46+s9+$0x0] =	vst.idx.msk $0xffff, v60  }
0x3e1: {  	v0 =	vmul.f32 v47, v0;
	[tilespmem:v43+s9+$0x0] =	vst.idx.msk $0xffff, v62  }
0x3e2: {  	[tilespmem:v44+s9+$0x0] =	vst.idx.msk $0xffff, v63  }
0x3e3: {  	[tilespmem:v42+s9+$0x0] =	vst.idx.msk $0xffff, v0  }
0x3e4: {  	[spmem:s2] =	stream.indirect.scatter.add.f32 [tilespmem:s9], [sflag:$0x5], $0x10, s23, s24, $0xb8;
	[tilespmem:$0x1EAD0] =	vst v63  }
0x3e5: {  	_ =	swait.ge [sflag:s20], $0xA00  }
0x3e6: {  	[sflag:s20] =	ssyncset.done $0x0  }
0x3e7: {  	[sflag:s20] =	ssyncadd.s32 $0xFFFFF600  }
0x3e8: {  	[bflag:$0x0] =	sbarrier.arrive $0xFFFF  }
0x3e9: {  	[tilespmem:s22], [sflag:$0x5] =	stream.linear.gather [spmem:s17], $0xFA0, $0x38;
	[tilespmem:$0x1EAD0] =	vst v63  }
0x3ea: {  	_ =	swait.ge [sflag:s20], $0xFA0  }
0x3eb: {  	[sflag:s20] =	ssyncset.done $0x0  }
0x3ec: {  	s11 =	sadd.s32 $0x0, s18;
	[sflag:s20] =	ssyncadd.s32 $0xFFFFF060  }
0x3ed: {  	[hbm4b:s11+s4] =	stream.linear.scatter [tilespmem:s22], [sflag:$0x5], $0xFA0, $0x38;
	[tilespmem:$0x1EAD0] =	vst v63  }
0x3ee: {  	_ =	swait.ge [sflag:s20], $0xFA0  }
0x3ef: {  	s12 =	simm.s32 $0x1F4;
	s13 =	smov.u32 s17;
	[sflag:s20] =	ssyncset.done $0x0  }
.LBB2_14:
0x3f0: {  	p0 =	sne.s32 s12, $0x2EE0;
	[sflag:s20] =	ssyncadd.s32 $0xFFFFF060;
	s13 =	sadd.s32 $0xFA0, s13  }
0x3f1: {  	[tilespmem:s22], [sflag:$0x5] =	stream.linear.gather [spmem:s13], $0xFA0, $0x38;
	[tilespmem:$0x1EAD0] =	vst v63  }
0x3f2: {  	s11 =	smov.u32 s12;
	s12 =	sadd.s32 $0x1F4, s12;
	_ =	swait.ge [sflag:s20], $0xFA0  }
.Ltmp6:
0x3f3: {  	[sflag:s20] =	ssyncset.done $0x0;
	(pc) =	sbr.rel @p0 .LBB2_14-.Ltmp6, $4  }
0x3f4: {  	s11 =	sadd.s32 s11, s18;
	[sflag:s20] =	ssyncadd.s32 $0xFFFFF060  }
0x3f5: {  	[hbm4b:s11+s4] =	stream.linear.scatter [tilespmem:s22], [sflag:$0x5], $0xFA0, $0x38;
	[tilespmem:$0x1EAD0] =	vst v63  }
0x3f6: {  	_ =	swait.ge [sflag:s20], $0xFA0  }
0x3f7: {  	[sflag:s20] =	ssyncset.done $0x0  }
0x3f8: {  	s12 =	rddreg [dreg:$0xa]  }
0x3f9: {  	s11 =	rddreg [dreg:$0x9];
	s12 =	sadd.s32 $0x1, s12  }
0x3fa: {  	p0 =	sne.s32 s12, s11  }
.Ltmp7:
0x3fb: {  	_ = 	snop;
	(pc) =	sbr.rel @p0 .LBB2_1-.Ltmp7, $2  }
0x3fc: {  	_ =	sdelay $0x2  }
0x3fd: {  	[sflag:s20] =	ssyncadd.s32 $0xFFFFF060;
	v0 =	vimm.f32 $0.0e+00  }
0x3fe: {  	_ =	sfence.sel $0x180000  }
0x3ff: {  	[bflag:$0x0] =	sbarrier.arrive $0xFFFF  }
0x400: {  	_ =	strace $0x90000047  }
0x401: {  	s0 =	stileid.u32;
	[bflag:$0x2] =	sbarrier.arrive $0xFFFF  }
0x402: {  	p0 =	sne.s32 s0, $0x0;
	s0 =	rddreg [dreg:$0x3]  }
0x403: {  	s0 =	sadd.s32 @!p0 $0x100000, s0  }
0x404: {  	[sflag:s0] =	ssyncadd.tile.s32 @!p0 $0x1;
	_ =	shalt  }
.Lfunc_end2:
_tile_overlayer_lowered:
.L_overlay_start_2:
0x405: {  	(tag) =	ssettag $0x2  }
0x406: {  	s0 =	rddreg [dreg:$0x0];
	s2 =	stileid.u32  }
0x407: {  	s1 =	rddreg [dreg:$0x1];
	p0 =	sne.s32 s2, $0x0  }
0x408: {  	s3 =	rddreg [dreg:$0x2];
	[bflag:$0x3] =	sbarrier.arrive $0xFFFF;
	s2 =	simm.s32 @!p0 $0x1C05  }
0x409: {  	[timem:s3], [sflag:s2] =	dma.local @!p0 [hbm:s0], s1  }
0x40a: {  	s0 =	simm.s32 @!p0 $0x5  }
0x40b: {  	_ =	swait.ge @!p0 [sflag:s0], s1  }
0x40c: {  	s1 =	ssub.s32 @!p0 $0x0, s1;
	[sflag:s0] =	ssyncset.done @!p0 $0x0  }
0x40d: {  	[sflag:s0] =	ssyncadd.s32 @!p0 s1  }
0x40e: {  	[bflag:$0x3] =	sbarrier.arrive $0xFFFF  }
0x40f: {  	_ =	shalt  }

</sc_bundles>
